<compile_context>
chip_gen: v7x
topology: tpu7x:2x2x1
jax: 0.10.2.dev20260603
libtpu: 0.0.44.dev20260713+nightly
codegen_flags: <defaults>
</compile_context>

<pallas_src>
import functools

import jax
import jax.numpy as jnp
from jax import lax
from jax.experimental import pallas as pl
from jax.experimental.pallas import tpu as pltpu
from jax.experimental.pallas import tpu_sc as plsc

N = 10000
E = 320000
C = 128
NPAD = 10240
NW = 32
K = 48
CHP = 210
EWP = CHP * K
EPAD = NW * EWP
NACC = 10240
ZR = NACC // NW
WB = NACC // 16


def _phase_a(xp, W, att_s, att_d):
    def body(x_ref, w_ref, s_ref, d_ref, xw_ref, asd_ref):
        xw = jnp.dot(x_ref[...], w_ref[...], preferred_element_type=jnp.float32)
        xw_ref[...] = xw
        s = jnp.sum(xw * s_ref[...], axis=1)
        d = jnp.sum(xw * d_ref[...], axis=1)
        asd_ref[...] = jnp.stack([s, d], axis=0)

    return pl.pallas_call(
        body,
        grid=(NPAD // 1024,),
        in_specs=[
            pl.BlockSpec((1024, C), lambda i: (i, 0)),
            pl.BlockSpec((C, C), lambda i: (0, 0)),
            pl.BlockSpec((1, C), lambda i: (0, 0)),
            pl.BlockSpec((1, C), lambda i: (0, 0)),
        ],
        out_specs=[
            pl.BlockSpec((1024, C), lambda i: (i, 0)),
            pl.BlockSpec((2, 1024), lambda i: (0, i)),
        ],
        out_shape=[
            jax.ShapeDtypeStruct((NPAD, C), jnp.float32),
            jax.ShapeDtypeStruct((2, NPAD), jnp.float32),
        ],
    )(xp, W, att_s, att_d)


def _edge_kernel(xw, asd, src_r, dst_r):
    mesh = plsc.VectorSubcoreMesh(core_axis_name="c", subcore_axis_name="s")

    @functools.partial(
        pl.kernel,
        mesh=mesh,
        out_type=[
            jax.ShapeDtypeStruct((2, NPAD, C), jnp.float32),
            jax.ShapeDtypeStruct((2, NPAD), jnp.float32),
        ],
        compiler_params=pltpu.CompilerParams(needs_layout_passes=False),
        scratch_types=[
            pltpu.VMEM((NPAD,), jnp.float32),
            pltpu.VMEM((NPAD,), jnp.float32),
            pltpu.VMEM((K,), jnp.int32),
            pltpu.VMEM((K,), jnp.int32),
            pltpu.VMEM((K,), jnp.int32),
            pltpu.VMEM((K,), jnp.int32),
            pltpu.VMEM((128,), jnp.float32),
            pltpu.VMEM((2, K, C), jnp.float32),
            pltpu.VMEM_SHARED((NACC, C), jnp.float32),
            pltpu.VMEM_SHARED((NPAD,), jnp.float32),
            pltpu.SemaphoreType.DMA,
            pltpu.SemaphoreType.DMA,
            pltpu.SemaphoreType.DMA,
            pltpu.SemaphoreType.DMA,
            pltpu.SemaphoreType.DMA,
            pltpu.SemaphoreType.DMA,
        ],
    )
    def k(xw_hbm, asd_hbm, src_hbm, dst_hbm, accout, denout,
          a_src_v, a_dst_v, src_c0, src_c1, dst_c0, dst_c1, p_buf, rows,
          acc_sp, den_sp, si0, si1, di0, di1, g0, g1):
        cid = lax.axis_index("c")
        sid = lax.axis_index("s")
        wid = cid * 16 + sid
        si = (si0, si1)
        di = (di0, di1)
        gg = (g0, g1)
        src_cs = (src_c0, src_c1)
        dst_cs = (dst_c0, dst_c1)

        pltpu.sync_copy(asd_hbm.at[0], a_src_v)
        pltpu.sync_copy(asd_hbm.at[1], a_dst_v)

        def zrow(r, carry):
            for c in range(C // 16):
                rows[0, r, pl.ds(c * 16, 16)] = jnp.zeros((16,), jnp.float32)
            return carry
        lax.fori_loop(0, K, zrow, 0)
        r0 = wid * ZR
        for t in range(ZR // K):
            pltpu.sync_copy(rows.at[0], acc_sp.at[pl.ds(r0 + t * K, K)])
        pltpu.sync_copy(rows.at[0, pl.ds(0, ZR % K)],
                        acc_sp.at[pl.ds(r0 + (ZR // K) * K, ZR % K)])
        d0 = wid * (NPAD // NW)
        pltpu.sync_copy(rows.at[0, 0], den_sp.at[pl.ds(d0, 128)])
        pltpu.sync_copy(rows.at[0, 0], den_sp.at[pl.ds(d0 + 128, 128)])
        pltpu.sync_copy(rows.at[0, 0, pl.ds(0, 64)], den_sp.at[pl.ds(d0 + 256, 64)])
        plsc.subcore_barrier()

        def amax_body(i, av):
            return jnp.maximum(av, a_src_v[pl.ds(i * 16, 16)])
        avec = lax.fori_loop(0, NPAD // 16, amax_body,
                             jnp.full((16,), -1e30, jnp.float32))
        for s in (1, 2, 4, 8):
            p_buf[pl.ds(0, 16)] = avec
            perm = (jnp.arange(16, dtype=jnp.int32) + s) % 16
            avec = jnp.maximum(avec, plsc.load_gather(p_buf, [perm]))
        amax = avec

        pltpu.async_copy(src_hbm.at[wid, 0], src_c0, si0)
        pltpu.async_copy(dst_hbm.at[wid, 0], dst_c0, di0)
        pltpu.async_copy(src_hbm.at[wid, 1], src_c1, si1)
        pltpu.async_copy(dst_hbm.at[wid, 1], dst_c1, di1)
        pltpu.make_async_copy(src_hbm.at[wid, 0], src_c0, si0).wait()
        pltpu.async_copy(xw_hbm.at[pl.ds(0, K)], rows.at[0], g0)

        def pair_body(q, carry):
            for u in (0, 1):
                j = 2 * q + u
                pltpu.make_async_copy(dst_hbm.at[wid, j], dst_cs[u], di[u]).wait()
                pltpu.make_async_copy(xw_hbm.at[pl.ds(0, K)], rows.at[u], gg[u]).wait()
                for g in range(K // 16):
                    sidx = src_cs[u][pl.ds(g * 16, 16)]
                    didx = dst_cs[u][pl.ds(g * 16, 16)]
                    s16 = plsc.load_gather(a_src_v, [sidx])
                    d16 = plsc.load_gather(a_dst_v, [didx])
                    al = s16 + d16
                    al = jnp.where(al > 0, al, 0.2 * al)
                    mb = amax + d16
                    mb = jnp.where(mb > 0, mb, 0.2 * mb)
                    p_buf[pl.ds(g * 16, 16)] = jnp.exp(al - mb)

                def srow(r4, carry2):
                    base = r4 * 4
                    prs = [plsc.load_gather(
                        p_buf, [jnp.full((16,), base + i, jnp.int32)])
                        for i in range(4)]
                    for c in range(C // 16):
                        for i in range(4):
                            rows[u, base + i, pl.ds(c * 16, 16)] = (
                                rows[u, base + i, pl.ds(c * 16, 16)] * prs[i])
                    return carry2
                lax.fori_loop(0, K // 4, srow, 0)
                pass

                @pl.when(j + 2 < CHP)
                def _():
                    pltpu.async_copy(src_hbm.at[wid, j + 2], src_cs[u], si[u])
                    pltpu.async_copy(dst_hbm.at[wid, j + 2], dst_cs[u], di[u])

                @pl.when(j + 1 < CHP)
                def _():
                    pltpu.make_async_copy(src_hbm.at[wid, j + 1],
                                          src_cs[1 - u], si[1 - u]).wait()
                    pltpu.async_copy(xw_hbm.at[pl.ds(0, K)],
                                     rows.at[1 - u], gg[1 - u])
            return carry
        lax.fori_loop(0, CHP // 2, pair_body, 0)

        plsc.subcore_barrier()
        rb = sid * WB
        pltpu.sync_copy(acc_sp.at[pl.ds(rb, WB)],
                        accout.at[cid, pl.ds(rb, WB)])
        db = sid * (NPAD // 16)
        pltpu.sync_copy(den_sp.at[pl.ds(db, NPAD // 16)],
                        denout.at[cid, pl.ds(db, NPAD // 16)])

    return k(xw, asd, src_r, dst_r)


def _phase_c(accout, denout, bias2d):
    def body(acc_ref, den_ref, b_ref, out_ref):
        a = acc_ref[0] + acc_ref[1]
        d = den_ref[0] + den_ref[1] + 1e-16
        out_ref[...] = a / d[:, None] + b_ref[...]

    return pl.pallas_call(
        body,
        grid=(NPAD // 1024,),
        in_specs=[
            pl.BlockSpec((2, 1024, C), lambda i: (0, i, 0)),
            pl.BlockSpec((2, 1024), lambda i: (0, i)),
            pl.BlockSpec((1, C), lambda i: (0, 0)),
        ],
        out_specs=pl.BlockSpec((1024, C), lambda i: (i, 0)),
        out_shape=jax.ShapeDtypeStruct((NPAD, C), jnp.float32),
    )(accout, denout, bias2d)


def kernel(x, edge_index, W, att_src, att_dst, bias):
    xp = jnp.pad(x, ((0, NPAD - N), (0, 0)))
    att_s = att_src.reshape(1, C)
    att_d = att_dst.reshape(1, C)
    xw, asd = _phase_a(xp, W, att_s, att_d)
    pad = EPAD - E
    srcp = jnp.concatenate([edge_index[0], jnp.zeros((pad,), jnp.int32)])
    dstp = jnp.concatenate([edge_index[1], jnp.full((pad,), N, jnp.int32)])
    src_r = srcp.reshape(NW, CHP, K)
    dst_r = dstp.reshape(NW, CHP, K)
    accout, denout = _edge_kernel(xw, asd, src_r, dst_r)
    out = _phase_c(accout, denout, bias.reshape(1, C))
    return out[:N]

# --- scband reference (transcript-rebuilt; emitter-appended) ---
"""Pipeline reference for scband-simple-gatmodel-13245679141194 (READ-ONLY COPY).

The authoritative reference and input builder live on the scoring server;
editing this copy changes nothing except your own understanding.
"""

import jax, jax.numpy as jnp
import numpy as np

N = 10000
E = 320000
IN_CH = 128
OUT_CH = 128
HEADS = 1


def setup_inputs(seed: int = 0) -> dict:
    key = jax.random.key(seed)
    k1, k2, k3, k4, k5 = jax.random.split(key, 5)
    x = jax.random.normal(k1, (N, IN_CH), dtype=jnp.float32)
    edge_index = jax.random.randint(k2, (2, E), 0, N, dtype=jnp.int32)
    W = jax.random.normal(k3, (IN_CH, HEADS * OUT_CH), dtype=jnp.float32) * (1.0 / np.sqrt(IN_CH))
    att_src = jax.random.normal(k4, (1, HEADS, OUT_CH), dtype=jnp.float32) * 0.1
    att_dst = jax.random.normal(k5, (1, HEADS, OUT_CH), dtype=jnp.float32) * 0.1
    bias = jnp.zeros((HEADS * OUT_CH,), dtype=jnp.float32)
    return {"x": x, "edge_index": edge_index, "W": W, "att_src": att_src, "att_dst": att_dst, "bias": bias}


def reference(x, edge_index, W, att_src, att_dst, bias):
    n = x.shape[0]
    # linear projection per head
    xw = (x @ W).reshape(n, HEADS, OUT_CH)  # [N, H, C]
    # attention coefficients (GATConv style)
    a_src = (xw * att_src).sum(-1)  # [N, H]
    a_dst = (xw * att_dst).sum(-1)  # [N, H]
    src = edge_index[0]
    dst = edge_index[1]
    alpha = a_src[src] + a_dst[dst]  # [E, H] (gather)
    alpha = jax.nn.leaky_relu(alpha, 0.2)
    # softmax over incoming edges of each dst node
    amax = jax.ops.segment_max(alpha, dst, num_segments=n)  # [N, H]
    amax = jnp.where(jnp.isfinite(amax), amax, 0.0)
    alpha = jnp.exp(alpha - amax[dst])
    denom = jax.ops.segment_sum(alpha, dst, num_segments=n)  # [N, H]
    alpha = alpha / (denom[dst] + 1e-16)
    # weighted message aggregation (gather + scatter-add)
    msg = xw[src] * alpha[..., None]  # [E, H, C]
    out = jax.ops.segment_sum(msg, dst, num_segments=n)  # [N, H, C]
    out = out.reshape(n, HEADS * OUT_CH) + bias
    return out

if __name__ == "__main__":
    import jax
    _d = setup_inputs()
    print(jax.jit(kernel)(*tuple(_d.values())))

</pallas_src>

<mosaic_0001>
#map = affine_map<(d0, d1) -> (0, 0)>
#map1 = affine_map<(d0, d1) -> (0, 0, 0)>
module attributes {stable_mosaic.version = 14 : i64} {
  func.func @k(%arg0: i32, %arg1: i32, %arg2: memref<10240x128xf32, #tpu.memory_space<hbm>>, %arg3: memref<2x10240xf32, #tpu.memory_space<hbm>>, %arg4: memref<32x210x48xi32, #tpu.memory_space<hbm>>, %arg5: memref<32x210x48xi32, #tpu.memory_space<hbm>>, %arg6: memref<2x10240x128xf32, #tpu.memory_space<hbm>>, %arg7: memref<2x10240xf32, #tpu.memory_space<hbm>>, %arg8: memref<10240xf32, #tpu.memory_space<vmem>>, %arg9: memref<10240xf32, #tpu.memory_space<vmem>>, %arg10: memref<48xi32, #tpu.memory_space<vmem>>, %arg11: memref<48xi32, #tpu.memory_space<vmem>>, %arg12: memref<48xi32, #tpu.memory_space<vmem>>, %arg13: memref<48xi32, #tpu.memory_space<vmem>>, %arg14: memref<128xf32, #tpu.memory_space<vmem>>, %arg15: memref<2x48x128xf32, #tpu.memory_space<vmem>>, %arg16: memref<10240x128xf32, #tpu.memory_space<vmem_shared>>, %arg17: memref<10240xf32, #tpu.memory_space<vmem_shared>>, %arg18: memref<!tpu.dma_semaphore, #tpu.memory_space<semaphore_mem>>, %arg19: memref<!tpu.dma_semaphore, #tpu.memory_space<semaphore_mem>>, %arg20: memref<!tpu.dma_semaphore, #tpu.memory_space<semaphore_mem>>, %arg21: memref<!tpu.dma_semaphore, #tpu.memory_space<semaphore_mem>>, %arg22: memref<!tpu.dma_semaphore, #tpu.memory_space<semaphore_mem>>, %arg23: memref<!tpu.dma_semaphore, #tpu.memory_space<semaphore_mem>>) attributes {dimension_semantics = [#tpu.dimension_semantics<core_parallel>, #tpu.dimension_semantics<subcore_parallel>], iteration_bounds = array<i64: 2, 16>, scalar_prefetch = 0 : i64, scratch_operands = 16 : i64, tpu.core_type = #tpu.core_type<sc_vector_subcore>, window_params = [{transform_indices = #map}, {transform_indices = #map}, {transform_indices = #map1}, {transform_indices = #map1}, {transform_indices = #map1}, {transform_indices = #map}]} {
    %mul3A = arith.constant 16 : i32
    %mul3A_0 = arith.muli %arg0, %mul3A : i32
    %add3A = arith.addi %mul3A_0, %arg1 : i32
    %run_scoped3A = arith.constant 0 : i32
    "tpu.region"() ({
      %run_scoped3A_217 = tpu.sem_alloc : memref<!tpu.dma_semaphore, #tpu.memory_space<semaphore_mem>>
      %dma_start3A_218 = arith.constant 0 : i32
      %dma_start3A_219 = tpu.memref_slice %arg3[%run_scoped3A, %dma_start3A_218] : memref<2x10240xf32, #tpu.memory_space<hbm>> -> memref<1x10240xf32, #tpu.memory_space<hbm>>
      %dma_start3A_220 = tpu.memref_squeeze %dma_start3A_219 : memref<1x10240xf32, #tpu.memory_space<hbm>> -> memref<10240xf32, #tpu.memory_space<hbm>>
      %dma_start3A_221 = arith.constant 0 : i32
      %dma_start3A_222 = tpu.memref_slice %arg3[%run_scoped3A, %dma_start3A_221] : memref<2x10240xf32, #tpu.memory_space<hbm>> -> memref<1x10240xf32, #tpu.memory_space<hbm>>
      %dma_start3A_223 = tpu.memref_squeeze %dma_start3A_222 : memref<1x10240xf32, #tpu.memory_space<hbm>> -> memref<10240xf32, #tpu.memory_space<hbm>>
      tpu.enqueue_dma source(%dma_start3A_223 : memref<10240xf32, #tpu.memory_space<hbm>>) target(%arg8 : memref<10240xf32, #tpu.memory_space<vmem>>) target_semaphore(%run_scoped3A_217 : memref<!tpu.dma_semaphore, #tpu.memory_space<semaphore_mem>>)
      %dma_wait3A_224 = arith.constant 0 : i32
      %dma_wait3A_225 = tpu.memref_slice %arg3[%run_scoped3A, %dma_wait3A_224] : memref<2x10240xf32, #tpu.memory_space<hbm>> -> memref<1x10240xf32, #tpu.memory_space<hbm>>
      %dma_wait3A_226 = tpu.memref_squeeze %dma_wait3A_225 : memref<1x10240xf32, #tpu.memory_space<hbm>> -> memref<10240xf32, #tpu.memory_space<hbm>>
      %dma_wait3A_227 = arith.constant 0 : i32
      %dma_wait3A_228 = tpu.memref_slice %arg3[%run_scoped3A, %dma_wait3A_227] : memref<2x10240xf32, #tpu.memory_space<hbm>> -> memref<1x10240xf32, #tpu.memory_space<hbm>>
      %dma_wait3A_229 = tpu.memref_squeeze %dma_wait3A_228 : memref<1x10240xf32, #tpu.memory_space<hbm>> -> memref<10240xf32, #tpu.memory_space<hbm>>
      tpu.wait_dma2 semaphore(%run_scoped3A_217 : memref<!tpu.dma_semaphore, #tpu.memory_space<semaphore_mem>>) src(%dma_wait3A_229 : memref<10240xf32, #tpu.memory_space<hbm>>) dst(%arg8 : memref<10240xf32, #tpu.memory_space<vmem>>)
      tpu.yield
    }) : () -> ()
    %run_scoped3A_1 = arith.constant 1 : i32
    "tpu.region"() ({
      %run_scoped3A_217 = tpu.sem_alloc : memref<!tpu.dma_semaphore, #tpu.memory_space<semaphore_mem>>
      %dma_start3A_218 = arith.constant 0 : i32
      %dma_start3A_219 = tpu.memref_slice %arg3[%run_scoped3A_1, %dma_start3A_218] : memref<2x10240xf32, #tpu.memory_space<hbm>> -> memref<1x10240xf32, #tpu.memory_space<hbm>>
      %dma_start3A_220 = tpu.memref_squeeze %dma_start3A_219 : memref<1x10240xf32, #tpu.memory_space<hbm>> -> memref<10240xf32, #tpu.memory_space<hbm>>
      %dma_start3A_221 = arith.constant 0 : i32
      %dma_start3A_222 = tpu.memref_slice %arg3[%run_scoped3A_1, %dma_start3A_221] : memref<2x10240xf32, #tpu.memory_space<hbm>> -> memref<1x10240xf32, #tpu.memory_space<hbm>>
      %dma_start3A_223 = tpu.memref_squeeze %dma_start3A_222 : memref<1x10240xf32, #tpu.memory_space<hbm>> -> memref<10240xf32, #tpu.memory_space<hbm>>
      tpu.enqueue_dma source(%dma_start3A_223 : memref<10240xf32, #tpu.memory_space<hbm>>) target(%arg9 : memref<10240xf32, #tpu.memory_space<vmem>>) target_semaphore(%run_scoped3A_217 : memref<!tpu.dma_semaphore, #tpu.memory_space<semaphore_mem>>)
      %dma_wait3A_224 = arith.constant 0 : i32
      %dma_wait3A_225 = tpu.memref_slice %arg3[%run_scoped3A_1, %dma_wait3A_224] : memref<2x10240xf32, #tpu.memory_space<hbm>> -> memref<1x10240xf32, #tpu.memory_space<hbm>>
      %dma_wait3A_226 = tpu.memref_squeeze %dma_wait3A_225 : memref<1x10240xf32, #tpu.memory_space<hbm>> -> memref<10240xf32, #tpu.memory_space<hbm>>
      %dma_wait3A_227 = arith.constant 0 : i32
      %dma_wait3A_228 = tpu.memref_slice %arg3[%run_scoped3A_1, %dma_wait3A_227] : memref<2x10240xf32, #tpu.memory_space<hbm>> -> memref<1x10240xf32, #tpu.memory_space<hbm>>
      %dma_wait3A_229 = tpu.memref_squeeze %dma_wait3A_228 : memref<1x10240xf32, #tpu.memory_space<hbm>> -> memref<10240xf32, #tpu.memory_space<hbm>>
      tpu.wait_dma2 semaphore(%run_scoped3A_217 : memref<!tpu.dma_semaphore, #tpu.memory_space<semaphore_mem>>) src(%dma_wait3A_229 : memref<10240xf32, #tpu.memory_space<hbm>>) dst(%arg9 : memref<10240xf32, #tpu.memory_space<vmem>>)
      tpu.yield
    }) : () -> ()
    %scan3A = arith.constant 0 : i32
    %scan3A_2 = arith.constant 0 : i32
    %scan3A_3 = arith.constant 48 : i32
    %scan3A_4 = arith.addi %scan3A_2, %scan3A_3 : i32
    %scan3A_5 = arith.constant 1 : i32
    scf.for %scan3A_217 = %scan3A_2 to %scan3A_4 step %scan3A_5  : i32 {
      %broadcast_in_dim3A_218 = arith.constant 0.000000e+00 : f32
      %broadcast_in_dim3A_219 = vector.broadcast %broadcast_in_dim3A_218 : f32 to vector<16xf32>
      %swap3A_220 = arith.constant 0 : i32
      %swap3A_221 = arith.index_cast %swap3A_220 : i32 to index
      %swap3A_222 = arith.index_cast %scan3A_217 : i32 to index
      %swap3A_223 = arith.constant 0 : index
      %swap3A_224 = tpu.vector_load %arg15[%swap3A_221, %swap3A_222, %swap3A_223] {strides = array<i32>} : memref<2x48x128xf32, #tpu.memory_space<vmem>>, vector<16xf32>,
      tpu.vector_store %arg15[%swap3A_221, %swap3A_222, %swap3A_223], %broadcast_in_dim3A_219 {strides = array<i32>} : memref<2x48x128xf32, #tpu.memory_space<vmem>>, vector<16xf32>,
      %broadcast_in_dim3A_225 = arith.constant 0.000000e+00 : f32
      %broadcast_in_dim3A_226 = vector.broadcast %broadcast_in_dim3A_225 : f32 to vector<16xf32>
      %swap3A_227 = arith.constant 0 : i32
      %swap3A_228 = arith.index_cast %swap3A_227 : i32 to index
      %swap3A_229 = arith.index_cast %scan3A_217 : i32 to index
      %swap3A_230 = arith.constant 16 : index
      %swap3A_231 = tpu.vector_load %arg15[%swap3A_228, %swap3A_229, %swap3A_230] {strides = array<i32>} : memref<2x48x128xf32, #tpu.memory_space<vmem>>, vector<16xf32>,
      tpu.vector_store %arg15[%swap3A_228, %swap3A_229, %swap3A_230], %broadcast_in_dim3A_226 {strides = array<i32>} : memref<2x48x128xf32, #tpu.memory_space<vmem>>, vector<16xf32>,
      %broadcast_in_dim3A_232 = arith.constant 0.000000e+00 : f32
      %broadcast_in_dim3A_233 = vector.broadcast %broadcast_in_dim3A_232 : f32 to vector<16xf32>
      %swap3A_234 = arith.constant 0 : i32
      %swap3A_235 = arith.index_cast %swap3A_234 : i32 to index
      %swap3A_236 = arith.index_cast %scan3A_217 : i32 to index
      %swap3A_237 = arith.constant 32 : index
      %swap3A_238 = tpu.vector_load %arg15[%swap3A_235, %swap3A_236, %swap3A_237] {strides = array<i32>} : memref<2x48x128xf32, #tpu.memory_space<vmem>>, vector<16xf32>,
      tpu.vector_store %arg15[%swap3A_235, %swap3A_236, %swap3A_237], %broadcast_in_dim3A_233 {strides = array<i32>} : memref<2x48x128xf32, #tpu.memory_space<vmem>>, vector<16xf32>,
      %broadcast_in_dim3A_239 = arith.constant 0.000000e+00 : f32
      %broadcast_in_dim3A_240 = vector.broadcast %broadcast_in_dim3A_239 : f32 to vector<16xf32>
      %swap3A_241 = arith.constant 0 : i32
      %swap3A_242 = arith.index_cast %swap3A_241 : i32 to index
      %swap3A_243 = arith.index_cast %scan3A_217 : i32 to index
      %swap3A_244 = arith.constant 48 : index
      %swap3A_245 = tpu.vector_load %arg15[%swap3A_242, %swap3A_243, %swap3A_244] {strides = array<i32>} : memref<2x48x128xf32, #tpu.memory_space<vmem>>, vector<16xf32>,
      tpu.vector_store %arg15[%swap3A_242, %swap3A_243, %swap3A_244], %broadcast_in_dim3A_240 {strides = array<i32>} : memref<2x48x128xf32, #tpu.memory_space<vmem>>, vector<16xf32>,
      %broadcast_in_dim3A_246 = arith.constant 0.000000e+00 : f32
      %broadcast_in_dim3A_247 = vector.broadcast %broadcast_in_dim3A_246 : f32 to vector<16xf32>
      %swap3A_248 = arith.constant 0 : i32
      %swap3A_249 = arith.index_cast %swap3A_248 : i32 to index
      %swap3A_250 = arith.index_cast %scan3A_217 : i32 to index
      %swap3A_251 = arith.constant 64 : index
      %swap3A_252 = tpu.vector_load %arg15[%swap3A_249, %swap3A_250, %swap3A_251] {strides = array<i32>} : memref<2x48x128xf32, #tpu.memory_space<vmem>>, vector<16xf32>,
      tpu.vector_store %arg15[%swap3A_249, %swap3A_250, %swap3A_251], %broadcast_in_dim3A_247 {strides = array<i32>} : memref<2x48x128xf32, #tpu.memory_space<vmem>>, vector<16xf32>,
      %broadcast_in_dim3A_253 = arith.constant 0.000000e+00 : f32
      %broadcast_in_dim3A_254 = vector.broadcast %broadcast_in_dim3A_253 : f32 to vector<16xf32>
      %swap3A_255 = arith.constant 0 : i32
      %swap3A_256 = arith.index_cast %swap3A_255 : i32 to index
      %swap3A_257 = arith.index_cast %scan3A_217 : i32 to index
      %swap3A_258 = arith.constant 80 : index
      %swap3A_259 = tpu.vector_load %arg15[%swap3A_256, %swap3A_257, %swap3A_258] {strides = array<i32>} : memref<2x48x128xf32, #tpu.memory_space<vmem>>, vector<16xf32>,
      tpu.vector_store %arg15[%swap3A_256, %swap3A_257, %swap3A_258], %broadcast_in_dim3A_254 {strides = array<i32>} : memref<2x48x128xf32, #tpu.memory_space<vmem>>, vector<16xf32>,
      %broadcast_in_dim3A_260 = arith.constant 0.000000e+00 : f32
      %broadcast_in_dim3A_261 = vector.broadcast %broadcast_in_dim3A_260 : f32 to vector<16xf32>
      %swap3A_262 = arith.constant 0 : i32
      %swap3A_263 = arith.index_cast %swap3A_262 : i32 to index
      %swap3A_264 = arith.index_cast %scan3A_217 : i32 to index
      %swap3A_265 = arith.constant 96 : index
      %swap3A_266 = tpu.vector_load %arg15[%swap3A_263, %swap3A_264, %swap3A_265] {strides = array<i32>} : memref<2x48x128xf32, #tpu.memory_space<vmem>>, vector<16xf32>,
      tpu.vector_store %arg15[%swap3A_263, %swap3A_264, %swap3A_265], %broadcast_in_dim3A_261 {strides = array<i32>} : memref<2x48x128xf32, #tpu.memory_space<vmem>>, vector<16xf32>,
      %broadcast_in_dim3A_267 = arith.constant 0.000000e+00 : f32
      %broadcast_in_dim3A_268 = vector.broadcast %broadcast_in_dim3A_267 : f32 to vector<16xf32>
      %swap3A_269 = arith.constant 0 : i32
      %swap3A_270 = arith.index_cast %swap3A_269 : i32 to index
      %swap3A_271 = arith.index_cast %scan3A_217 : i32 to index
      %swap3A_272 = arith.constant 112 : index
      %swap3A_273 = tpu.vector_load %arg15[%swap3A_270, %swap3A_271, %swap3A_272] {strides = array<i32>} : memref<2x48x128xf32, #tpu.memory_space<vmem>>, vector<16xf32>,
      tpu.vector_store %arg15[%swap3A_270, %swap3A_271, %swap3A_272], %broadcast_in_dim3A_268 {strides = array<i32>} : memref<2x48x128xf32, #tpu.memory_space<vmem>>, vector<16xf32>,
    }
    %scan3A_6 = arith.constant 48 : i32
    %mul3A_7 = arith.constant 320 : i32
    %mul3A_8 = arith.muli %add3A, %mul3A_7 : i32
    %add3A_9 = arith.constant 0 : i32
    %add3A_10 = arith.addi %mul3A_8, %add3A_9 : i32
    %run_scoped3A_11 = arith.constant 0 : i32
    "tpu.region"() ({
      %run_scoped3A_217 = tpu.sem_alloc : memref<!tpu.dma_semaphore, #tpu.memory_space<semaphore_mem>>
      %dma_start3A_218 = arith.constant 0 : i32
      %dma_start3A_219 = arith.constant 0 : i32
      %dma_start3A_220 = tpu.memref_slice %arg15[%run_scoped3A_11, %dma_start3A_218, %dma_start3A_219] : memref<2x48x128xf32, #tpu.memory_space<vmem>> -> memref<1x48x128xf32, #tpu.memory_space<vmem>>
      %dma_start3A_221 = tpu.memref_squeeze %dma_start3A_220 : memref<1x48x128xf32, #tpu.memory_space<vmem>> -> memref<48x128xf32, #tpu.memory_space<vmem>>
      %dma_start3A_222 = arith.constant 0 : i32
      %dma_start3A_223 = tpu.memref_slice %arg16[%add3A_10, %dma_start3A_222] : memref<10240x128xf32, #tpu.memory_space<vmem_shared>> -> memref<48x128xf32, #tpu.memory_space<vmem_shared>>
      %dma_start3A_224 = arith.constant 0 : i32
      %dma_start3A_225 = tpu.memref_slice %arg16[%add3A_10, %dma_start3A_224] : memref<10240x128xf32, #tpu.memory_space<vmem_shared>> -> memref<48x128xf32, #tpu.memory_space<vmem_shared>>
      %dma_start3A_226 = arith.constant 0 : i32
      %dma_start3A_227 = arith.constant 0 : i32
      %dma_start3A_228 = tpu.memref_slice %arg15[%run_scoped3A_11, %dma_start3A_226, %dma_start3A_227] : memref<2x48x128xf32, #tpu.memory_space<vmem>> -> memref<1x48x128xf32, #tpu.memory_space<vmem>>
      %dma_start3A_229 = tpu.memref_squeeze %dma_start3A_228 : memref<1x48x128xf32, #tpu.memory_space<vmem>> -> memref<48x128xf32, #tpu.memory_space<vmem>>
      tpu.enqueue_dma source(%dma_start3A_229 : memref<48x128xf32, #tpu.memory_space<vmem>>) target(%dma_start3A_225 : memref<48x128xf32, #tpu.memory_space<vmem_shared>>) target_semaphore(%run_scoped3A_217 : memref<!tpu.dma_semaphore, #tpu.memory_space<semaphore_mem>>)
      %dma_wait3A_230 = arith.constant 0 : i32
      %dma_wait3A_231 = arith.constant 0 : i32
      %dma_wait3A_232 = tpu.memref_slice %arg15[%run_scoped3A_11, %dma_wait3A_230, %dma_wait3A_231] : memref<2x48x128xf32, #tpu.memory_space<vmem>> -> memref<1x48x128xf32, #tpu.memory_space<vmem>>
      %dma_wait3A_233 = tpu.memref_squeeze %dma_wait3A_232 : memref<1x48x128xf32, #tpu.memory_space<vmem>> -> memref<48x128xf32, #tpu.memory_space<vmem>>
      %dma_wait3A_234 = arith.constant 0 : i32
      %dma_wait3A_235 = tpu.memref_slice %arg16[%add3A_10, %dma_wait3A_234] : memref<10240x128xf32, #tpu.memory_space<vmem_shared>> -> memref<48x128xf32, #tpu.memory_space<vmem_shared>>
      %dma_wait3A_236 = arith.constant 0 : i32
      %dma_wait3A_237 = tpu.memref_slice %arg16[%add3A_10, %dma_wait3A_236] : memref<10240x128xf32, #tpu.memory_space<vmem_shared>> -> memref<48x128xf32, #tpu.memory_space<vmem_shared>>
      %dma_wait3A_238 = arith.constant 0 : i32
      %dma_wait3A_239 = arith.constant 0 : i32
      %dma_wait3A_240 = tpu.memref_slice %arg15[%run_scoped3A_11, %dma_wait3A_238, %dma_wait3A_239] : memref<2x48x128xf32, #tpu.memory_space<vmem>> -> memref<1x48x128xf32, #tpu.memory_space<vmem>>
      %dma_wait3A_241 = tpu.memref_squeeze %dma_wait3A_240 : memref<1x48x128xf32, #tpu.memory_space<vmem>> -> memref<48x128xf32, #tpu.memory_space<vmem>>
      tpu.wait_dma2 semaphore(%run_scoped3A_217 : memref<!tpu.dma_semaphore, #tpu.memory_space<semaphore_mem>>) src(%dma_wait3A_241 : memref<48x128xf32, #tpu.memory_space<vmem>>) dst(%dma_wait3A_237 : memref<48x128xf32, #tpu.memory_space<vmem_shared>>)
      tpu.yield
    }) : () -> ()
    %add3A_12 = arith.constant 48 : i32
    %add3A_13 = arith.addi %mul3A_8, %add3A_12 : i32
    %run_scoped3A_14 = arith.constant 0 : i32
    "tpu.region"() ({
      %run_scoped3A_217 = tpu.sem_alloc : memref<!tpu.dma_semaphore, #tpu.memory_space<semaphore_mem>>
      %dma_start3A_218 = arith.constant 0 : i32
      %dma_start3A_219 = arith.constant 0 : i32
      %dma_start3A_220 = tpu.memref_slice %arg15[%run_scoped3A_14, %dma_start3A_218, %dma_start3A_219] : memref<2x48x128xf32, #tpu.memory_space<vmem>> -> memref<1x48x128xf32, #tpu.memory_space<vmem>>
      %dma_start3A_221 = tpu.memref_squeeze %dma_start3A_220 : memref<1x48x128xf32, #tpu.memory_space<vmem>> -> memref<48x128xf32, #tpu.memory_space<vmem>>
      %dma_start3A_222 = arith.constant 0 : i32
      %dma_start3A_223 = tpu.memref_slice %arg16[%add3A_13, %dma_start3A_222] : memref<10240x128xf32, #tpu.memory_space<vmem_shared>> -> memref<48x128xf32, #tpu.memory_space<vmem_shared>>
      %dma_start3A_224 = arith.constant 0 : i32
      %dma_start3A_225 = tpu.memref_slice %arg16[%add3A_13, %dma_start3A_224] : memref<10240x128xf32, #tpu.memory_space<vmem_shared>> -> memref<48x128xf32, #tpu.memory_space<vmem_shared>>
      %dma_start3A_226 = arith.constant 0 : i32
      %dma_start3A_227 = arith.constant 0 : i32
      %dma_start3A_228 = tpu.memref_slice %arg15[%run_scoped3A_14, %dma_start3A_226, %dma_start3A_227] : memref<2x48x128xf32, #tpu.memory_space<vmem>> -> memref<1x48x128xf32, #tpu.memory_space<vmem>>
      %dma_start3A_229 = tpu.memref_squeeze %dma_start3A_228 : memref<1x48x128xf32, #tpu.memory_space<vmem>> -> memref<48x128xf32, #tpu.memory_space<vmem>>
      tpu.enqueue_dma source(%dma_start3A_229 : memref<48x128xf32, #tpu.memory_space<vmem>>) target(%dma_start3A_225 : memref<48x128xf32, #tpu.memory_space<vmem_shared>>) target_semaphore(%run_scoped3A_217 : memref<!tpu.dma_semaphore, #tpu.memory_space<semaphore_mem>>)
      %dma_wait3A_230 = arith.constant 0 : i32
      %dma_wait3A_231 = arith.constant 0 : i32
      %dma_wait3A_232 = tpu.memref_slice %arg15[%run_scoped3A_14, %dma_wait3A_230, %dma_wait3A_231] : memref<2x48x128xf32, #tpu.memory_space<vmem>> -> memref<1x48x128xf32, #tpu.memory_space<vmem>>
      %dma_wait3A_233 = tpu.memref_squeeze %dma_wait3A_232 : memref<1x48x128xf32, #tpu.memory_space<vmem>> -> memref<48x128xf32, #tpu.memory_space<vmem>>
      %dma_wait3A_234 = arith.constant 0 : i32
      %dma_wait3A_235 = tpu.memref_slice %arg16[%add3A_13, %dma_wait3A_234] : memref<10240x128xf32, #tpu.memory_space<vmem_shared>> -> memref<48x128xf32, #tpu.memory_space<vmem_shared>>
      %dma_wait3A_236 = arith.constant 0 : i32
      %dma_wait3A_237 = tpu.memref_slice %arg16[%add3A_13, %dma_wait3A_236] : memref<10240x128xf32, #tpu.memory_space<vmem_shared>> -> memref<48x128xf32, #tpu.memory_space<vmem_shared>>
      %dma_wait3A_238 = arith.constant 0 : i32
      %dma_wait3A_239 = arith.constant 0 : i32
      %dma_wait3A_240 = tpu.memref_slice %arg15[%run_scoped3A_14, %dma_wait3A_238, %dma_wait3A_239] : memref<2x48x128xf32, #tpu.memory_space<vmem>> -> memref<1x48x128xf32, #tpu.memory_space<vmem>>
      %dma_wait3A_241 = tpu.memref_squeeze %dma_wait3A_240 : memref<1x48x128xf32, #tpu.memory_space<vmem>> -> memref<48x128xf32, #tpu.memory_space<vmem>>
      tpu.wait_dma2 semaphore(%run_scoped3A_217 : memref<!tpu.dma_semaphore, #tpu.memory_space<semaphore_mem>>) src(%dma_wait3A_241 : memref<48x128xf32, #tpu.memory_space<vmem>>) dst(%dma_wait3A_237 : memref<48x128xf32, #tpu.memory_space<vmem_shared>>)
      tpu.yield
    }) : () -> ()
    %add3A_15 = arith.constant 96 : i32
    %add3A_16 = arith.addi %mul3A_8, %add3A_15 : i32
    %run_scoped3A_17 = arith.constant 0 : i32
    "tpu.region"() ({
      %run_scoped3A_217 = tpu.sem_alloc : memref<!tpu.dma_semaphore, #tpu.memory_space<semaphore_mem>>
      %dma_start3A_218 = arith.constant 0 : i32
      %dma_start3A_219 = arith.constant 0 : i32
      %dma_start3A_220 = tpu.memref_slice %arg15[%run_scoped3A_17, %dma_start3A_218, %dma_start3A_219] : memref<2x48x128xf32, #tpu.memory_space<vmem>> -> memref<1x48x128xf32, #tpu.memory_space<vmem>>
      %dma_start3A_221 = tpu.memref_squeeze %dma_start3A_220 : memref<1x48x128xf32, #tpu.memory_space<vmem>> -> memref<48x128xf32, #tpu.memory_space<vmem>>
      %dma_start3A_222 = arith.constant 0 : i32
      %dma_start3A_223 = tpu.memref_slice %arg16[%add3A_16, %dma_start3A_222] : memref<10240x128xf32, #tpu.memory_space<vmem_shared>> -> memref<48x128xf32, #tpu.memory_space<vmem_shared>>
      %dma_start3A_224 = arith.constant 0 : i32
      %dma_start3A_225 = tpu.memref_slice %arg16[%add3A_16, %dma_start3A_224] : memref<10240x128xf32, #tpu.memory_space<vmem_shared>> -> memref<48x128xf32, #tpu.memory_space<vmem_shared>>
      %dma_start3A_226 = arith.constant 0 : i32
      %dma_start3A_227 = arith.constant 0 : i32
      %dma_start3A_228 = tpu.memref_slice %arg15[%run_scoped3A_17, %dma_start3A_226, %dma_start3A_227] : memref<2x48x128xf32, #tpu.memory_space<vmem>> -> memref<1x48x128xf32, #tpu.memory_space<vmem>>
      %dma_start3A_229 = tpu.memref_squeeze %dma_start3A_228 : memref<1x48x128xf32, #tpu.memory_space<vmem>> -> memref<48x128xf32, #tpu.memory_space<vmem>>
      tpu.enqueue_dma source(%dma_start3A_229 : memref<48x128xf32, #tpu.memory_space<vmem>>) target(%dma_start3A_225 : memref<48x128xf32, #tpu.memory_space<vmem_shared>>) target_semaphore(%run_scoped3A_217 : memref<!tpu.dma_semaphore, #tpu.memory_space<semaphore_mem>>)
      %dma_wait3A_230 = arith.constant 0 : i32
      %dma_wait3A_231 = arith.constant 0 : i32
      %dma_wait3A_232 = tpu.memref_slice %arg15[%run_scoped3A_17, %dma_wait3A_230, %dma_wait3A_231] : memref<2x48x128xf32, #tpu.memory_space<vmem>> -> memref<1x48x128xf32, #tpu.memory_space<vmem>>
      %dma_wait3A_233 = tpu.memref_squeeze %dma_wait3A_232 : memref<1x48x128xf32, #tpu.memory_space<vmem>> -> memref<48x128xf32, #tpu.memory_space<vmem>>
      %dma_wait3A_234 = arith.constant 0 : i32
      %dma_wait3A_235 = tpu.memref_slice %arg16[%add3A_16, %dma_wait3A_234] : memref<10240x128xf32, #tpu.memory_space<vmem_shared>> -> memref<48x128xf32, #tpu.memory_space<vmem_shared>>
      %dma_wait3A_236 = arith.constant 0 : i32
      %dma_wait3A_237 = tpu.memref_slice %arg16[%add3A_16, %dma_wait3A_236] : memref<10240x128xf32, #tpu.memory_space<vmem_shared>> -> memref<48x128xf32, #tpu.memory_space<vmem_shared>>
      %dma_wait3A_238 = arith.constant 0 : i32
      %dma_wait3A_239 = arith.constant 0 : i32
      %dma_wait3A_240 = tpu.memref_slice %arg15[%run_scoped3A_17, %dma_wait3A_238, %dma_wait3A_239] : memref<2x48x128xf32, #tpu.memory_space<vmem>> -> memref<1x48x128xf32, #tpu.memory_space<vmem>>
      %dma_wait3A_241 = tpu.memref_squeeze %dma_wait3A_240 : memref<1x48x128xf32, #tpu.memory_space<vmem>> -> memref<48x128xf32, #tpu.memory_space<vmem>>
      tpu.wait_dma2 semaphore(%run_scoped3A_217 : memref<!tpu.dma_semaphore, #tpu.memory_space<semaphore_mem>>) src(%dma_wait3A_241 : memref<48x128xf32, #tpu.memory_space<vmem>>) dst(%dma_wait3A_237 : memref<48x128xf32, #tpu.memory_space<vmem_shared>>)
      tpu.yield
    }) : () -> ()
    %add3A_18 = arith.constant 144 : i32
    %add3A_19 = arith.addi %mul3A_8, %add3A_18 : i32
    %run_scoped3A_20 = arith.constant 0 : i32
    "tpu.region"() ({
      %run_scoped3A_217 = tpu.sem_alloc : memref<!tpu.dma_semaphore, #tpu.memory_space<semaphore_mem>>
      %dma_start3A_218 = arith.constant 0 : i32
      %dma_start3A_219 = arith.constant 0 : i32
      %dma_start3A_220 = tpu.memref_slice %arg15[%run_scoped3A_20, %dma_start3A_218, %dma_start3A_219] : memref<2x48x128xf32, #tpu.memory_space<vmem>> -> memref<1x48x128xf32, #tpu.memory_space<vmem>>
      %dma_start3A_221 = tpu.memref_squeeze %dma_start3A_220 : memref<1x48x128xf32, #tpu.memory_space<vmem>> -> memref<48x128xf32, #tpu.memory_space<vmem>>
      %dma_start3A_222 = arith.constant 0 : i32
      %dma_start3A_223 = tpu.memref_slice %arg16[%add3A_19, %dma_start3A_222] : memref<10240x128xf32, #tpu.memory_space<vmem_shared>> -> memref<48x128xf32, #tpu.memory_space<vmem_shared>>
      %dma_start3A_224 = arith.constant 0 : i32
      %dma_start3A_225 = tpu.memref_slice %arg16[%add3A_19, %dma_start3A_224] : memref<10240x128xf32, #tpu.memory_space<vmem_shared>> -> memref<48x128xf32, #tpu.memory_space<vmem_shared>>
      %dma_start3A_226 = arith.constant 0 : i32
      %dma_start3A_227 = arith.constant 0 : i32
      %dma_start3A_228 = tpu.memref_slice %arg15[%run_scoped3A_20, %dma_start3A_226, %dma_start3A_227] : memref<2x48x128xf32, #tpu.memory_space<vmem>> -> memref<1x48x128xf32, #tpu.memory_space<vmem>>
      %dma_start3A_229 = tpu.memref_squeeze %dma_start3A_228 : memref<1x48x128xf32, #tpu.memory_space<vmem>> -> memref<48x128xf32, #tpu.memory_space<vmem>>
      tpu.enqueue_dma source(%dma_start3A_229 : memref<48x128xf32, #tpu.memory_space<vmem>>) target(%dma_start3A_225 : memref<48x128xf32, #tpu.memory_space<vmem_shared>>) target_semaphore(%run_scoped3A_217 : memref<!tpu.dma_semaphore, #tpu.memory_space<semaphore_mem>>)
      %dma_wait3A_230 = arith.constant 0 : i32
      %dma_wait3A_231 = arith.constant 0 : i32
      %dma_wait3A_232 = tpu.memref_slice %arg15[%run_scoped3A_20, %dma_wait3A_230, %dma_wait3A_231] : memref<2x48x128xf32, #tpu.memory_space<vmem>> -> memref<1x48x128xf32, #tpu.memory_space<vmem>>
      %dma_wait3A_233 = tpu.memref_squeeze %dma_wait3A_232 : memref<1x48x128xf32, #tpu.memory_space<vmem>> -> memref<48x128xf32, #tpu.memory_space<vmem>>
      %dma_wait3A_234 = arith.constant 0 : i32
      %dma_wait3A_235 = tpu.memref_slice %arg16[%add3A_19, %dma_wait3A_234] : memref<10240x128xf32, #tpu.memory_space<vmem_shared>> -> memref<48x128xf32, #tpu.memory_space<vmem_shared>>
      %dma_wait3A_236 = arith.constant 0 : i32
      %dma_wait3A_237 = tpu.memref_slice %arg16[%add3A_19, %dma_wait3A_236] : memref<10240x128xf32, #tpu.memory_space<vmem_shared>> -> memref<48x128xf32, #tpu.memory_space<vmem_shared>>
      %dma_wait3A_238 = arith.constant 0 : i32
      %dma_wait3A_239 = arith.constant 0 : i32
      %dma_wait3A_240 = tpu.memref_slice %arg15[%run_scoped3A_20, %dma_wait3A_238, %dma_wait3A_239] : memref<2x48x128xf32, #tpu.memory_space<vmem>> -> memref<1x48x128xf32, #tpu.memory_space<vmem>>
      %dma_wait3A_241 = tpu.memref_squeeze %dma_wait3A_240 : memref<1x48x128xf32, #tpu.memory_space<vmem>> -> memref<48x128xf32, #tpu.memory_space<vmem>>
      tpu.wait_dma2 semaphore(%run_scoped3A_217 : memref<!tpu.dma_semaphore, #tpu.memory_space<semaphore_mem>>) src(%dma_wait3A_241 : memref<48x128xf32, #tpu.memory_space<vmem>>) dst(%dma_wait3A_237 : memref<48x128xf32, #tpu.memory_space<vmem_shared>>)
      tpu.yield
    }) : () -> ()
    %add3A_21 = arith.constant 192 : i32
    %add3A_22 = arith.addi %mul3A_8, %add3A_21 : i32
    %run_scoped3A_23 = arith.constant 0 : i32
    "tpu.region"() ({
      %run_scoped3A_217 = tpu.sem_alloc : memref<!tpu.dma_semaphore, #tpu.memory_space<semaphore_mem>>
      %dma_start3A_218 = arith.constant 0 : i32
      %dma_start3A_219 = arith.constant 0 : i32
      %dma_start3A_220 = tpu.memref_slice %arg15[%run_scoped3A_23, %dma_start3A_218, %dma_start3A_219] : memref<2x48x128xf32, #tpu.memory_space<vmem>> -> memref<1x48x128xf32, #tpu.memory_space<vmem>>
      %dma_start3A_221 = tpu.memref_squeeze %dma_start3A_220 : memref<1x48x128xf32, #tpu.memory_space<vmem>> -> memref<48x128xf32, #tpu.memory_space<vmem>>
      %dma_start3A_222 = arith.constant 0 : i32
      %dma_start3A_223 = tpu.memref_slice %arg16[%add3A_22, %dma_start3A_222] : memref<10240x128xf32, #tpu.memory_space<vmem_shared>> -> memref<48x128xf32, #tpu.memory_space<vmem_shared>>
      %dma_start3A_224 = arith.constant 0 : i32
      %dma_start3A_225 = tpu.memref_slice %arg16[%add3A_22, %dma_start3A_224] : memref<10240x128xf32, #tpu.memory_space<vmem_shared>> -> memref<48x128xf32, #tpu.memory_space<vmem_shared>>
      %dma_start3A_226 = arith.constant 0 : i32
      %dma_start3A_227 = arith.constant 0 : i32
      %dma_start3A_228 = tpu.memref_slice %arg15[%run_scoped3A_23, %dma_start3A_226, %dma_start3A_227] : memref<2x48x128xf32, #tpu.memory_space<vmem>> -> memref<1x48x128xf32, #tpu.memory_space<vmem>>
      %dma_start3A_229 = tpu.memref_squeeze %dma_start3A_228 : memref<1x48x128xf32, #tpu.memory_space<vmem>> -> memref<48x128xf32, #tpu.memory_space<vmem>>
      tpu.enqueue_dma source(%dma_start3A_229 : memref<48x128xf32, #tpu.memory_space<vmem>>) target(%dma_start3A_225 : memref<48x128xf32, #tpu.memory_space<vmem_shared>>) target_semaphore(%run_scoped3A_217 : memref<!tpu.dma_semaphore, #tpu.memory_space<semaphore_mem>>)
      %dma_wait3A_230 = arith.constant 0 : i32
      %dma_wait3A_231 = arith.constant 0 : i32
      %dma_wait3A_232 = tpu.memref_slice %arg15[%run_scoped3A_23, %dma_wait3A_230, %dma_wait3A_231] : memref<2x48x128xf32, #tpu.memory_space<vmem>> -> memref<1x48x128xf32, #tpu.memory_space<vmem>>
      %dma_wait3A_233 = tpu.memref_squeeze %dma_wait3A_232 : memref<1x48x128xf32, #tpu.memory_space<vmem>> -> memref<48x128xf32, #tpu.memory_space<vmem>>
      %dma_wait3A_234 = arith.constant 0 : i32
      %dma_wait3A_235 = tpu.memref_slice %arg16[%add3A_22, %dma_wait3A_234] : memref<10240x128xf32, #tpu.memory_space<vmem_shared>> -> memref<48x128xf32, #tpu.memory_space<vmem_shared>>
      %dma_wait3A_236 = arith.constant 0 : i32
      %dma_wait3A_237 = tpu.memref_slice %arg16[%add3A_22, %dma_wait3A_236] : memref<10240x128xf32, #tpu.memory_space<vmem_shared>> -> memref<48x128xf32, #tpu.memory_space<vmem_shared>>
      %dma_wait3A_238 = arith.constant 0 : i32
      %dma_wait3A_239 = arith.constant 0 : i32
      %dma_wait3A_240 = tpu.memref_slice %arg15[%run_scoped3A_23, %dma_wait3A_238, %dma_wait3A_239] : memref<2x48x128xf32, #tpu.memory_space<vmem>> -> memref<1x48x128xf32, #tpu.memory_space<vmem>>
      %dma_wait3A_241 = tpu.memref_squeeze %dma_wait3A_240 : memref<1x48x128xf32, #tpu.memory_space<vmem>> -> memref<48x128xf32, #tpu.memory_space<vmem>>
      tpu.wait_dma2 semaphore(%run_scoped3A_217 : memref<!tpu.dma_semaphore, #tpu.memory_space<semaphore_mem>>) src(%dma_wait3A_241 : memref<48x128xf32, #tpu.memory_space<vmem>>) dst(%dma_wait3A_237 : memref<48x128xf32, #tpu.memory_space<vmem_shared>>)
      tpu.yield
    }) : () -> ()
    %add3A_24 = arith.constant 240 : i32
    %add3A_25 = arith.addi %mul3A_8, %add3A_24 : i32
    %run_scoped3A_26 = arith.constant 0 : i32
    "tpu.region"() ({
      %run_scoped3A_217 = tpu.sem_alloc : memref<!tpu.dma_semaphore, #tpu.memory_space<semaphore_mem>>
      %dma_start3A_218 = arith.constant 0 : i32
      %dma_start3A_219 = arith.constant 0 : i32
      %dma_start3A_220 = tpu.memref_slice %arg15[%run_scoped3A_26, %dma_start3A_218, %dma_start3A_219] : memref<2x48x128xf32, #tpu.memory_space<vmem>> -> memref<1x48x128xf32, #tpu.memory_space<vmem>>
      %dma_start3A_221 = tpu.memref_squeeze %dma_start3A_220 : memref<1x48x128xf32, #tpu.memory_space<vmem>> -> memref<48x128xf32, #tpu.memory_space<vmem>>
      %dma_start3A_222 = arith.constant 0 : i32
      %dma_start3A_223 = tpu.memref_slice %arg16[%add3A_25, %dma_start3A_222] : memref<10240x128xf32, #tpu.memory_space<vmem_shared>> -> memref<48x128xf32, #tpu.memory_space<vmem_shared>>
      %dma_start3A_224 = arith.constant 0 : i32
      %dma_start3A_225 = tpu.memref_slice %arg16[%add3A_25, %dma_start3A_224] : memref<10240x128xf32, #tpu.memory_space<vmem_shared>> -> memref<48x128xf32, #tpu.memory_space<vmem_shared>>
      %dma_start3A_226 = arith.constant 0 : i32
      %dma_start3A_227 = arith.constant 0 : i32
      %dma_start3A_228 = tpu.memref_slice %arg15[%run_scoped3A_26, %dma_start3A_226, %dma_start3A_227] : memref<2x48x128xf32, #tpu.memory_space<vmem>> -> memref<1x48x128xf32, #tpu.memory_space<vmem>>
      %dma_start3A_229 = tpu.memref_squeeze %dma_start3A_228 : memref<1x48x128xf32, #tpu.memory_space<vmem>> -> memref<48x128xf32, #tpu.memory_space<vmem>>
      tpu.enqueue_dma source(%dma_start3A_229 : memref<48x128xf32, #tpu.memory_space<vmem>>) target(%dma_start3A_225 : memref<48x128xf32, #tpu.memory_space<vmem_shared>>) target_semaphore(%run_scoped3A_217 : memref<!tpu.dma_semaphore, #tpu.memory_space<semaphore_mem>>)
      %dma_wait3A_230 = arith.constant 0 : i32
      %dma_wait3A_231 = arith.constant 0 : i32
      %dma_wait3A_232 = tpu.memref_slice %arg15[%run_scoped3A_26, %dma_wait3A_230, %dma_wait3A_231] : memref<2x48x128xf32, #tpu.memory_space<vmem>> -> memref<1x48x128xf32, #tpu.memory_space<vmem>>
      %dma_wait3A_233 = tpu.memref_squeeze %dma_wait3A_232 : memref<1x48x128xf32, #tpu.memory_space<vmem>> -> memref<48x128xf32, #tpu.memory_space<vmem>>
      %dma_wait3A_234 = arith.constant 0 : i32
      %dma_wait3A_235 = tpu.memref_slice %arg16[%add3A_25, %dma_wait3A_234] : memref<10240x128xf32, #tpu.memory_space<vmem_shared>> -> memref<48x128xf32, #tpu.memory_space<vmem_shared>>
      %dma_wait3A_236 = arith.constant 0 : i32
      %dma_wait3A_237 = tpu.memref_slice %arg16[%add3A_25, %dma_wait3A_236] : memref<10240x128xf32, #tpu.memory_space<vmem_shared>> -> memref<48x128xf32, #tpu.memory_space<vmem_shared>>
      %dma_wait3A_238 = arith.constant 0 : i32
      %dma_wait3A_239 = arith.constant 0 : i32
      %dma_wait3A_240 = tpu.memref_slice %arg15[%run_scoped3A_26, %dma_wait3A_238, %dma_wait3A_239] : memref<2x48x128xf32, #tpu.memory_space<vmem>> -> memref<1x48x128xf32, #tpu.memory_space<vmem>>
      %dma_wait3A_241 = tpu.memref_squeeze %dma_wait3A_240 : memref<1x48x128xf32, #tpu.memory_space<vmem>> -> memref<48x128xf32, #tpu.memory_space<vmem>>
      tpu.wait_dma2 semaphore(%run_scoped3A_217 : memref<!tpu.dma_semaphore, #tpu.memory_space<semaphore_mem>>) src(%dma_wait3A_241 : memref<48x128xf32, #tpu.memory_space<vmem>>) dst(%dma_wait3A_237 : memref<48x128xf32, #tpu.memory_space<vmem_shared>>)
      tpu.yield
    }) : () -> ()
    %add3A_27 = arith.constant 288 : i32
    %add3A_28 = arith.addi %mul3A_8, %add3A_27 : i32
    %run_scoped3A_29 = arith.constant 0 : i32
    "tpu.region"() ({
      %run_scoped3A_217 = tpu.sem_alloc : memref<!tpu.dma_semaphore, #tpu.memory_space<semaphore_mem>>
      %dma_start3A_218 = arith.constant 0 : i32
      %dma_start3A_219 = arith.constant 0 : i32
      %dma_start3A_220 = tpu.memref_slice %arg15[%run_scoped3A_29, %dma_start3A_218, %dma_start3A_219] : memref<2x48x128xf32, #tpu.memory_space<vmem>> -> memref<1x32x128xf32, #tpu.memory_space<vmem>>
      %dma_start3A_221 = tpu.memref_squeeze %dma_start3A_220 : memref<1x32x128xf32, #tpu.memory_space<vmem>> -> memref<32x128xf32, #tpu.memory_space<vmem>>
      %dma_start3A_222 = arith.constant 0 : i32
      %dma_start3A_223 = tpu.memref_slice %arg16[%add3A_28, %dma_start3A_222] : memref<10240x128xf32, #tpu.memory_space<vmem_shared>> -> memref<32x128xf32, #tpu.memory_space<vmem_shared>>
      %dma_start3A_224 = arith.constant 0 : i32
      %dma_start3A_225 = tpu.memref_slice %arg16[%add3A_28, %dma_start3A_224] : memref<10240x128xf32, #tpu.memory_space<vmem_shared>> -> memref<32x128xf32, #tpu.memory_space<vmem_shared>>
      %dma_start3A_226 = arith.constant 0 : i32
      %dma_start3A_227 = arith.constant 0 : i32
      %dma_start3A_228 = tpu.memref_slice %arg15[%run_scoped3A_29, %dma_start3A_226, %dma_start3A_227] : memref<2x48x128xf32, #tpu.memory_space<vmem>> -> memref<1x32x128xf32, #tpu.memory_space<vmem>>
      %dma_start3A_229 = tpu.memref_squeeze %dma_start3A_228 : memref<1x32x128xf32, #tpu.memory_space<vmem>> -> memref<32x128xf32, #tpu.memory_space<vmem>>
      tpu.enqueue_dma source(%dma_start3A_229 : memref<32x128xf32, #tpu.memory_space<vmem>>) target(%dma_start3A_225 : memref<32x128xf32, #tpu.memory_space<vmem_shared>>) target_semaphore(%run_scoped3A_217 : memref<!tpu.dma_semaphore, #tpu.memory_space<semaphore_mem>>)
      %dma_wait3A_230 = arith.constant 0 : i32
      %dma_wait3A_231 = arith.constant 0 : i32
      %dma_wait3A_232 = tpu.memref_slice %arg15[%run_scoped3A_29, %dma_wait3A_230, %dma_wait3A_231] : memref<2x48x128xf32, #tpu.memory_space<vmem>> -> memref<1x32x128xf32, #tpu.memory_space<vmem>>
      %dma_wait3A_233 = tpu.memref_squeeze %dma_wait3A_232 : memref<1x32x128xf32, #tpu.memory_space<vmem>> -> memref<32x128xf32, #tpu.memory_space<vmem>>
      %dma_wait3A_234 = arith.constant 0 : i32
      %dma_wait3A_235 = tpu.memref_slice %arg16[%add3A_28, %dma_wait3A_234] : memref<10240x128xf32, #tpu.memory_space<vmem_shared>> -> memref<32x128xf32, #tpu.memory_space<vmem_shared>>
      %dma_wait3A_236 = arith.constant 0 : i32
      %dma_wait3A_237 = tpu.memref_slice %arg16[%add3A_28, %dma_wait3A_236] : memref<10240x128xf32, #tpu.memory_space<vmem_shared>> -> memref<32x128xf32, #tpu.memory_space<vmem_shared>>
      %dma_wait3A_238 = arith.constant 0 : i32
      %dma_wait3A_239 = arith.constant 0 : i32
      %dma_wait3A_240 = tpu.memref_slice %arg15[%run_scoped3A_29, %dma_wait3A_238, %dma_wait3A_239] : memref<2x48x128xf32, #tpu.memory_space<vmem>> -> memref<1x32x128xf32, #tpu.memory_space<vmem>>
      %dma_wait3A_241 = tpu.memref_squeeze %dma_wait3A_240 : memref<1x32x128xf32, #tpu.memory_space<vmem>> -> memref<32x128xf32, #tpu.memory_space<vmem>>
      tpu.wait_dma2 semaphore(%run_scoped3A_217 : memref<!tpu.dma_semaphore, #tpu.memory_space<semaphore_mem>>) src(%dma_wait3A_241 : memref<32x128xf32, #tpu.memory_space<vmem>>) dst(%dma_wait3A_237 : memref<32x128xf32, #tpu.memory_space<vmem_shared>>)
      tpu.yield
    }) : () -> ()
    %mul3A_30 = arith.constant 320 : i32
    %mul3A_31 = arith.muli %add3A, %mul3A_30 : i32
    %run_scoped3A_32 = arith.constant 0 : i32
    %run_scoped3A_33 = arith.constant 0 : i32
    "tpu.region"() ({
      %run_scoped3A_217 = tpu.sem_alloc : memref<!tpu.dma_semaphore, #tpu.memory_space<semaphore_mem>>
      %dma_start3A_218 = arith.constant 0 : i32
      %dma_start3A_219 = tpu.memref_slice %arg15[%run_scoped3A_32, %run_scoped3A_33, %dma_start3A_218] : memref<2x48x128xf32, #tpu.memory_space<vmem>> -> memref<1x1x128xf32, #tpu.memory_space<vmem>>
      %dma_start3A_220 = tpu.memref_squeeze %dma_start3A_219 : memref<1x1x128xf32, #tpu.memory_space<vmem>> -> memref<128xf32, #tpu.memory_space<vmem>>
      %dma_start3A_221 = tpu.memref_slice %arg17[%mul3A_31] : memref<10240xf32, #tpu.memory_space<vmem_shared>> -> memref<128xf32, #tpu.memory_space<vmem_shared>>
      %dma_start3A_222 = tpu.memref_slice %arg17[%mul3A_31] : memref<10240xf32, #tpu.memory_space<vmem_shared>> -> memref<128xf32, #tpu.memory_space<vmem_shared>>
      %dma_start3A_223 = arith.constant 0 : i32
      %dma_start3A_224 = tpu.memref_slice %arg15[%run_scoped3A_32, %run_scoped3A_33, %dma_start3A_223] : memref<2x48x128xf32, #tpu.memory_space<vmem>> -> memref<1x1x128xf32, #tpu.memory_space<vmem>>
      %dma_start3A_225 = tpu.memref_squeeze %dma_start3A_224 : memref<1x1x128xf32, #tpu.memory_space<vmem>> -> memref<128xf32, #tpu.memory_space<vmem>>
      tpu.enqueue_dma source(%dma_start3A_225 : memref<128xf32, #tpu.memory_space<vmem>>) target(%dma_start3A_222 : memref<128xf32, #tpu.memory_space<vmem_shared>>) target_semaphore(%run_scoped3A_217 : memref<!tpu.dma_semaphore, #tpu.memory_space<semaphore_mem>>)
      %dma_wait3A_226 = arith.constant 0 : i32
      %dma_wait3A_227 = tpu.memref_slice %arg15[%run_scoped3A_32, %run_scoped3A_33, %dma_wait3A_226] : memref<2x48x128xf32, #tpu.memory_space<vmem>> -> memref<1x1x128xf32, #tpu.memory_space<vmem>>
      %dma_wait3A_228 = tpu.memref_squeeze %dma_wait3A_227 : memref<1x1x128xf32, #tpu.memory_space<vmem>> -> memref<128xf32, #tpu.memory_space<vmem>>
      %dma_wait3A_229 = tpu.memref_slice %arg17[%mul3A_31] : memref<10240xf32, #tpu.memory_space<vmem_shared>> -> memref<128xf32, #tpu.memory_space<vmem_shared>>
      %dma_wait3A_230 = tpu.memref_slice %arg17[%mul3A_31] : memref<10240xf32, #tpu.memory_space<vmem_shared>> -> memref<128xf32, #tpu.memory_space<vmem_shared>>
      %dma_wait3A_231 = arith.constant 0 : i32
      %dma_wait3A_232 = tpu.memref_slice %arg15[%run_scoped3A_32, %run_scoped3A_33, %dma_wait3A_231] : memref<2x48x128xf32, #tpu.memory_space<vmem>> -> memref<1x1x128xf32, #tpu.memory_space<vmem>>
      %dma_wait3A_233 = tpu.memref_squeeze %dma_wait3A_232 : memref<1x1x128xf32, #tpu.memory_space<vmem>> -> memref<128xf32, #tpu.memory_space<vmem>>
      tpu.wait_dma2 semaphore(%run_scoped3A_217 : memref<!tpu.dma_semaphore, #tpu.memory_space<semaphore_mem>>) src(%dma_wait3A_233 : memref<128xf32, #tpu.memory_space<vmem>>) dst(%dma_wait3A_230 : memref<128xf32, #tpu.memory_space<vmem_shared>>)
      tpu.yield
    }) : () -> ()
    %add3A_34 = arith.constant 128 : i32
    %add3A_35 = arith.addi %mul3A_31, %add3A_34 : i32
    %run_scoped3A_36 = arith.constant 0 : i32
    %run_scoped3A_37 = arith.constant 0 : i32
    "tpu.region"() ({
      %run_scoped3A_217 = tpu.sem_alloc : memref<!tpu.dma_semaphore, #tpu.memory_space<semaphore_mem>>
      %dma_start3A_218 = arith.constant 0 : i32
      %dma_start3A_219 = tpu.memref_slice %arg15[%run_scoped3A_36, %run_scoped3A_37, %dma_start3A_218] : memref<2x48x128xf32, #tpu.memory_space<vmem>> -> memref<1x1x128xf32, #tpu.memory_space<vmem>>
      %dma_start3A_220 = tpu.memref_squeeze %dma_start3A_219 : memref<1x1x128xf32, #tpu.memory_space<vmem>> -> memref<128xf32, #tpu.memory_space<vmem>>
      %dma_start3A_221 = tpu.memref_slice %arg17[%add3A_35] : memref<10240xf32, #tpu.memory_space<vmem_shared>> -> memref<128xf32, #tpu.memory_space<vmem_shared>>
      %dma_start3A_222 = tpu.memref_slice %arg17[%add3A_35] : memref<10240xf32, #tpu.memory_space<vmem_shared>> -> memref<128xf32, #tpu.memory_space<vmem_shared>>
      %dma_start3A_223 = arith.constant 0 : i32
      %dma_start3A_224 = tpu.memref_slice %arg15[%run_scoped3A_36, %run_scoped3A_37, %dma_start3A_223] : memref<2x48x128xf32, #tpu.memory_space<vmem>> -> memref<1x1x128xf32, #tpu.memory_space<vmem>>
      %dma_start3A_225 = tpu.memref_squeeze %dma_start3A_224 : memref<1x1x128xf32, #tpu.memory_space<vmem>> -> memref<128xf32, #tpu.memory_space<vmem>>
      tpu.enqueue_dma source(%dma_start3A_225 : memref<128xf32, #tpu.memory_space<vmem>>) target(%dma_start3A_222 : memref<128xf32, #tpu.memory_space<vmem_shared>>) target_semaphore(%run_scoped3A_217 : memref<!tpu.dma_semaphore, #tpu.memory_space<semaphore_mem>>)
      %dma_wait3A_226 = arith.constant 0 : i32
      %dma_wait3A_227 = tpu.memref_slice %arg15[%run_scoped3A_36, %run_scoped3A_37, %dma_wait3A_226] : memref<2x48x128xf32, #tpu.memory_space<vmem>> -> memref<1x1x128xf32, #tpu.memory_space<vmem>>
      %dma_wait3A_228 = tpu.memref_squeeze %dma_wait3A_227 : memref<1x1x128xf32, #tpu.memory_space<vmem>> -> memref<128xf32, #tpu.memory_space<vmem>>
      %dma_wait3A_229 = tpu.memref_slice %arg17[%add3A_35] : memref<10240xf32, #tpu.memory_space<vmem_shared>> -> memref<128xf32, #tpu.memory_space<vmem_shared>>
      %dma_wait3A_230 = tpu.memref_slice %arg17[%add3A_35] : memref<10240xf32, #tpu.memory_space<vmem_shared>> -> memref<128xf32, #tpu.memory_space<vmem_shared>>
      %dma_wait3A_231 = arith.constant 0 : i32
      %dma_wait3A_232 = tpu.memref_slice %arg15[%run_scoped3A_36, %run_scoped3A_37, %dma_wait3A_231] : memref<2x48x128xf32, #tpu.memory_space<vmem>> -> memref<1x1x128xf32, #tpu.memory_space<vmem>>
      %dma_wait3A_233 = tpu.memref_squeeze %dma_wait3A_232 : memref<1x1x128xf32, #tpu.memory_space<vmem>> -> memref<128xf32, #tpu.memory_space<vmem>>
      tpu.wait_dma2 semaphore(%run_scoped3A_217 : memref<!tpu.dma_semaphore, #tpu.memory_space<semaphore_mem>>) src(%dma_wait3A_233 : memref<128xf32, #tpu.memory_space<vmem>>) dst(%dma_wait3A_230 : memref<128xf32, #tpu.memory_space<vmem_shared>>)
      tpu.yield
    }) : () -> ()
    %add3A_38 = arith.constant 256 : i32
    %add3A_39 = arith.addi %mul3A_31, %add3A_38 : i32
    %run_scoped3A_40 = arith.constant 0 : i32
    %run_scoped3A_41 = arith.constant 0 : i32
    "tpu.region"() ({
      %run_scoped3A_217 = tpu.sem_alloc : memref<!tpu.dma_semaphore, #tpu.memory_space<semaphore_mem>>
      %dma_start3A_218 = arith.constant 0 : i32
      %dma_start3A_219 = tpu.memref_slice %arg15[%run_scoped3A_40, %run_scoped3A_41, %dma_start3A_218] : memref<2x48x128xf32, #tpu.memory_space<vmem>> -> memref<1x1x64xf32, #tpu.memory_space<vmem>>
      %dma_start3A_220 = tpu.memref_squeeze %dma_start3A_219 : memref<1x1x64xf32, #tpu.memory_space<vmem>> -> memref<64xf32, #tpu.memory_space<vmem>>
      %dma_start3A_221 = tpu.memref_slice %arg17[%add3A_39] : memref<10240xf32, #tpu.memory_space<vmem_shared>> -> memref<64xf32, #tpu.memory_space<vmem_shared>>
      %dma_start3A_222 = tpu.memref_slice %arg17[%add3A_39] : memref<10240xf32, #tpu.memory_space<vmem_shared>> -> memref<64xf32, #tpu.memory_space<vmem_shared>>
      %dma_start3A_223 = arith.constant 0 : i32
      %dma_start3A_224 = tpu.memref_slice %arg15[%run_scoped3A_40, %run_scoped3A_41, %dma_start3A_223] : memref<2x48x128xf32, #tpu.memory_space<vmem>> -> memref<1x1x64xf32, #tpu.memory_space<vmem>>
      %dma_start3A_225 = tpu.memref_squeeze %dma_start3A_224 : memref<1x1x64xf32, #tpu.memory_space<vmem>> -> memref<64xf32, #tpu.memory_space<vmem>>
      tpu.enqueue_dma source(%dma_start3A_225 : memref<64xf32, #tpu.memory_space<vmem>>) target(%dma_start3A_222 : memref<64xf32, #tpu.memory_space<vmem_shared>>) target_semaphore(%run_scoped3A_217 : memref<!tpu.dma_semaphore, #tpu.memory_space<semaphore_mem>>)
      %dma_wait3A_226 = arith.constant 0 : i32
      %dma_wait3A_227 = tpu.memref_slice %arg15[%run_scoped3A_40, %run_scoped3A_41, %dma_wait3A_226] : memref<2x48x128xf32, #tpu.memory_space<vmem>> -> memref<1x1x64xf32, #tpu.memory_space<vmem>>
      %dma_wait3A_228 = tpu.memref_squeeze %dma_wait3A_227 : memref<1x1x64xf32, #tpu.memory_space<vmem>> -> memref<64xf32, #tpu.memory_space<vmem>>
      %dma_wait3A_229 = tpu.memref_slice %arg17[%add3A_39] : memref<10240xf32, #tpu.memory_space<vmem_shared>> -> memref<64xf32, #tpu.memory_space<vmem_shared>>
      %dma_wait3A_230 = tpu.memref_slice %arg17[%add3A_39] : memref<10240xf32, #tpu.memory_space<vmem_shared>> -> memref<64xf32, #tpu.memory_space<vmem_shared>>
      %dma_wait3A_231 = arith.constant 0 : i32
      %dma_wait3A_232 = tpu.memref_slice %arg15[%run_scoped3A_40, %run_scoped3A_41, %dma_wait3A_231] : memref<2x48x128xf32, #tpu.memory_space<vmem>> -> memref<1x1x64xf32, #tpu.memory_space<vmem>>
      %dma_wait3A_233 = tpu.memref_squeeze %dma_wait3A_232 : memref<1x1x64xf32, #tpu.memory_space<vmem>> -> memref<64xf32, #tpu.memory_space<vmem>>
      tpu.wait_dma2 semaphore(%run_scoped3A_217 : memref<!tpu.dma_semaphore, #tpu.memory_space<semaphore_mem>>) src(%dma_wait3A_233 : memref<64xf32, #tpu.memory_space<vmem>>) dst(%dma_wait3A_230 : memref<64xf32, #tpu.memory_space<vmem_shared>>)
      tpu.yield
    }) : () -> ()
    %barrier3A = arith.constant 0 : index
    tpu.barrier barrier_id(%barrier3A)
    %broadcast_in_dim3A = arith.constant -1.000000e+30 : f32
    %broadcast_in_dim3A_42 = vector.broadcast %broadcast_in_dim3A : f32 to vector<16xf32>
    %scan3A_43 = arith.constant 0 : i32
    %scan3A_44 = arith.constant 640 : i32
    %scan3A_45 = arith.addi %scan3A_43, %scan3A_44 : i32
    %scan3A_46 = arith.constant 1 : i32
    %scan3A_47 = scf.for %scan3A_217 = %scan3A_43 to %scan3A_45 step %scan3A_46 iter_args(%scan3A_218 = %broadcast_in_dim3A_42) -> (vector<16xf32>)  : i32 {
      %mul3A_219 = arith.constant 16 : i32
      %mul3A_220 = arith.muli %scan3A_217, %mul3A_219 : i32
      %get3A = arith.index_cast %mul3A_220 : i32 to index
      %get3A_221 = tpu.vector_load %arg8[%get3A] {strides = array<i32>} : memref<10240xf32, #tpu.memory_space<vmem>>, vector<16xf32>,
      %max3A_222 = arith.maximumf %scan3A_218, %get3A_221 : vector<16xf32>
      scf.yield %max3A_222 : vector<16xf32>
    }
    %scan3A_48 = arith.constant 640 : i32
    %swap3A = arith.constant 0 : index
    %swap3A_49 = tpu.vector_load %arg14[%swap3A] {strides = array<i32>} : memref<128xf32, #tpu.memory_space<vmem>>, vector<16xf32>,
    tpu.vector_store %arg14[%swap3A], %scan3A_47 {strides = array<i32>} : memref<128xf32, #tpu.memory_space<vmem>>, vector<16xf32>,
    %iota3A = tpu.iota {dimensions = array<i32: 0>} : vector<16xi32>
    %add3A_50 = arith.constant 1 : i32
    %add3A_51 = vector.broadcast %add3A_50 : i32 to vector<16xi32>
    %add3A_52 = arith.addi %iota3A, %add3A_51 : vector<16xi32>
    %jit3A = arith.constant 16 : i32
    %eq3A = arith.constant 0 : i32
    %eq3A_53 = arith.cmpi eq, %jit3A, %eq3A : i32
    %jit3A_54 = arith.constant 1 : i32
    %select_n3A = arith.select %eq3A_53, %jit3A_54, %jit3A : i32
    %rem3A = vector.broadcast %select_n3A : i32 to vector<16xi32>
    %rem3A_55 = arith.remsi %add3A_52, %rem3A : vector<16xi32>
    %ne3A = arith.constant 0 : i32
    %ne3A_56 = vector.broadcast %ne3A : i32 to vector<16xi32>
    %ne3A_57 = arith.cmpi ne, %rem3A_55, %ne3A_56 : vector<16xi32>
    %lt3A = arith.constant 0 : i32
    %lt3A_58 = vector.broadcast %lt3A : i32 to vector<16xi32>
    %lt3A_59 = arith.cmpi slt, %rem3A_55, %lt3A_58 : vector<16xi32>
    %lt3A_60 = arith.constant 0 : i32
    %lt3A_61 = arith.cmpi slt, %select_n3A, %lt3A_60 : i32
    %ne3A_62 = vector.broadcast %lt3A_61 : i1 to vector<16xi1>
    %ne3A_63 = vector.broadcast %ne3A_62 : vector<16xi1> to vector<16xi1>
    %ne3A_64 = arith.xori %lt3A_59, %ne3A_63 : vector<16xi1>
    %and3A = arith.andi %ne3A_64, %ne3A_57 : vector<16xi1>
    %add3A_65 = vector.broadcast %select_n3A : i32 to vector<16xi32>
    %add3A_66 = arith.addi %rem3A_55, %add3A_65 : vector<16xi32>
    %select_n3A_67 = arith.select %and3A, %add3A_66, %rem3A_55 : vector<16xi1>, vector<16xi32>
    %gather3A = tpu.vector_load_idx %arg14[%select_n3A_67] : memref<128xf32, #tpu.memory_space<vmem>>[vector<16xi32>], vector<16xf32>,
    %max3A = arith.maximumf %scan3A_47, %gather3A : vector<16xf32>
    %swap3A_68 = arith.constant 0 : index
    %swap3A_69 = tpu.vector_load %arg14[%swap3A_68] {strides = array<i32>} : memref<128xf32, #tpu.memory_space<vmem>>, vector<16xf32>,
    tpu.vector_store %arg14[%swap3A_68], %max3A {strides = array<i32>} : memref<128xf32, #tpu.memory_space<vmem>>, vector<16xf32>,
    %iota3A_70 = tpu.iota {dimensions = array<i32: 0>} : vector<16xi32>
    %add3A_71 = arith.constant 2 : i32
    %add3A_72 = vector.broadcast %add3A_71 : i32 to vector<16xi32>
    %add3A_73 = arith.addi %iota3A_70, %add3A_72 : vector<16xi32>
    %jit3A_74 = arith.constant 16 : i32
    %eq3A_75 = arith.constant 0 : i32
    %eq3A_76 = arith.cmpi eq, %jit3A_74, %eq3A_75 : i32
    %jit3A_77 = arith.constant 1 : i32
    %select_n3A_78 = arith.select %eq3A_76, %jit3A_77, %jit3A_74 : i32
    %rem3A_79 = vector.broadcast %select_n3A_78 : i32 to vector<16xi32>
    %rem3A_80 = arith.remsi %add3A_73, %rem3A_79 : vector<16xi32>
    %ne3A_81 = arith.constant 0 : i32
    %ne3A_82 = vector.broadcast %ne3A_81 : i32 to vector<16xi32>
    %ne3A_83 = arith.cmpi ne, %rem3A_80, %ne3A_82 : vector<16xi32>
    %lt3A_84 = arith.constant 0 : i32
    %lt3A_85 = vector.broadcast %lt3A_84 : i32 to vector<16xi32>
    %lt3A_86 = arith.cmpi slt, %rem3A_80, %lt3A_85 : vector<16xi32>
    %lt3A_87 = arith.constant 0 : i32
    %lt3A_88 = arith.cmpi slt, %select_n3A_78, %lt3A_87 : i32
    %ne3A_89 = vector.broadcast %lt3A_88 : i1 to vector<16xi1>
    %ne3A_90 = vector.broadcast %ne3A_89 : vector<16xi1> to vector<16xi1>
    %ne3A_91 = arith.xori %lt3A_86, %ne3A_90 : vector<16xi1>
    %and3A_92 = arith.andi %ne3A_91, %ne3A_83 : vector<16xi1>
    %add3A_93 = vector.broadcast %select_n3A_78 : i32 to vector<16xi32>
    %add3A_94 = arith.addi %rem3A_80, %add3A_93 : vector<16xi32>
    %select_n3A_95 = arith.select %and3A_92, %add3A_94, %rem3A_80 : vector<16xi1>, vector<16xi32>
    %gather3A_96 = tpu.vector_load_idx %arg14[%select_n3A_95] : memref<128xf32, #tpu.memory_space<vmem>>[vector<16xi32>], vector<16xf32>,
    %max3A_97 = arith.maximumf %max3A, %gather3A_96 : vector<16xf32>
    %swap3A_98 = arith.constant 0 : index
    %swap3A_99 = tpu.vector_load %arg14[%swap3A_98] {strides = array<i32>} : memref<128xf32, #tpu.memory_space<vmem>>, vector<16xf32>,
    tpu.vector_store %arg14[%swap3A_98], %max3A_97 {strides = array<i32>} : memref<128xf32, #tpu.memory_space<vmem>>, vector<16xf32>,
    %iota3A_100 = tpu.iota {dimensions = array<i32: 0>} : vector<16xi32>
    %add3A_101 = arith.constant 4 : i32
    %add3A_102 = vector.broadcast %add3A_101 : i32 to vector<16xi32>
    %add3A_103 = arith.addi %iota3A_100, %add3A_102 : vector<16xi32>
    %jit3A_104 = arith.constant 16 : i32
    %eq3A_105 = arith.constant 0 : i32
    %eq3A_106 = arith.cmpi eq, %jit3A_104, %eq3A_105 : i32
    %jit3A_107 = arith.constant 1 : i32
    %select_n3A_108 = arith.select %eq3A_106, %jit3A_107, %jit3A_104 : i32
    %rem3A_109 = vector.broadcast %select_n3A_108 : i32 to vector<16xi32>
    %rem3A_110 = arith.remsi %add3A_103, %rem3A_109 : vector<16xi32>
    %ne3A_111 = arith.constant 0 : i32
    %ne3A_112 = vector.broadcast %ne3A_111 : i32 to vector<16xi32>
    %ne3A_113 = arith.cmpi ne, %rem3A_110, %ne3A_112 : vector<16xi32>
    %lt3A_114 = arith.constant 0 : i32
    %lt3A_115 = vector.broadcast %lt3A_114 : i32 to vector<16xi32>
    %lt3A_116 = arith.cmpi slt, %rem3A_110, %lt3A_115 : vector<16xi32>
    %lt3A_117 = arith.constant 0 : i32
    %lt3A_118 = arith.cmpi slt, %select_n3A_108, %lt3A_117 : i32
    %ne3A_119 = vector.broadcast %lt3A_118 : i1 to vector<16xi1>
    %ne3A_120 = vector.broadcast %ne3A_119 : vector<16xi1> to vector<16xi1>
    %ne3A_121 = arith.xori %lt3A_116, %ne3A_120 : vector<16xi1>
    %and3A_122 = arith.andi %ne3A_121, %ne3A_113 : vector<16xi1>
    %add3A_123 = vector.broadcast %select_n3A_108 : i32 to vector<16xi32>
    %add3A_124 = arith.addi %rem3A_110, %add3A_123 : vector<16xi32>
    %select_n3A_125 = arith.select %and3A_122, %add3A_124, %rem3A_110 : vector<16xi1>, vector<16xi32>
    %gather3A_126 = tpu.vector_load_idx %arg14[%select_n3A_125] : memref<128xf32, #tpu.memory_space<vmem>>[vector<16xi32>], vector<16xf32>,
    %max3A_127 = arith.maximumf %max3A_97, %gather3A_126 : vector<16xf32>
    %swap3A_128 = arith.constant 0 : index
    %swap3A_129 = tpu.vector_load %arg14[%swap3A_128] {strides = array<i32>} : memref<128xf32, #tpu.memory_space<vmem>>, vector<16xf32>,
    tpu.vector_store %arg14[%swap3A_128], %max3A_127 {strides = array<i32>} : memref<128xf32, #tpu.memory_space<vmem>>, vector<16xf32>,
    %iota3A_130 = tpu.iota {dimensions = array<i32: 0>} : vector<16xi32>
    %add3A_131 = arith.constant 8 : i32
    %add3A_132 = vector.broadcast %add3A_131 : i32 to vector<16xi32>
    %add3A_133 = arith.addi %iota3A_130, %add3A_132 : vector<16xi32>
    %jit3A_134 = arith.constant 16 : i32
    %eq3A_135 = arith.constant 0 : i32
    %eq3A_136 = arith.cmpi eq, %jit3A_134, %eq3A_135 : i32
    %jit3A_137 = arith.constant 1 : i32
    %select_n3A_138 = arith.select %eq3A_136, %jit3A_137, %jit3A_134 : i32
    %rem3A_139 = vector.broadcast %select_n3A_138 : i32 to vector<16xi32>
    %rem3A_140 = arith.remsi %add3A_133, %rem3A_139 : vector<16xi32>
    %ne3A_141 = arith.constant 0 : i32
    %ne3A_142 = vector.broadcast %ne3A_141 : i32 to vector<16xi32>
    %ne3A_143 = arith.cmpi ne, %rem3A_140, %ne3A_142 : vector<16xi32>
    %lt3A_144 = arith.constant 0 : i32
    %lt3A_145 = vector.broadcast %lt3A_144 : i32 to vector<16xi32>
    %lt3A_146 = arith.cmpi slt, %rem3A_140, %lt3A_145 : vector<16xi32>
    %lt3A_147 = arith.constant 0 : i32
    %lt3A_148 = arith.cmpi slt, %select_n3A_138, %lt3A_147 : i32
    %ne3A_149 = vector.broadcast %lt3A_148 : i1 to vector<16xi1>
    %ne3A_150 = vector.broadcast %ne3A_149 : vector<16xi1> to vector<16xi1>
    %ne3A_151 = arith.xori %lt3A_146, %ne3A_150 : vector<16xi1>
    %and3A_152 = arith.andi %ne3A_151, %ne3A_143 : vector<16xi1>
    %add3A_153 = vector.broadcast %select_n3A_138 : i32 to vector<16xi32>
    %add3A_154 = arith.addi %rem3A_140, %add3A_153 : vector<16xi32>
    %select_n3A_155 = arith.select %and3A_152, %add3A_154, %rem3A_140 : vector<16xi1>, vector<16xi32>
    %gather3A_156 = tpu.vector_load_idx %arg14[%select_n3A_155] : memref<128xf32, #tpu.memory_space<vmem>>[vector<16xi32>], vector<16xf32>,
    %max3A_157 = arith.maximumf %max3A_127, %gather3A_156 : vector<16xf32>
    %dma_start3A = arith.constant 0 : i32
    %dma_start3A_158 = arith.constant 0 : i32
    %dma_start3A_159 = tpu.memref_slice %arg4[%add3A, %dma_start3A, %dma_start3A_158] : memref<32x210x48xi32, #tpu.memory_space<hbm>> -> memref<1x1x48xi32, #tpu.memory_space<hbm>>
    %dma_start3A_160 = tpu.memref_squeeze %dma_start3A_159 : memref<1x1x48xi32, #tpu.memory_space<hbm>> -> memref<48xi32, #tpu.memory_space<hbm>>
    %dma_start3A_161 = arith.constant 0 : i32
    %dma_start3A_162 = tpu.memref_slice %arg4[%add3A, %dma_start3A, %dma_start3A_161] : memref<32x210x48xi32, #tpu.memory_space<hbm>> -> memref<1x1x48xi32, #tpu.memory_space<hbm>>
    %dma_start3A_163 = tpu.memref_squeeze %dma_start3A_162 : memref<1x1x48xi32, #tpu.memory_space<hbm>> -> memref<48xi32, #tpu.memory_space<hbm>>
    tpu.enqueue_dma source(%dma_start3A_163 : memref<48xi32, #tpu.memory_space<hbm>>) target(%arg10 : memref<48xi32, #tpu.memory_space<vmem>>) target_semaphore(%arg18 : memref<!tpu.dma_semaphore, #tpu.memory_space<semaphore_mem>>)
    %dma_start3A_164 = arith.constant 0 : i32
    %dma_start3A_165 = arith.constant 0 : i32
    %dma_start3A_166 = tpu.memref_slice %arg5[%add3A, %dma_start3A_164, %dma_start3A_165] : memref<32x210x48xi32, #tpu.memory_space<hbm>> -> memref<1x1x48xi32, #tpu.memory_space<hbm>>
    %dma_start3A_167 = tpu.memref_squeeze %dma_start3A_166 : memref<1x1x48xi32, #tpu.memory_space<hbm>> -> memref<48xi32, #tpu.memory_space<hbm>>
    %dma_start3A_168 = arith.constant 0 : i32
    %dma_start3A_169 = tpu.memref_slice %arg5[%add3A, %dma_start3A_164, %dma_start3A_168] : memref<32x210x48xi32, #tpu.memory_space<hbm>> -> memref<1x1x48xi32, #tpu.memory_space<hbm>>
    %dma_start3A_170 = tpu.memref_squeeze %dma_start3A_169 : memref<1x1x48xi32, #tpu.memory_space<hbm>> -> memref<48xi32, #tpu.memory_space<hbm>>
    tpu.enqueue_dma source(%dma_start3A_170 : memref<48xi32, #tpu.memory_space<hbm>>) target(%arg12 : memref<48xi32, #tpu.memory_space<vmem>>) target_semaphore(%arg20 : memref<!tpu.dma_semaphore, #tpu.memory_space<semaphore_mem>>)
    %dma_start3A_171 = arith.constant 1 : i32
    %dma_start3A_172 = arith.constant 0 : i32
    %dma_start3A_173 = tpu.memref_slice %arg4[%add3A, %dma_start3A_171, %dma_start3A_172] : memref<32x210x48xi32, #tpu.memory_space<hbm>> -> memref<1x1x48xi32, #tpu.memory_space<hbm>>
    %dma_start3A_174 = tpu.memref_squeeze %dma_start3A_173 : memref<1x1x48xi32, #tpu.memory_space<hbm>> -> memref<48xi32, #tpu.memory_space<hbm>>
    %dma_start3A_175 = arith.constant 0 : i32
    %dma_start3A_176 = tpu.memref_slice %arg4[%add3A, %dma_start3A_171, %dma_start3A_175] : memref<32x210x48xi32, #tpu.memory_space<hbm>> -> memref<1x1x48xi32, #tpu.memory_space<hbm>>
    %dma_start3A_177 = tpu.memref_squeeze %dma_start3A_176 : memref<1x1x48xi32, #tpu.memory_space<hbm>> -> memref<48xi32, #tpu.memory_space<hbm>>
    tpu.enqueue_dma source(%dma_start3A_177 : memref<48xi32, #tpu.memory_space<hbm>>) target(%arg11 : memref<48xi32, #tpu.memory_space<vmem>>) target_semaphore(%arg19 : memref<!tpu.dma_semaphore, #tpu.memory_space<semaphore_mem>>)
    %dma_start3A_178 = arith.constant 1 : i32
    %dma_start3A_179 = arith.constant 0 : i32
    %dma_start3A_180 = tpu.memref_slice %arg5[%add3A, %dma_start3A_178, %dma_start3A_179] : memref<32x210x48xi32, #tpu.memory_space<hbm>> -> memref<1x1x48xi32, #tpu.memory_space<hbm>>
    %dma_start3A_181 = tpu.memref_squeeze %dma_start3A_180 : memref<1x1x48xi32, #tpu.memory_space<hbm>> -> memref<48xi32, #tpu.memory_space<hbm>>
    %dma_start3A_182 = arith.constant 0 : i32
    %dma_start3A_183 = tpu.memref_slice %arg5[%add3A, %dma_start3A_178, %dma_start3A_182] : memref<32x210x48xi32, #tpu.memory_space<hbm>> -> memref<1x1x48xi32, #tpu.memory_space<hbm>>
    %dma_start3A_184 = tpu.memref_squeeze %dma_start3A_183 : memref<1x1x48xi32, #tpu.memory_space<hbm>> -> memref<48xi32, #tpu.memory_space<hbm>>
    tpu.enqueue_dma source(%dma_start3A_184 : memref<48xi32, #tpu.memory_space<hbm>>) target(%arg13 : memref<48xi32, #tpu.memory_space<vmem>>) target_semaphore(%arg21 : memref<!tpu.dma_semaphore, #tpu.memory_space<semaphore_mem>>)
    %dma_wait3A = arith.constant 0 : i32
    %dma_wait3A_185 = arith.constant 0 : i32
    %dma_wait3A_186 = tpu.memref_slice %arg4[%add3A, %dma_wait3A, %dma_wait3A_185] : memref<32x210x48xi32, #tpu.memory_space<hbm>> -> memref<1x1x48xi32, #tpu.memory_space<hbm>>
    %dma_wait3A_187 = tpu.memref_squeeze %dma_wait3A_186 : memref<1x1x48xi32, #tpu.memory_space<hbm>> -> memref<48xi32, #tpu.memory_space<hbm>>
    %dma_wait3A_188 = arith.constant 0 : i32
    %dma_wait3A_189 = tpu.memref_slice %arg4[%add3A, %dma_wait3A, %dma_wait3A_188] : memref<32x210x48xi32, #tpu.memory_space<hbm>> -> memref<1x1x48xi32, #tpu.memory_space<hbm>>
    %dma_wait3A_190 = tpu.memref_squeeze %dma_wait3A_189 : memref<1x1x48xi32, #tpu.memory_space<hbm>> -> memref<48xi32, #tpu.memory_space<hbm>>
    tpu.wait_dma2 semaphore(%arg18 : memref<!tpu.dma_semaphore, #tpu.memory_space<semaphore_mem>>) src(%dma_wait3A_190 : memref<48xi32, #tpu.memory_space<hbm>>) dst(%arg10 : memref<48xi32, #tpu.memory_space<vmem>>)
    %dma_start3A_191 = arith.constant 0 : i32
    %dma_start3A_192 = arith.constant 0 : i32
    %dma_start3A_193 = arith.constant 0 : i32
    %dma_start3A_194 = tpu.memref_slice %arg15[%dma_start3A_191, %dma_start3A_192, %dma_start3A_193] : memref<2x48x128xf32, #tpu.memory_space<vmem>> -> memref<1x48x128xf32, #tpu.memory_space<vmem>>
    %dma_start3A_195 = tpu.memref_squeeze %dma_start3A_194 : memref<1x48x128xf32, #tpu.memory_space<vmem>> -> memref<48x128xf32, #tpu.memory_space<vmem>>
    %dma_start3A_196 = arith.constant 0 : i32
    %dma_start3A_197 = arith.constant 0 : i32
    %dma_start3A_198 = tpu.memref_slice %arg2[%dma_start3A_196, %dma_start3A_197] : memref<10240x128xf32, #tpu.memory_space<hbm>> -> memref<48x128xf32, #tpu.memory_space<hbm>>
    %dma_start3A_199 = arith.constant 0 : i32
    %dma_start3A_200 = arith.constant 0 : i32
    %dma_start3A_201 = tpu.memref_slice %arg15[%dma_start3A_191, %dma_start3A_199, %dma_start3A_200] : memref<2x48x128xf32, #tpu.memory_space<vmem>> -> memref<1x48x128xf32, #tpu.memory_space<vmem>>
    %dma_start3A_202 = tpu.memref_squeeze %dma_start3A_201 : memref<1x48x128xf32, #tpu.memory_space<vmem>> -> memref<48x128xf32, #tpu.memory_space<vmem>>
    %dma_start3A_203 = arith.constant 0 : i32
    %dma_start3A_204 = arith.constant 0 : i32
    %dma_start3A_205 = tpu.memref_slice %arg2[%dma_start3A_203, %dma_start3A_204] : memref<10240x128xf32, #tpu.memory_space<hbm>> -> memref<48x128xf32, #tpu.memory_space<hbm>>
    tpu.enqueue_dma source(%dma_start3A_205 : memref<48x128xf32, #tpu.memory_space<hbm>>) target(%dma_start3A_202 : memref<48x128xf32, #tpu.memory_space<vmem>>) target_semaphore(%arg22 : memref<!tpu.dma_semaphore, #tpu.memory_space<semaphore_mem>>)
    %scan3A_206 = arith.constant 0 : i32
    %scan3A_207 = arith.constant 0 : i32
    %scan3A_208 = arith.constant 105 : i32
    %scan3A_209 = arith.addi %scan3A_207, %scan3A_208 : i32
    %scan3A_210 = arith.constant 1 : i32
    scf.for %scan3A_217 = %scan3A_207 to %scan3A_209 step %scan3A_210  : i32 {
      %mul3A_218 = arith.constant 2 : i32
      %mul3A_219 = arith.muli %mul3A_218, %scan3A_217 : i32
      %add3A_220 = arith.constant 0 : i32
      %add3A_221 = arith.addi %mul3A_219, %add3A_220 : i32
      %dma_wait3A_222 = arith.constant 0 : i32
      %dma_wait3A_223 = tpu.memref_slice %arg5[%add3A, %add3A_221, %dma_wait3A_222] : memref<32x210x48xi32, #tpu.memory_space<hbm>> -> memref<1x1x48xi32, #tpu.memory_space<hbm>>
      %dma_wait3A_224 = tpu.memref_squeeze %dma_wait3A_223 : memref<1x1x48xi32, #tpu.memory_space<hbm>> -> memref<48xi32, #tpu.memory_space<hbm>>
      %dma_wait3A_225 = arith.constant 0 : i32
      %dma_wait3A_226 = tpu.memref_slice %arg5[%add3A, %add3A_221, %dma_wait3A_225] : memref<32x210x48xi32, #tpu.memory_space<hbm>> -> memref<1x1x48xi32, #tpu.memory_space<hbm>>
      %dma_wait3A_227 = tpu.memref_squeeze %dma_wait3A_226 : memref<1x1x48xi32, #tpu.memory_space<hbm>> -> memref<48xi32, #tpu.memory_space<hbm>>
      tpu.wait_dma2 semaphore(%arg20 : memref<!tpu.dma_semaphore, #tpu.memory_space<semaphore_mem>>) src(%dma_wait3A_227 : memref<48xi32, #tpu.memory_space<hbm>>) dst(%arg12 : memref<48xi32, #tpu.memory_space<vmem>>)
      %dma_wait3A_228 = arith.constant 0 : i32
      %dma_wait3A_229 = arith.constant 0 : i32
      %dma_wait3A_230 = arith.constant 0 : i32
      %dma_wait3A_231 = tpu.memref_slice %arg15[%dma_wait3A_228, %dma_wait3A_229, %dma_wait3A_230] : memref<2x48x128xf32, #tpu.memory_space<vmem>> -> memref<1x48x128xf32, #tpu.memory_space<vmem>>
      %dma_wait3A_232 = tpu.memref_squeeze %dma_wait3A_231 : memref<1x48x128xf32, #tpu.memory_space<vmem>> -> memref<48x128xf32, #tpu.memory_space<vmem>>
      %dma_wait3A_233 = arith.constant 0 : i32
      %dma_wait3A_234 = arith.constant 0 : i32
      %dma_wait3A_235 = tpu.memref_slice %arg2[%dma_wait3A_233, %dma_wait3A_234] : memref<10240x128xf32, #tpu.memory_space<hbm>> -> memref<48x128xf32, #tpu.memory_space<hbm>>
      %dma_wait3A_236 = arith.constant 0 : i32
      %dma_wait3A_237 = arith.constant 0 : i32
      %dma_wait3A_238 = tpu.memref_slice %arg15[%dma_wait3A_228, %dma_wait3A_236, %dma_wait3A_237] : memref<2x48x128xf32, #tpu.memory_space<vmem>> -> memref<1x48x128xf32, #tpu.memory_space<vmem>>
      %dma_wait3A_239 = tpu.memref_squeeze %dma_wait3A_238 : memref<1x48x128xf32, #tpu.memory_space<vmem>> -> memref<48x128xf32, #tpu.memory_space<vmem>>
      %dma_wait3A_240 = arith.constant 0 : i32
      %dma_wait3A_241 = arith.constant 0 : i32
      %dma_wait3A_242 = tpu.memref_slice %arg2[%dma_wait3A_240, %dma_wait3A_241] : memref<10240x128xf32, #tpu.memory_space<hbm>> -> memref<48x128xf32, #tpu.memory_space<hbm>>
      tpu.wait_dma2 semaphore(%arg22 : memref<!tpu.dma_semaphore, #tpu.memory_space<semaphore_mem>>) src(%dma_wait3A_242 : memref<48x128xf32, #tpu.memory_space<hbm>>) dst(%dma_wait3A_239 : memref<48x128xf32, #tpu.memory_space<vmem>>)
      %get3A = arith.constant 0 : index
      %get3A_243 = tpu.vector_load %arg10[%get3A] {strides = array<i32>} : memref<48xi32, #tpu.memory_space<vmem>>, vector<16xi32>,
      %get3A_244 = arith.constant 0 : index
      %get3A_245 = tpu.vector_load %arg12[%get3A_244] {strides = array<i32>} : memref<48xi32, #tpu.memory_space<vmem>>, vector<16xi32>,
      %gather3A_246 = tpu.vector_load_idx %arg8[%get3A_243] : memref<10240xf32, #tpu.memory_space<vmem>>[vector<16xi32>], vector<16xf32>,
      %gather3A_247 = tpu.vector_load_idx %arg9[%get3A_245] : memref<10240xf32, #tpu.memory_space<vmem>>[vector<16xi32>], vector<16xf32>,
      %add3A_248 = arith.addf %gather3A_246, %gather3A_247 : vector<16xf32>
      %gt3A = arith.constant 0.000000e+00 : f32
      %gt3A_249 = vector.broadcast %gt3A : f32 to vector<16xf32>
      %gt3A_250 = arith.cmpf ogt, %add3A_248, %gt3A_249 : vector<16xf32>
      %mul3A_251 = arith.constant 2.000000e-01 : f32
      %mul3A_252 = vector.broadcast %mul3A_251 : f32 to vector<16xf32>
      %mul3A_253 = arith.mulf %mul3A_252, %add3A_248 : vector<16xf32>
      %select_n3A_254 = arith.select %gt3A_250, %add3A_248, %mul3A_253 : vector<16xi1>, vector<16xf32>
      %add3A_255 = arith.addf %max3A_157, %gather3A_247 : vector<16xf32>
      %gt3A_256 = arith.constant 0.000000e+00 : f32
      %gt3A_257 = vector.broadcast %gt3A_256 : f32 to vector<16xf32>
      %gt3A_258 = arith.cmpf ogt, %add3A_255, %gt3A_257 : vector<16xf32>
      %mul3A_259 = arith.constant 2.000000e-01 : f32
      %mul3A_260 = vector.broadcast %mul3A_259 : f32 to vector<16xf32>
      %mul3A_261 = arith.mulf %mul3A_260, %add3A_255 : vector<16xf32>
      %select_n3A_262 = arith.select %gt3A_258, %add3A_255, %mul3A_261 : vector<16xi1>, vector<16xf32>
      %sub3A = arith.subf %select_n3A_254, %select_n3A_262 : vector<16xf32>
      %exp3A = math.exp %sub3A : vector<16xf32>
      %swap3A_263 = arith.constant 0 : index
      %swap3A_264 = tpu.vector_load %arg14[%swap3A_263] {strides = array<i32>} : memref<128xf32, #tpu.memory_space<vmem>>, vector<16xf32>,
      tpu.vector_store %arg14[%swap3A_263], %exp3A {strides = array<i32>} : memref<128xf32, #tpu.memory_space<vmem>>, vector<16xf32>,
      %get3A_265 = arith.constant 16 : index
      %get3A_266 = tpu.vector_load %arg10[%get3A_265] {strides = array<i32>} : memref<48xi32, #tpu.memory_space<vmem>>, vector<16xi32>,
      %get3A_267 = arith.constant 16 : index
      %get3A_268 = tpu.vector_load %arg12[%get3A_267] {strides = array<i32>} : memref<48xi32, #tpu.memory_space<vmem>>, vector<16xi32>,
      %gather3A_269 = tpu.vector_load_idx %arg8[%get3A_266] : memref<10240xf32, #tpu.memory_space<vmem>>[vector<16xi32>], vector<16xf32>,
      %gather3A_270 = tpu.vector_load_idx %arg9[%get3A_268] : memref<10240xf32, #tpu.memory_space<vmem>>[vector<16xi32>], vector<16xf32>,
      %add3A_271 = arith.addf %gather3A_269, %gather3A_270 : vector<16xf32>
      %gt3A_272 = arith.constant 0.000000e+00 : f32
      %gt3A_273 = vector.broadcast %gt3A_272 : f32 to vector<16xf32>
      %gt3A_274 = arith.cmpf ogt, %add3A_271, %gt3A_273 : vector<16xf32>
      %mul3A_275 = arith.constant 2.000000e-01 : f32
      %mul3A_276 = vector.broadcast %mul3A_275 : f32 to vector<16xf32>
      %mul3A_277 = arith.mulf %mul3A_276, %add3A_271 : vector<16xf32>
      %select_n3A_278 = arith.select %gt3A_274, %add3A_271, %mul3A_277 : vector<16xi1>, vector<16xf32>
      %add3A_279 = arith.addf %max3A_157, %gather3A_270 : vector<16xf32>
      %gt3A_280 = arith.constant 0.000000e+00 : f32
      %gt3A_281 = vector.broadcast %gt3A_280 : f32 to vector<16xf32>
      %gt3A_282 = arith.cmpf ogt, %add3A_279, %gt3A_281 : vector<16xf32>
      %mul3A_283 = arith.constant 2.000000e-01 : f32
      %mul3A_284 = vector.broadcast %mul3A_283 : f32 to vector<16xf32>
      %mul3A_285 = arith.mulf %mul3A_284, %add3A_279 : vector<16xf32>
      %select_n3A_286 = arith.select %gt3A_282, %add3A_279, %mul3A_285 : vector<16xi1>, vector<16xf32>
      %sub3A_287 = arith.subf %select_n3A_278, %select_n3A_286 : vector<16xf32>
      %exp3A_288 = math.exp %sub3A_287 : vector<16xf32>
      %swap3A_289 = arith.constant 16 : index
      %swap3A_290 = tpu.vector_load %arg14[%swap3A_289] {strides = array<i32>} : memref<128xf32, #tpu.memory_space<vmem>>, vector<16xf32>,
      tpu.vector_store %arg14[%swap3A_289], %exp3A_288 {strides = array<i32>} : memref<128xf32, #tpu.memory_space<vmem>>, vector<16xf32>,
      %get3A_291 = arith.constant 32 : index
      %get3A_292 = tpu.vector_load %arg10[%get3A_291] {strides = array<i32>} : memref<48xi32, #tpu.memory_space<vmem>>, vector<16xi32>,
      %get3A_293 = arith.constant 32 : index
      %get3A_294 = tpu.vector_load %arg12[%get3A_293] {strides = array<i32>} : memref<48xi32, #tpu.memory_space<vmem>>, vector<16xi32>,
      %gather3A_295 = tpu.vector_load_idx %arg8[%get3A_292] : memref<10240xf32, #tpu.memory_space<vmem>>[vector<16xi32>], vector<16xf32>,
      %gather3A_296 = tpu.vector_load_idx %arg9[%get3A_294] : memref<10240xf32, #tpu.memory_space<vmem>>[vector<16xi32>], vector<16xf32>,
      %add3A_297 = arith.addf %gather3A_295, %gather3A_296 : vector<16xf32>
      %gt3A_298 = arith.constant 0.000000e+00 : f32
      %gt3A_299 = vector.broadcast %gt3A_298 : f32 to vector<16xf32>
      %gt3A_300 = arith.cmpf ogt, %add3A_297, %gt3A_299 : vector<16xf32>
      %mul3A_301 = arith.constant 2.000000e-01 : f32
      %mul3A_302 = vector.broadcast %mul3A_301 : f32 to vector<16xf32>
      %mul3A_303 = arith.mulf %mul3A_302, %add3A_297 : vector<16xf32>
      %select_n3A_304 = arith.select %gt3A_300, %add3A_297, %mul3A_303 : vector<16xi1>, vector<16xf32>
      %add3A_305 = arith.addf %max3A_157, %gather3A_296 : vector<16xf32>
      %gt3A_306 = arith.constant 0.000000e+00 : f32
      %gt3A_307 = vector.broadcast %gt3A_306 : f32 to vector<16xf32>
      %gt3A_308 = arith.cmpf ogt, %add3A_305, %gt3A_307 : vector<16xf32>
      %mul3A_309 = arith.constant 2.000000e-01 : f32
      %mul3A_310 = vector.broadcast %mul3A_309 : f32 to vector<16xf32>
      %mul3A_311 = arith.mulf %mul3A_310, %add3A_305 : vector<16xf32>
      %select_n3A_312 = arith.select %gt3A_308, %add3A_305, %mul3A_311 : vector<16xi1>, vector<16xf32>
      %sub3A_313 = arith.subf %select_n3A_304, %select_n3A_312 : vector<16xf32>
      %exp3A_314 = math.exp %sub3A_313 : vector<16xf32>
      %swap3A_315 = arith.constant 32 : index
      %swap3A_316 = tpu.vector_load %arg14[%swap3A_315] {strides = array<i32>} : memref<128xf32, #tpu.memory_space<vmem>>, vector<16xf32>,
      tpu.vector_store %arg14[%swap3A_315], %exp3A_314 {strides = array<i32>} : memref<128xf32, #tpu.memory_space<vmem>>, vector<16xf32>,
      %scan3A_317 = arith.constant 0 : i32
      %scan3A_318 = arith.constant 0 : i32
      %scan3A_319 = arith.constant 12 : i32
      %scan3A_320 = arith.addi %scan3A_318, %scan3A_319 : i32
      %scan3A_321 = arith.constant 1 : i32
      scf.for %scan3A_458 = %scan3A_318 to %scan3A_320 step %scan3A_321  : i32 {
        %mul3A_459 = arith.constant 4 : i32
        %mul3A_460 = arith.muli %scan3A_458, %mul3A_459 : i32
        %add3A_461 = arith.constant 0 : i32
        %add3A_462 = arith.addi %mul3A_460, %add3A_461 : i32
        %broadcast_in_dim3A_463 = vector.broadcast %add3A_462 : i32 to vector<16xi32>
        %gather3A_464 = tpu.vector_load_idx %arg14[%broadcast_in_dim3A_463] : memref<128xf32, #tpu.memory_space<vmem>>[vector<16xi32>], vector<16xf32>,
        %add3A_465 = arith.constant 1 : i32
        %add3A_466 = arith.addi %mul3A_460, %add3A_465 : i32
        %broadcast_in_dim3A_467 = vector.broadcast %add3A_466 : i32 to vector<16xi32>
        %gather3A_468 = tpu.vector_load_idx %arg14[%broadcast_in_dim3A_467] : memref<128xf32, #tpu.memory_space<vmem>>[vector<16xi32>], vector<16xf32>,
        %add3A_469 = arith.constant 2 : i32
        %add3A_470 = arith.addi %mul3A_460, %add3A_469 : i32
        %broadcast_in_dim3A_471 = vector.broadcast %add3A_470 : i32 to vector<16xi32>
        %gather3A_472 = tpu.vector_load_idx %arg14[%broadcast_in_dim3A_471] : memref<128xf32, #tpu.memory_space<vmem>>[vector<16xi32>], vector<16xf32>,
        %add3A_473 = arith.constant 3 : i32
        %add3A_474 = arith.addi %mul3A_460, %add3A_473 : i32
        %broadcast_in_dim3A_475 = vector.broadcast %add3A_474 : i32 to vector<16xi32>
        %gather3A_476 = tpu.vector_load_idx %arg14[%broadcast_in_dim3A_475] : memref<128xf32, #tpu.memory_space<vmem>>[vector<16xi32>], vector<16xf32>,
        %add3A_477 = arith.constant 0 : i32
        %add3A_478 = arith.addi %mul3A_460, %add3A_477 : i32
        %get3A_479 = arith.constant 0 : i32
        %get3A_480 = arith.index_cast %get3A_479 : i32 to index
        %get3A_481 = arith.index_cast %add3A_478 : i32 to index
        %get3A_482 = arith.constant 0 : index
        %get3A_483 = tpu.vector_load %arg15[%get3A_480, %get3A_481, %get3A_482] {strides = array<i32>} : memref<2x48x128xf32, #tpu.memory_space<vmem>>, vector<16xf32>,
        %mul3A_484 = arith.mulf %get3A_483, %gather3A_464 : vector<16xf32>
        %add3A_485 = arith.constant 0 : i32
        %add3A_486 = arith.addi %mul3A_460, %add3A_485 : i32
        %swap3A_487 = arith.constant 0 : i32
        %swap3A_488 = arith.index_cast %swap3A_487 : i32 to index
        %swap3A_489 = arith.index_cast %add3A_486 : i32 to index
        %swap3A_490 = arith.constant 0 : index
        %swap3A_491 = tpu.vector_load %arg15[%swap3A_488, %swap3A_489, %swap3A_490] {strides = array<i32>} : memref<2x48x128xf32, #tpu.memory_space<vmem>>, vector<16xf32>,
        tpu.vector_store %arg15[%swap3A_488, %swap3A_489, %swap3A_490], %mul3A_484 {strides = array<i32>} : memref<2x48x128xf32, #tpu.memory_space<vmem>>, vector<16xf32>,
        %add3A_492 = arith.constant 1 : i32
        %add3A_493 = arith.addi %mul3A_460, %add3A_492 : i32
        %get3A_494 = arith.constant 0 : i32
        %get3A_495 = arith.index_cast %get3A_494 : i32 to index
        %get3A_496 = arith.index_cast %add3A_493 : i32 to index
        %get3A_497 = arith.constant 0 : index
        %get3A_498 = tpu.vector_load %arg15[%get3A_495, %get3A_496, %get3A_497] {strides = array<i32>} : memref<2x48x128xf32, #tpu.memory_space<vmem>>, vector<16xf32>,
        %mul3A_499 = arith.mulf %get3A_498, %gather3A_468 : vector<16xf32>
        %add3A_500 = arith.constant 1 : i32
        %add3A_501 = arith.addi %mul3A_460, %add3A_500 : i32
        %swap3A_502 = arith.constant 0 : i32
        %swap3A_503 = arith.index_cast %swap3A_502 : i32 to index
        %swap3A_504 = arith.index_cast %add3A_501 : i32 to index
        %swap3A_505 = arith.constant 0 : index
        %swap3A_506 = tpu.vector_load %arg15[%swap3A_503, %swap3A_504, %swap3A_505] {strides = array<i32>} : memref<2x48x128xf32, #tpu.memory_space<vmem>>, vector<16xf32>,
        tpu.vector_store %arg15[%swap3A_503, %swap3A_504, %swap3A_505], %mul3A_499 {strides = array<i32>} : memref<2x48x128xf32, #tpu.memory_space<vmem>>, vector<16xf32>,
        %add3A_507 = arith.constant 2 : i32
        %add3A_508 = arith.addi %mul3A_460, %add3A_507 : i32
        %get3A_509 = arith.constant 0 : i32
        %get3A_510 = arith.index_cast %get3A_509 : i32 to index
        %get3A_511 = arith.index_cast %add3A_508 : i32 to index
        %get3A_512 = arith.constant 0 : index
        %get3A_513 = tpu.vector_load %arg15[%get3A_510, %get3A_511, %get3A_512] {strides = array<i32>} : memref<2x48x128xf32, #tpu.memory_space<vmem>>, vector<16xf32>,
        %mul3A_514 = arith.mulf %get3A_513, %gather3A_472 : vector<16xf32>
        %add3A_515 = arith.constant 2 : i32
        %add3A_516 = arith.addi %mul3A_460, %add3A_515 : i32
        %swap3A_517 = arith.constant 0 : i32
        %swap3A_518 = arith.index_cast %swap3A_517 : i32 to index
        %swap3A_519 = arith.index_cast %add3A_516 : i32 to index
        %swap3A_520 = arith.constant 0 : index
        %swap3A_521 = tpu.vector_load %arg15[%swap3A_518, %swap3A_519, %swap3A_520] {strides = array<i32>} : memref<2x48x128xf32, #tpu.memory_space<vmem>>, vector<16xf32>,
        tpu.vector_store %arg15[%swap3A_518, %swap3A_519, %swap3A_520], %mul3A_514 {strides = array<i32>} : memref<2x48x128xf32, #tpu.memory_space<vmem>>, vector<16xf32>,
        %add3A_522 = arith.constant 3 : i32
        %add3A_523 = arith.addi %mul3A_460, %add3A_522 : i32
        %get3A_524 = arith.constant 0 : i32
        %get3A_525 = arith.index_cast %get3A_524 : i32 to index
        %get3A_526 = arith.index_cast %add3A_523 : i32 to index
        %get3A_527 = arith.constant 0 : index
        %get3A_528 = tpu.vector_load %arg15[%get3A_525, %get3A_526, %get3A_527] {strides = array<i32>} : memref<2x48x128xf32, #tpu.memory_space<vmem>>, vector<16xf32>,
        %mul3A_529 = arith.mulf %get3A_528, %gather3A_476 : vector<16xf32>
        %add3A_530 = arith.constant 3 : i32
        %add3A_531 = arith.addi %mul3A_460, %add3A_530 : i32
        %swap3A_532 = arith.constant 0 : i32
        %swap3A_533 = arith.index_cast %swap3A_532 : i32 to index
        %swap3A_534 = arith.index_cast %add3A_531 : i32 to index
        %swap3A_535 = arith.constant 0 : index
        %swap3A_536 = tpu.vector_load %arg15[%swap3A_533, %swap3A_534, %swap3A_535] {strides = array<i32>} : memref<2x48x128xf32, #tpu.memory_space<vmem>>, vector<16xf32>,
        tpu.vector_store %arg15[%swap3A_533, %swap3A_534, %swap3A_535], %mul3A_529 {strides = array<i32>} : memref<2x48x128xf32, #tpu.memory_space<vmem>>, vector<16xf32>,
        %add3A_537 = arith.constant 0 : i32
        %add3A_538 = arith.addi %mul3A_460, %add3A_537 : i32
        %get3A_539 = arith.constant 0 : i32
        %get3A_540 = arith.index_cast %get3A_539 : i32 to index
        %get3A_541 = arith.index_cast %add3A_538 : i32 to index
        %get3A_542 = arith.constant 16 : index
        %get3A_543 = tpu.vector_load %arg15[%get3A_540, %get3A_541, %get3A_542] {strides = array<i32>} : memref<2x48x128xf32, #tpu.memory_space<vmem>>, vector<16xf32>,
        %mul3A_544 = arith.mulf %get3A_543, %gather3A_464 : vector<16xf32>
        %add3A_545 = arith.constant 0 : i32
        %add3A_546 = arith.addi %mul3A_460, %add3A_545 : i32
        %swap3A_547 = arith.constant 0 : i32
        %swap3A_548 = arith.index_cast %swap3A_547 : i32 to index
        %swap3A_549 = arith.index_cast %add3A_546 : i32 to index
        %swap3A_550 = arith.constant 16 : index
        %swap3A_551 = tpu.vector_load %arg15[%swap3A_548, %swap3A_549, %swap3A_550] {strides = array<i32>} : memref<2x48x128xf32, #tpu.memory_space<vmem>>, vector<16xf32>,
        tpu.vector_store %arg15[%swap3A_548, %swap3A_549, %swap3A_550], %mul3A_544 {strides = array<i32>} : memref<2x48x128xf32, #tpu.memory_space<vmem>>, vector<16xf32>,
        %add3A_552 = arith.constant 1 : i32
        %add3A_553 = arith.addi %mul3A_460, %add3A_552 : i32
        %get3A_554 = arith.constant 0 : i32
        %get3A_555 = arith.index_cast %get3A_554 : i32 to index
        %get3A_556 = arith.index_cast %add3A_553 : i32 to index
        %get3A_557 = arith.constant 16 : index
        %get3A_558 = tpu.vector_load %arg15[%get3A_555, %get3A_556, %get3A_557] {strides = array<i32>} : memref<2x48x128xf32, #tpu.memory_space<vmem>>, vector<16xf32>,
        %mul3A_559 = arith.mulf %get3A_558, %gather3A_468 : vector<16xf32>
        %add3A_560 = arith.constant 1 : i32
        %add3A_561 = arith.addi %mul3A_460, %add3A_560 : i32
        %swap3A_562 = arith.constant 0 : i32
        %swap3A_563 = arith.index_cast %swap3A_562 : i32 to index
        %swap3A_564 = arith.index_cast %add3A_561 : i32 to index
        %swap3A_565 = arith.constant 16 : index
        %swap3A_566 = tpu.vector_load %arg15[%swap3A_563, %swap3A_564, %swap3A_565] {strides = array<i32>} : memref<2x48x128xf32, #tpu.memory_space<vmem>>, vector<16xf32>,
        tpu.vector_store %arg15[%swap3A_563, %swap3A_564, %swap3A_565], %mul3A_559 {strides = array<i32>} : memref<2x48x128xf32, #tpu.memory_space<vmem>>, vector<16xf32>,
        %add3A_567 = arith.constant 2 : i32
        %add3A_568 = arith.addi %mul3A_460, %add3A_567 : i32
        %get3A_569 = arith.constant 0 : i32
        %get3A_570 = arith.index_cast %get3A_569 : i32 to index
        %get3A_571 = arith.index_cast %add3A_568 : i32 to index
        %get3A_572 = arith.constant 16 : index
        %get3A_573 = tpu.vector_load %arg15[%get3A_570, %get3A_571, %get3A_572] {strides = array<i32>} : memref<2x48x128xf32, #tpu.memory_space<vmem>>, vector<16xf32>,
        %mul3A_574 = arith.mulf %get3A_573, %gather3A_472 : vector<16xf32>
        %add3A_575 = arith.constant 2 : i32
        %add3A_576 = arith.addi %mul3A_460, %add3A_575 : i32
        %swap3A_577 = arith.constant 0 : i32
        %swap3A_578 = arith.index_cast %swap3A_577 : i32 to index
        %swap3A_579 = arith.index_cast %add3A_576 : i32 to index
        %swap3A_580 = arith.constant 16 : index
        %swap3A_581 = tpu.vector_load %arg15[%swap3A_578, %swap3A_579, %swap3A_580] {strides = array<i32>} : memref<2x48x128xf32, #tpu.memory_space<vmem>>, vector<16xf32>,
        tpu.vector_store %arg15[%swap3A_578, %swap3A_579, %swap3A_580], %mul3A_574 {strides = array<i32>} : memref<2x48x128xf32, #tpu.memory_space<vmem>>, vector<16xf32>,
        %add3A_582 = arith.constant 3 : i32
        %add3A_583 = arith.addi %mul3A_460, %add3A_582 : i32
        %get3A_584 = arith.constant 0 : i32
        %get3A_585 = arith.index_cast %get3A_584 : i32 to index
        %get3A_586 = arith.index_cast %add3A_583 : i32 to index
        %get3A_587 = arith.constant 16 : index
        %get3A_588 = tpu.vector_load %arg15[%get3A_585, %get3A_586, %get3A_587] {strides = array<i32>} : memref<2x48x128xf32, #tpu.memory_space<vmem>>, vector<16xf32>,
        %mul3A_589 = arith.mulf %get3A_588, %gather3A_476 : vector<16xf32>
        %add3A_590 = arith.constant 3 : i32
        %add3A_591 = arith.addi %mul3A_460, %add3A_590 : i32
        %swap3A_592 = arith.constant 0 : i32
        %swap3A_593 = arith.index_cast %swap3A_592 : i32 to index
        %swap3A_594 = arith.index_cast %add3A_591 : i32 to index
        %swap3A_595 = arith.constant 16 : index
        %swap3A_596 = tpu.vector_load %arg15[%swap3A_593, %swap3A_594, %swap3A_595] {strides = array<i32>} : memref<2x48x128xf32, #tpu.memory_space<vmem>>, vector<16xf32>,
        tpu.vector_store %arg15[%swap3A_593, %swap3A_594, %swap3A_595], %mul3A_589 {strides = array<i32>} : memref<2x48x128xf32, #tpu.memory_space<vmem>>, vector<16xf32>,
        %add3A_597 = arith.constant 0 : i32
        %add3A_598 = arith.addi %mul3A_460, %add3A_597 : i32
        %get3A_599 = arith.constant 0 : i32
        %get3A_600 = arith.index_cast %get3A_599 : i32 to index
        %get3A_601 = arith.index_cast %add3A_598 : i32 to index
        %get3A_602 = arith.constant 32 : index
        %get3A_603 = tpu.vector_load %arg15[%get3A_600, %get3A_601, %get3A_602] {strides = array<i32>} : memref<2x48x128xf32, #tpu.memory_space<vmem>>, vector<16xf32>,
        %mul3A_604 = arith.mulf %get3A_603, %gather3A_464 : vector<16xf32>
        %add3A_605 = arith.constant 0 : i32
        %add3A_606 = arith.addi %mul3A_460, %add3A_605 : i32
        %swap3A_607 = arith.constant 0 : i32
        %swap3A_608 = arith.index_cast %swap3A_607 : i32 to index
        %swap3A_609 = arith.index_cast %add3A_606 : i32 to index
        %swap3A_610 = arith.constant 32 : index
        %swap3A_611 = tpu.vector_load %arg15[%swap3A_608, %swap3A_609, %swap3A_610] {strides = array<i32>} : memref<2x48x128xf32, #tpu.memory_space<vmem>>, vector<16xf32>,
        tpu.vector_store %arg15[%swap3A_608, %swap3A_609, %swap3A_610], %mul3A_604 {strides = array<i32>} : memref<2x48x128xf32, #tpu.memory_space<vmem>>, vector<16xf32>,
        %add3A_612 = arith.constant 1 : i32
        %add3A_613 = arith.addi %mul3A_460, %add3A_612 : i32
        %get3A_614 = arith.constant 0 : i32
        %get3A_615 = arith.index_cast %get3A_614 : i32 to index
        %get3A_616 = arith.index_cast %add3A_613 : i32 to index
        %get3A_617 = arith.constant 32 : index
        %get3A_618 = tpu.vector_load %arg15[%get3A_615, %get3A_616, %get3A_617] {strides = array<i32>} : memref<2x48x128xf32, #tpu.memory_space<vmem>>, vector<16xf32>,
        %mul3A_619 = arith.mulf %get3A_618, %gather3A_468 : vector<16xf32>
        %add3A_620 = arith.constant 1 : i32
        %add3A_621 = arith.addi %mul3A_460, %add3A_620 : i32
        %swap3A_622 = arith.constant 0 : i32
        %swap3A_623 = arith.index_cast %swap3A_622 : i32 to index
        %swap3A_624 = arith.index_cast %add3A_621 : i32 to index
        %swap3A_625 = arith.constant 32 : index
        %swap3A_626 = tpu.vector_load %arg15[%swap3A_623, %swap3A_624, %swap3A_625] {strides = array<i32>} : memref<2x48x128xf32, #tpu.memory_space<vmem>>, vector<16xf32>,
        tpu.vector_store %arg15[%swap3A_623, %swap3A_624, %swap3A_625], %mul3A_619 {strides = array<i32>} : memref<2x48x128xf32, #tpu.memory_space<vmem>>, vector<16xf32>,
        %add3A_627 = arith.constant 2 : i32
        %add3A_628 = arith.addi %mul3A_460, %add3A_627 : i32
        %get3A_629 = arith.constant 0 : i32
        %get3A_630 = arith.index_cast %get3A_629 : i32 to index
        %get3A_631 = arith.index_cast %add3A_628 : i32 to index
        %get3A_632 = arith.constant 32 : index
        %get3A_633 = tpu.vector_load %arg15[%get3A_630, %get3A_631, %get3A_632] {strides = array<i32>} : memref<2x48x128xf32, #tpu.memory_space<vmem>>, vector<16xf32>,
        %mul3A_634 = arith.mulf %get3A_633, %gather3A_472 : vector<16xf32>
        %add3A_635 = arith.constant 2 : i32
        %add3A_636 = arith.addi %mul3A_460, %add3A_635 : i32
        %swap3A_637 = arith.constant 0 : i32
        %swap3A_638 = arith.index_cast %swap3A_637 : i32 to index
        %swap3A_639 = arith.index_cast %add3A_636 : i32 to index
        %swap3A_640 = arith.constant 32 : index
        %swap3A_641 = tpu.vector_load %arg15[%swap3A_638, %swap3A_639, %swap3A_640] {strides = array<i32>} : memref<2x48x128xf32, #tpu.memory_space<vmem>>, vector<16xf32>,
        tpu.vector_store %arg15[%swap3A_638, %swap3A_639, %swap3A_640], %mul3A_634 {strides = array<i32>} : memref<2x48x128xf32, #tpu.memory_space<vmem>>, vector<16xf32>,
        %add3A_642 = arith.constant 3 : i32
        %add3A_643 = arith.addi %mul3A_460, %add3A_642 : i32
        %get3A_644 = arith.constant 0 : i32
        %get3A_645 = arith.index_cast %get3A_644 : i32 to index
        %get3A_646 = arith.index_cast %add3A_643 : i32 to index
        %get3A_647 = arith.constant 32 : index
        %get3A_648 = tpu.vector_load %arg15[%get3A_645, %get3A_646, %get3A_647] {strides = array<i32>} : memref<2x48x128xf32, #tpu.memory_space<vmem>>, vector<16xf32>,
        %mul3A_649 = arith.mulf %get3A_648, %gather3A_476 : vector<16xf32>
        %add3A_650 = arith.constant 3 : i32
        %add3A_651 = arith.addi %mul3A_460, %add3A_650 : i32
        %swap3A_652 = arith.constant 0 : i32
        %swap3A_653 = arith.index_cast %swap3A_652 : i32 to index
        %swap3A_654 = arith.index_cast %add3A_651 : i32 to index
        %swap3A_655 = arith.constant 32 : index
        %swap3A_656 = tpu.vector_load %arg15[%swap3A_653, %swap3A_654, %swap3A_655] {strides = array<i32>} : memref<2x48x128xf32, #tpu.memory_space<vmem>>, vector<16xf32>,
        tpu.vector_store %arg15[%swap3A_653, %swap3A_654, %swap3A_655], %mul3A_649 {strides = array<i32>} : memref<2x48x128xf32, #tpu.memory_space<vmem>>, vector<16xf32>,
        %add3A_657 = arith.constant 0 : i32
        %add3A_658 = arith.addi %mul3A_460, %add3A_657 : i32
        %get3A_659 = arith.constant 0 : i32
        %get3A_660 = arith.index_cast %get3A_659 : i32 to index
        %get3A_661 = arith.index_cast %add3A_658 : i32 to index
        %get3A_662 = arith.constant 48 : index
        %get3A_663 = tpu.vector_load %arg15[%get3A_660, %get3A_661, %get3A_662] {strides = array<i32>} : memref<2x48x128xf32, #tpu.memory_space<vmem>>, vector<16xf32>,
        %mul3A_664 = arith.mulf %get3A_663, %gather3A_464 : vector<16xf32>
        %add3A_665 = arith.constant 0 : i32
        %add3A_666 = arith.addi %mul3A_460, %add3A_665 : i32
        %swap3A_667 = arith.constant 0 : i32
        %swap3A_668 = arith.index_cast %swap3A_667 : i32 to index
        %swap3A_669 = arith.index_cast %add3A_666 : i32 to index
        %swap3A_670 = arith.constant 48 : index
        %swap3A_671 = tpu.vector_load %arg15[%swap3A_668, %swap3A_669, %swap3A_670] {strides = array<i32>} : memref<2x48x128xf32, #tpu.memory_space<vmem>>, vector<16xf32>,
        tpu.vector_store %arg15[%swap3A_668, %swap3A_669, %swap3A_670], %mul3A_664 {strides = array<i32>} : memref<2x48x128xf32, #tpu.memory_space<vmem>>, vector<16xf32>,
        %add3A_672 = arith.constant 1 : i32
        %add3A_673 = arith.addi %mul3A_460, %add3A_672 : i32
        %get3A_674 = arith.constant 0 : i32
        %get3A_675 = arith.index_cast %get3A_674 : i32 to index
        %get3A_676 = arith.index_cast %add3A_673 : i32 to index
        %get3A_677 = arith.constant 48 : index
        %get3A_678 = tpu.vector_load %arg15[%get3A_675, %get3A_676, %get3A_677] {strides = array<i32>} : memref<2x48x128xf32, #tpu.memory_space<vmem>>, vector<16xf32>,
        %mul3A_679 = arith.mulf %get3A_678, %gather3A_468 : vector<16xf32>
        %add3A_680 = arith.constant 1 : i32
        %add3A_681 = arith.addi %mul3A_460, %add3A_680 : i32
        %swap3A_682 = arith.constant 0 : i32
        %swap3A_683 = arith.index_cast %swap3A_682 : i32 to index
        %swap3A_684 = arith.index_cast %add3A_681 : i32 to index
        %swap3A_685 = arith.constant 48 : index
        %swap3A_686 = tpu.vector_load %arg15[%swap3A_683, %swap3A_684, %swap3A_685] {strides = array<i32>} : memref<2x48x128xf32, #tpu.memory_space<vmem>>, vector<16xf32>,
        tpu.vector_store %arg15[%swap3A_683, %swap3A_684, %swap3A_685], %mul3A_679 {strides = array<i32>} : memref<2x48x128xf32, #tpu.memory_space<vmem>>, vector<16xf32>,
        %add3A_687 = arith.constant 2 : i32
        %add3A_688 = arith.addi %mul3A_460, %add3A_687 : i32
        %get3A_689 = arith.constant 0 : i32
        %get3A_690 = arith.index_cast %get3A_689 : i32 to index
        %get3A_691 = arith.index_cast %add3A_688 : i32 to index
        %get3A_692 = arith.constant 48 : index
        %get3A_693 = tpu.vector_load %arg15[%get3A_690, %get3A_691, %get3A_692] {strides = array<i32>} : memref<2x48x128xf32, #tpu.memory_space<vmem>>, vector<16xf32>,
        %mul3A_694 = arith.mulf %get3A_693, %gather3A_472 : vector<16xf32>
        %add3A_695 = arith.constant 2 : i32
        %add3A_696 = arith.addi %mul3A_460, %add3A_695 : i32
        %swap3A_697 = arith.constant 0 : i32
        %swap3A_698 = arith.index_cast %swap3A_697 : i32 to index
        %swap3A_699 = arith.index_cast %add3A_696 : i32 to index
        %swap3A_700 = arith.constant 48 : index
        %swap3A_701 = tpu.vector_load %arg15[%swap3A_698, %swap3A_699, %swap3A_700] {strides = array<i32>} : memref<2x48x128xf32, #tpu.memory_space<vmem>>, vector<16xf32>,
        tpu.vector_store %arg15[%swap3A_698, %swap3A_699, %swap3A_700], %mul3A_694 {strides = array<i32>} : memref<2x48x128xf32, #tpu.memory_space<vmem>>, vector<16xf32>,
        %add3A_702 = arith.constant 3 : i32
        %add3A_703 = arith.addi %mul3A_460, %add3A_702 : i32
        %get3A_704 = arith.constant 0 : i32
        %get3A_705 = arith.index_cast %get3A_704 : i32 to index
        %get3A_706 = arith.index_cast %add3A_703 : i32 to index
        %get3A_707 = arith.constant 48 : index
        %get3A_708 = tpu.vector_load %arg15[%get3A_705, %get3A_706, %get3A_707] {strides = array<i32>} : memref<2x48x128xf32, #tpu.memory_space<vmem>>, vector<16xf32>,
        %mul3A_709 = arith.mulf %get3A_708, %gather3A_476 : vector<16xf32>
        %add3A_710 = arith.constant 3 : i32
        %add3A_711 = arith.addi %mul3A_460, %add3A_710 : i32
        %swap3A_712 = arith.constant 0 : i32
        %swap3A_713 = arith.index_cast %swap3A_712 : i32 to index
        %swap3A_714 = arith.index_cast %add3A_711 : i32 to index
        %swap3A_715 = arith.constant 48 : index
        %swap3A_716 = tpu.vector_load %arg15[%swap3A_713, %swap3A_714, %swap3A_715] {strides = array<i32>} : memref<2x48x128xf32, #tpu.memory_space<vmem>>, vector<16xf32>,
        tpu.vector_store %arg15[%swap3A_713, %swap3A_714, %swap3A_715], %mul3A_709 {strides = array<i32>} : memref<2x48x128xf32, #tpu.memory_space<vmem>>, vector<16xf32>,
        %add3A_717 = arith.constant 0 : i32
        %add3A_718 = arith.addi %mul3A_460, %add3A_717 : i32
        %get3A_719 = arith.constant 0 : i32
        %get3A_720 = arith.index_cast %get3A_719 : i32 to index
        %get3A_721 = arith.index_cast %add3A_718 : i32 to index
        %get3A_722 = arith.constant 64 : index
        %get3A_723 = tpu.vector_load %arg15[%get3A_720, %get3A_721, %get3A_722] {strides = array<i32>} : memref<2x48x128xf32, #tpu.memory_space<vmem>>, vector<16xf32>,
        %mul3A_724 = arith.mulf %get3A_723, %gather3A_464 : vector<16xf32>
        %add3A_725 = arith.constant 0 : i32
        %add3A_726 = arith.addi %mul3A_460, %add3A_725 : i32
        %swap3A_727 = arith.constant 0 : i32
        %swap3A_728 = arith.index_cast %swap3A_727 : i32 to index
        %swap3A_729 = arith.index_cast %add3A_726 : i32 to index
        %swap3A_730 = arith.constant 64 : index
        %swap3A_731 = tpu.vector_load %arg15[%swap3A_728, %swap3A_729, %swap3A_730] {strides = array<i32>} : memref<2x48x128xf32, #tpu.memory_space<vmem>>, vector<16xf32>,
        tpu.vector_store %arg15[%swap3A_728, %swap3A_729, %swap3A_730], %mul3A_724 {strides = array<i32>} : memref<2x48x128xf32, #tpu.memory_space<vmem>>, vector<16xf32>,
        %add3A_732 = arith.constant 1 : i32
        %add3A_733 = arith.addi %mul3A_460, %add3A_732 : i32
        %get3A_734 = arith.constant 0 : i32
        %get3A_735 = arith.index_cast %get3A_734 : i32 to index
        %get3A_736 = arith.index_cast %add3A_733 : i32 to index
        %get3A_737 = arith.constant 64 : index
        %get3A_738 = tpu.vector_load %arg15[%get3A_735, %get3A_736, %get3A_737] {strides = array<i32>} : memref<2x48x128xf32, #tpu.memory_space<vmem>>, vector<16xf32>,
        %mul3A_739 = arith.mulf %get3A_738, %gather3A_468 : vector<16xf32>
        %add3A_740 = arith.constant 1 : i32
        %add3A_741 = arith.addi %mul3A_460, %add3A_740 : i32
        %swap3A_742 = arith.constant 0 : i32
        %swap3A_743 = arith.index_cast %swap3A_742 : i32 to index
        %swap3A_744 = arith.index_cast %add3A_741 : i32 to index
        %swap3A_745 = arith.constant 64 : index
        %swap3A_746 = tpu.vector_load %arg15[%swap3A_743, %swap3A_744, %swap3A_745] {strides = array<i32>} : memref<2x48x128xf32, #tpu.memory_space<vmem>>, vector<16xf32>,
        tpu.vector_store %arg15[%swap3A_743, %swap3A_744, %swap3A_745], %mul3A_739 {strides = array<i32>} : memref<2x48x128xf32, #tpu.memory_space<vmem>>, vector<16xf32>,
        %add3A_747 = arith.constant 2 : i32
        %add3A_748 = arith.addi %mul3A_460, %add3A_747 : i32
        %get3A_749 = arith.constant 0 : i32
        %get3A_750 = arith.index_cast %get3A_749 : i32 to index
        %get3A_751 = arith.index_cast %add3A_748 : i32 to index
        %get3A_752 = arith.constant 64 : index
        %get3A_753 = tpu.vector_load %arg15[%get3A_750, %get3A_751, %get3A_752] {strides = array<i32>} : memref<2x48x128xf32, #tpu.memory_space<vmem>>, vector<16xf32>,
        %mul3A_754 = arith.mulf %get3A_753, %gather3A_472 : vector<16xf32>
        %add3A_755 = arith.constant 2 : i32
        %add3A_756 = arith.addi %mul3A_460, %add3A_755 : i32
        %swap3A_757 = arith.constant 0 : i32
        %swap3A_758 = arith.index_cast %swap3A_757 : i32 to index
        %swap3A_759 = arith.index_cast %add3A_756 : i32 to index
        %swap3A_760 = arith.constant 64 : index
        %swap3A_761 = tpu.vector_load %arg15[%swap3A_758, %swap3A_759, %swap3A_760] {strides = array<i32>} : memref<2x48x128xf32, #tpu.memory_space<vmem>>, vector<16xf32>,
        tpu.vector_store %arg15[%swap3A_758, %swap3A_759, %swap3A_760], %mul3A_754 {strides = array<i32>} : memref<2x48x128xf32, #tpu.memory_space<vmem>>, vector<16xf32>,
        %add3A_762 = arith.constant 3 : i32
        %add3A_763 = arith.addi %mul3A_460, %add3A_762 : i32
        %get3A_764 = arith.constant 0 : i32
        %get3A_765 = arith.index_cast %get3A_764 : i32 to index
        %get3A_766 = arith.index_cast %add3A_763 : i32 to index
        %get3A_767 = arith.constant 64 : index
        %get3A_768 = tpu.vector_load %arg15[%get3A_765, %get3A_766, %get3A_767] {strides = array<i32>} : memref<2x48x128xf32, #tpu.memory_space<vmem>>, vector<16xf32>,
        %mul3A_769 = arith.mulf %get3A_768, %gather3A_476 : vector<16xf32>
        %add3A_770 = arith.constant 3 : i32
        %add3A_771 = arith.addi %mul3A_460, %add3A_770 : i32
        %swap3A_772 = arith.constant 0 : i32
        %swap3A_773 = arith.index_cast %swap3A_772 : i32 to index
        %swap3A_774 = arith.index_cast %add3A_771 : i32 to index
        %swap3A_775 = arith.constant 64 : index
        %swap3A_776 = tpu.vector_load %arg15[%swap3A_773, %swap3A_774, %swap3A_775] {strides = array<i32>} : memref<2x48x128xf32, #tpu.memory_space<vmem>>, vector<16xf32>,
        tpu.vector_store %arg15[%swap3A_773, %swap3A_774, %swap3A_775], %mul3A_769 {strides = array<i32>} : memref<2x48x128xf32, #tpu.memory_space<vmem>>, vector<16xf32>,
        %add3A_777 = arith.constant 0 : i32
        %add3A_778 = arith.addi %mul3A_460, %add3A_777 : i32
        %get3A_779 = arith.constant 0 : i32
        %get3A_780 = arith.index_cast %get3A_779 : i32 to index
        %get3A_781 = arith.index_cast %add3A_778 : i32 to index
        %get3A_782 = arith.constant 80 : index
        %get3A_783 = tpu.vector_load %arg15[%get3A_780, %get3A_781, %get3A_782] {strides = array<i32>} : memref<2x48x128xf32, #tpu.memory_space<vmem>>, vector<16xf32>,
        %mul3A_784 = arith.mulf %get3A_783, %gather3A_464 : vector<16xf32>
        %add3A_785 = arith.constant 0 : i32
        %add3A_786 = arith.addi %mul3A_460, %add3A_785 : i32
        %swap3A_787 = arith.constant 0 : i32
        %swap3A_788 = arith.index_cast %swap3A_787 : i32 to index
        %swap3A_789 = arith.index_cast %add3A_786 : i32 to index
        %swap3A_790 = arith.constant 80 : index
        %swap3A_791 = tpu.vector_load %arg15[%swap3A_788, %swap3A_789, %swap3A_790] {strides = array<i32>} : memref<2x48x128xf32, #tpu.memory_space<vmem>>, vector<16xf32>,
        tpu.vector_store %arg15[%swap3A_788, %swap3A_789, %swap3A_790], %mul3A_784 {strides = array<i32>} : memref<2x48x128xf32, #tpu.memory_space<vmem>>, vector<16xf32>,
        %add3A_792 = arith.constant 1 : i32
        %add3A_793 = arith.addi %mul3A_460, %add3A_792 : i32
        %get3A_794 = arith.constant 0 : i32
        %get3A_795 = arith.index_cast %get3A_794 : i32 to index
        %get3A_796 = arith.index_cast %add3A_793 : i32 to index
        %get3A_797 = arith.constant 80 : index
        %get3A_798 = tpu.vector_load %arg15[%get3A_795, %get3A_796, %get3A_797] {strides = array<i32>} : memref<2x48x128xf32, #tpu.memory_space<vmem>>, vector<16xf32>,
        %mul3A_799 = arith.mulf %get3A_798, %gather3A_468 : vector<16xf32>
        %add3A_800 = arith.constant 1 : i32
        %add3A_801 = arith.addi %mul3A_460, %add3A_800 : i32
        %swap3A_802 = arith.constant 0 : i32
        %swap3A_803 = arith.index_cast %swap3A_802 : i32 to index
        %swap3A_804 = arith.index_cast %add3A_801 : i32 to index
        %swap3A_805 = arith.constant 80 : index
        %swap3A_806 = tpu.vector_load %arg15[%swap3A_803, %swap3A_804, %swap3A_805] {strides = array<i32>} : memref<2x48x128xf32, #tpu.memory_space<vmem>>, vector<16xf32>,
        tpu.vector_store %arg15[%swap3A_803, %swap3A_804, %swap3A_805], %mul3A_799 {strides = array<i32>} : memref<2x48x128xf32, #tpu.memory_space<vmem>>, vector<16xf32>,
        %add3A_807 = arith.constant 2 : i32
        %add3A_808 = arith.addi %mul3A_460, %add3A_807 : i32
        %get3A_809 = arith.constant 0 : i32
        %get3A_810 = arith.index_cast %get3A_809 : i32 to index
        %get3A_811 = arith.index_cast %add3A_808 : i32 to index
        %get3A_812 = arith.constant 80 : index
        %get3A_813 = tpu.vector_load %arg15[%get3A_810, %get3A_811, %get3A_812] {strides = array<i32>} : memref<2x48x128xf32, #tpu.memory_space<vmem>>, vector<16xf32>,
        %mul3A_814 = arith.mulf %get3A_813, %gather3A_472 : vector<16xf32>
        %add3A_815 = arith.constant 2 : i32
        %add3A_816 = arith.addi %mul3A_460, %add3A_815 : i32
        %swap3A_817 = arith.constant 0 : i32
        %swap3A_818 = arith.index_cast %swap3A_817 : i32 to index
        %swap3A_819 = arith.index_cast %add3A_816 : i32 to index
        %swap3A_820 = arith.constant 80 : index
        %swap3A_821 = tpu.vector_load %arg15[%swap3A_818, %swap3A_819, %swap3A_820] {strides = array<i32>} : memref<2x48x128xf32, #tpu.memory_space<vmem>>, vector<16xf32>,
        tpu.vector_store %arg15[%swap3A_818, %swap3A_819, %swap3A_820], %mul3A_814 {strides = array<i32>} : memref<2x48x128xf32, #tpu.memory_space<vmem>>, vector<16xf32>,
        %add3A_822 = arith.constant 3 : i32
        %add3A_823 = arith.addi %mul3A_460, %add3A_822 : i32
        %get3A_824 = arith.constant 0 : i32
        %get3A_825 = arith.index_cast %get3A_824 : i32 to index
        %get3A_826 = arith.index_cast %add3A_823 : i32 to index
        %get3A_827 = arith.constant 80 : index
        %get3A_828 = tpu.vector_load %arg15[%get3A_825, %get3A_826, %get3A_827] {strides = array<i32>} : memref<2x48x128xf32, #tpu.memory_space<vmem>>, vector<16xf32>,
        %mul3A_829 = arith.mulf %get3A_828, %gather3A_476 : vector<16xf32>
        %add3A_830 = arith.constant 3 : i32
        %add3A_831 = arith.addi %mul3A_460, %add3A_830 : i32
        %swap3A_832 = arith.constant 0 : i32
        %swap3A_833 = arith.index_cast %swap3A_832 : i32 to index
        %swap3A_834 = arith.index_cast %add3A_831 : i32 to index
        %swap3A_835 = arith.constant 80 : index
        %swap3A_836 = tpu.vector_load %arg15[%swap3A_833, %swap3A_834, %swap3A_835] {strides = array<i32>} : memref<2x48x128xf32, #tpu.memory_space<vmem>>, vector<16xf32>,
        tpu.vector_store %arg15[%swap3A_833, %swap3A_834, %swap3A_835], %mul3A_829 {strides = array<i32>} : memref<2x48x128xf32, #tpu.memory_space<vmem>>, vector<16xf32>,
        %add3A_837 = arith.constant 0 : i32
        %add3A_838 = arith.addi %mul3A_460, %add3A_837 : i32
        %get3A_839 = arith.constant 0 : i32
        %get3A_840 = arith.index_cast %get3A_839 : i32 to index
        %get3A_841 = arith.index_cast %add3A_838 : i32 to index
        %get3A_842 = arith.constant 96 : index
        %get3A_843 = tpu.vector_load %arg15[%get3A_840, %get3A_841, %get3A_842] {strides = array<i32>} : memref<2x48x128xf32, #tpu.memory_space<vmem>>, vector<16xf32>,
        %mul3A_844 = arith.mulf %get3A_843, %gather3A_464 : vector<16xf32>
        %add3A_845 = arith.constant 0 : i32
        %add3A_846 = arith.addi %mul3A_460, %add3A_845 : i32
        %swap3A_847 = arith.constant 0 : i32
        %swap3A_848 = arith.index_cast %swap3A_847 : i32 to index
        %swap3A_849 = arith.index_cast %add3A_846 : i32 to index
        %swap3A_850 = arith.constant 96 : index
        %swap3A_851 = tpu.vector_load %arg15[%swap3A_848, %swap3A_849, %swap3A_850] {strides = array<i32>} : memref<2x48x128xf32, #tpu.memory_space<vmem>>, vector<16xf32>,
        tpu.vector_store %arg15[%swap3A_848, %swap3A_849, %swap3A_850], %mul3A_844 {strides = array<i32>} : memref<2x48x128xf32, #tpu.memory_space<vmem>>, vector<16xf32>,
        %add3A_852 = arith.constant 1 : i32
        %add3A_853 = arith.addi %mul3A_460, %add3A_852 : i32
        %get3A_854 = arith.constant 0 : i32
        %get3A_855 = arith.index_cast %get3A_854 : i32 to index
        %get3A_856 = arith.index_cast %add3A_853 : i32 to index
        %get3A_857 = arith.constant 96 : index
        %get3A_858 = tpu.vector_load %arg15[%get3A_855, %get3A_856, %get3A_857] {strides = array<i32>} : memref<2x48x128xf32, #tpu.memory_space<vmem>>, vector<16xf32>,
        %mul3A_859 = arith.mulf %get3A_858, %gather3A_468 : vector<16xf32>
        %add3A_860 = arith.constant 1 : i32
        %add3A_861 = arith.addi %mul3A_460, %add3A_860 : i32
        %swap3A_862 = arith.constant 0 : i32
        %swap3A_863 = arith.index_cast %swap3A_862 : i32 to index
        %swap3A_864 = arith.index_cast %add3A_861 : i32 to index
        %swap3A_865 = arith.constant 96 : index
        %swap3A_866 = tpu.vector_load %arg15[%swap3A_863, %swap3A_864, %swap3A_865] {strides = array<i32>} : memref<2x48x128xf32, #tpu.memory_space<vmem>>, vector<16xf32>,
        tpu.vector_store %arg15[%swap3A_863, %swap3A_864, %swap3A_865], %mul3A_859 {strides = array<i32>} : memref<2x48x128xf32, #tpu.memory_space<vmem>>, vector<16xf32>,
        %add3A_867 = arith.constant 2 : i32
        %add3A_868 = arith.addi %mul3A_460, %add3A_867 : i32
        %get3A_869 = arith.constant 0 : i32
        %get3A_870 = arith.index_cast %get3A_869 : i32 to index
        %get3A_871 = arith.index_cast %add3A_868 : i32 to index
        %get3A_872 = arith.constant 96 : index
        %get3A_873 = tpu.vector_load %arg15[%get3A_870, %get3A_871, %get3A_872] {strides = array<i32>} : memref<2x48x128xf32, #tpu.memory_space<vmem>>, vector<16xf32>,
        %mul3A_874 = arith.mulf %get3A_873, %gather3A_472 : vector<16xf32>
        %add3A_875 = arith.constant 2 : i32
        %add3A_876 = arith.addi %mul3A_460, %add3A_875 : i32
        %swap3A_877 = arith.constant 0 : i32
        %swap3A_878 = arith.index_cast %swap3A_877 : i32 to index
        %swap3A_879 = arith.index_cast %add3A_876 : i32 to index
        %swap3A_880 = arith.constant 96 : index
        %swap3A_881 = tpu.vector_load %arg15[%swap3A_878, %swap3A_879, %swap3A_880] {strides = array<i32>} : memref<2x48x128xf32, #tpu.memory_space<vmem>>, vector<16xf32>,
        tpu.vector_store %arg15[%swap3A_878, %swap3A_879, %swap3A_880], %mul3A_874 {strides = array<i32>} : memref<2x48x128xf32, #tpu.memory_space<vmem>>, vector<16xf32>,
        %add3A_882 = arith.constant 3 : i32
        %add3A_883 = arith.addi %mul3A_460, %add3A_882 : i32
        %get3A_884 = arith.constant 0 : i32
        %get3A_885 = arith.index_cast %get3A_884 : i32 to index
        %get3A_886 = arith.index_cast %add3A_883 : i32 to index
        %get3A_887 = arith.constant 96 : index
        %get3A_888 = tpu.vector_load %arg15[%get3A_885, %get3A_886, %get3A_887] {strides = array<i32>} : memref<2x48x128xf32, #tpu.memory_space<vmem>>, vector<16xf32>,
        %mul3A_889 = arith.mulf %get3A_888, %gather3A_476 : vector<16xf32>
        %add3A_890 = arith.constant 3 : i32
        %add3A_891 = arith.addi %mul3A_460, %add3A_890 : i32
        %swap3A_892 = arith.constant 0 : i32
        %swap3A_893 = arith.index_cast %swap3A_892 : i32 to index
        %swap3A_894 = arith.index_cast %add3A_891 : i32 to index
        %swap3A_895 = arith.constant 96 : index
        %swap3A_896 = tpu.vector_load %arg15[%swap3A_893, %swap3A_894, %swap3A_895] {strides = array<i32>} : memref<2x48x128xf32, #tpu.memory_space<vmem>>, vector<16xf32>,
        tpu.vector_store %arg15[%swap3A_893, %swap3A_894, %swap3A_895], %mul3A_889 {strides = array<i32>} : memref<2x48x128xf32, #tpu.memory_space<vmem>>, vector<16xf32>,
        %add3A_897 = arith.constant 0 : i32
        %add3A_898 = arith.addi %mul3A_460, %add3A_897 : i32
        %get3A_899 = arith.constant 0 : i32
        %get3A_900 = arith.index_cast %get3A_899 : i32 to index
        %get3A_901 = arith.index_cast %add3A_898 : i32 to index
        %get3A_902 = arith.constant 112 : index
        %get3A_903 = tpu.vector_load %arg15[%get3A_900, %get3A_901, %get3A_902] {strides = array<i32>} : memref<2x48x128xf32, #tpu.memory_space<vmem>>, vector<16xf32>,
        %mul3A_904 = arith.mulf %get3A_903, %gather3A_464 : vector<16xf32>
        %add3A_905 = arith.constant 0 : i32
        %add3A_906 = arith.addi %mul3A_460, %add3A_905 : i32
        %swap3A_907 = arith.constant 0 : i32
        %swap3A_908 = arith.index_cast %swap3A_907 : i32 to index
        %swap3A_909 = arith.index_cast %add3A_906 : i32 to index
        %swap3A_910 = arith.constant 112 : index
        %swap3A_911 = tpu.vector_load %arg15[%swap3A_908, %swap3A_909, %swap3A_910] {strides = array<i32>} : memref<2x48x128xf32, #tpu.memory_space<vmem>>, vector<16xf32>,
        tpu.vector_store %arg15[%swap3A_908, %swap3A_909, %swap3A_910], %mul3A_904 {strides = array<i32>} : memref<2x48x128xf32, #tpu.memory_space<vmem>>, vector<16xf32>,
        %add3A_912 = arith.constant 1 : i32
        %add3A_913 = arith.addi %mul3A_460, %add3A_912 : i32
        %get3A_914 = arith.constant 0 : i32
        %get3A_915 = arith.index_cast %get3A_914 : i32 to index
        %get3A_916 = arith.index_cast %add3A_913 : i32 to index
        %get3A_917 = arith.constant 112 : index
        %get3A_918 = tpu.vector_load %arg15[%get3A_915, %get3A_916, %get3A_917] {strides = array<i32>} : memref<2x48x128xf32, #tpu.memory_space<vmem>>, vector<16xf32>,
        %mul3A_919 = arith.mulf %get3A_918, %gather3A_468 : vector<16xf32>
        %add3A_920 = arith.constant 1 : i32
        %add3A_921 = arith.addi %mul3A_460, %add3A_920 : i32
        %swap3A_922 = arith.constant 0 : i32
        %swap3A_923 = arith.index_cast %swap3A_922 : i32 to index
        %swap3A_924 = arith.index_cast %add3A_921 : i32 to index
        %swap3A_925 = arith.constant 112 : index
        %swap3A_926 = tpu.vector_load %arg15[%swap3A_923, %swap3A_924, %swap3A_925] {strides = array<i32>} : memref<2x48x128xf32, #tpu.memory_space<vmem>>, vector<16xf32>,
        tpu.vector_store %arg15[%swap3A_923, %swap3A_924, %swap3A_925], %mul3A_919 {strides = array<i32>} : memref<2x48x128xf32, #tpu.memory_space<vmem>>, vector<16xf32>,
        %add3A_927 = arith.constant 2 : i32
        %add3A_928 = arith.addi %mul3A_460, %add3A_927 : i32
        %get3A_929 = arith.constant 0 : i32
        %get3A_930 = arith.index_cast %get3A_929 : i32 to index
        %get3A_931 = arith.index_cast %add3A_928 : i32 to index
        %get3A_932 = arith.constant 112 : index
        %get3A_933 = tpu.vector_load %arg15[%get3A_930, %get3A_931, %get3A_932] {strides = array<i32>} : memref<2x48x128xf32, #tpu.memory_space<vmem>>, vector<16xf32>,
        %mul3A_934 = arith.mulf %get3A_933, %gather3A_472 : vector<16xf32>
        %add3A_935 = arith.constant 2 : i32
        %add3A_936 = arith.addi %mul3A_460, %add3A_935 : i32
        %swap3A_937 = arith.constant 0 : i32
        %swap3A_938 = arith.index_cast %swap3A_937 : i32 to index
        %swap3A_939 = arith.index_cast %add3A_936 : i32 to index
        %swap3A_940 = arith.constant 112 : index
        %swap3A_941 = tpu.vector_load %arg15[%swap3A_938, %swap3A_939, %swap3A_940] {strides = array<i32>} : memref<2x48x128xf32, #tpu.memory_space<vmem>>, vector<16xf32>,
        tpu.vector_store %arg15[%swap3A_938, %swap3A_939, %swap3A_940], %mul3A_934 {strides = array<i32>} : memref<2x48x128xf32, #tpu.memory_space<vmem>>, vector<16xf32>,
        %add3A_942 = arith.constant 3 : i32
        %add3A_943 = arith.addi %mul3A_460, %add3A_942 : i32
        %get3A_944 = arith.constant 0 : i32
        %get3A_945 = arith.index_cast %get3A_944 : i32 to index
        %get3A_946 = arith.index_cast %add3A_943 : i32 to index
        %get3A_947 = arith.constant 112 : index
        %get3A_948 = tpu.vector_load %arg15[%get3A_945, %get3A_946, %get3A_947] {strides = array<i32>} : memref<2x48x128xf32, #tpu.memory_space<vmem>>, vector<16xf32>,
        %mul3A_949 = arith.mulf %get3A_948, %gather3A_476 : vector<16xf32>
        %add3A_950 = arith.constant 3 : i32
        %add3A_951 = arith.addi %mul3A_460, %add3A_950 : i32
        %swap3A_952 = arith.constant 0 : i32
        %swap3A_953 = arith.index_cast %swap3A_952 : i32 to index
        %swap3A_954 = arith.index_cast %add3A_951 : i32 to index
        %swap3A_955 = arith.constant 112 : index
        %swap3A_956 = tpu.vector_load %arg15[%swap3A_953, %swap3A_954, %swap3A_955] {strides = array<i32>} : memref<2x48x128xf32, #tpu.memory_space<vmem>>, vector<16xf32>,
        tpu.vector_store %arg15[%swap3A_953, %swap3A_954, %swap3A_955], %mul3A_949 {strides = array<i32>} : memref<2x48x128xf32, #tpu.memory_space<vmem>>, vector<16xf32>,
      }
      %scan3A_322 = arith.constant 12 : i32
      %add3A_323 = arith.constant 2 : i32
      %add3A_324 = arith.addi %add3A_221, %add3A_323 : i32
      %lt3A_325 = arith.constant 210 : i32
      %lt3A_326 = arith.cmpi slt, %add3A_324, %lt3A_325 : i32
      %convert_element_type3A = arith.extui %lt3A_326 : i1 to i32
      %cond3A = arith.constant 0 : i32
      %cond3A_327 = arith.cmpi ne, %convert_element_type3A, %cond3A : i32
      scf.if %cond3A_327 {
        %add3A_458 = arith.constant 2 : i32
        %add3A_459 = arith.addi %add3A_221, %add3A_458 : i32
        %dma_start3A_460 = arith.constant 0 : i32
        %dma_start3A_461 = tpu.memref_slice %arg4[%add3A, %add3A_459, %dma_start3A_460] : memref<32x210x48xi32, #tpu.memory_space<hbm>> -> memref<1x1x48xi32, #tpu.memory_space<hbm>>
        %dma_start3A_462 = tpu.memref_squeeze %dma_start3A_461 : memref<1x1x48xi32, #tpu.memory_space<hbm>> -> memref<48xi32, #tpu.memory_space<hbm>>
        %dma_start3A_463 = arith.constant 0 : i32
        %dma_start3A_464 = tpu.memref_slice %arg4[%add3A, %add3A_459, %dma_start3A_463] : memref<32x210x48xi32, #tpu.memory_space<hbm>> -> memref<1x1x48xi32, #tpu.memory_space<hbm>>
        %dma_start3A_465 = tpu.memref_squeeze %dma_start3A_464 : memref<1x1x48xi32, #tpu.memory_space<hbm>> -> memref<48xi32, #tpu.memory_space<hbm>>
        tpu.enqueue_dma source(%dma_start3A_465 : memref<48xi32, #tpu.memory_space<hbm>>) target(%arg10 : memref<48xi32, #tpu.memory_space<vmem>>) target_semaphore(%arg18 : memref<!tpu.dma_semaphore, #tpu.memory_space<semaphore_mem>>)
        %add3A_466 = arith.constant 2 : i32
        %add3A_467 = arith.addi %add3A_221, %add3A_466 : i32
        %dma_start3A_468 = arith.constant 0 : i32
        %dma_start3A_469 = tpu.memref_slice %arg5[%add3A, %add3A_467, %dma_start3A_468] : memref<32x210x48xi32, #tpu.memory_space<hbm>> -> memref<1x1x48xi32, #tpu.memory_space<hbm>>
        %dma_start3A_470 = tpu.memref_squeeze %dma_start3A_469 : memref<1x1x48xi32, #tpu.memory_space<hbm>> -> memref<48xi32, #tpu.memory_space<hbm>>
        %dma_start3A_471 = arith.constant 0 : i32
        %dma_start3A_472 = tpu.memref_slice %arg5[%add3A, %add3A_467, %dma_start3A_471] : memref<32x210x48xi32, #tpu.memory_space<hbm>> -> memref<1x1x48xi32, #tpu.memory_space<hbm>>
        %dma_start3A_473 = tpu.memref_squeeze %dma_start3A_472 : memref<1x1x48xi32, #tpu.memory_space<hbm>> -> memref<48xi32, #tpu.memory_space<hbm>>
        tpu.enqueue_dma source(%dma_start3A_473 : memref<48xi32, #tpu.memory_space<hbm>>) target(%arg12 : memref<48xi32, #tpu.memory_space<vmem>>) target_semaphore(%arg20 : memref<!tpu.dma_semaphore, #tpu.memory_space<semaphore_mem>>)
      } else {
      }
      %add3A_328 = arith.constant 1 : i32
      %add3A_329 = arith.addi %add3A_221, %add3A_328 : i32
      %lt3A_330 = arith.constant 210 : i32
      %lt3A_331 = arith.cmpi slt, %add3A_329, %lt3A_330 : i32
      %convert_element_type3A_332 = arith.extui %lt3A_331 : i1 to i32
      %cond3A_333 = arith.constant 0 : i32
      %cond3A_334 = arith.cmpi ne, %convert_element_type3A_332, %cond3A_333 : i32
      scf.if %cond3A_334 {
        %add3A_458 = arith.constant 1 : i32
        %add3A_459 = arith.addi %add3A_221, %add3A_458 : i32
        %dma_wait3A_460 = arith.constant 0 : i32
        %dma_wait3A_461 = tpu.memref_slice %arg4[%add3A, %add3A_459, %dma_wait3A_460] : memref<32x210x48xi32, #tpu.memory_space<hbm>> -> memref<1x1x48xi32, #tpu.memory_space<hbm>>
        %dma_wait3A_462 = tpu.memref_squeeze %dma_wait3A_461 : memref<1x1x48xi32, #tpu.memory_space<hbm>> -> memref<48xi32, #tpu.memory_space<hbm>>
        %dma_wait3A_463 = arith.constant 0 : i32
        %dma_wait3A_464 = tpu.memref_slice %arg4[%add3A, %add3A_459, %dma_wait3A_463] : memref<32x210x48xi32, #tpu.memory_space<hbm>> -> memref<1x1x48xi32, #tpu.memory_space<hbm>>
        %dma_wait3A_465 = tpu.memref_squeeze %dma_wait3A_464 : memref<1x1x48xi32, #tpu.memory_space<hbm>> -> memref<48xi32, #tpu.memory_space<hbm>>
        tpu.wait_dma2 semaphore(%arg19 : memref<!tpu.dma_semaphore, #tpu.memory_space<semaphore_mem>>) src(%dma_wait3A_465 : memref<48xi32, #tpu.memory_space<hbm>>) dst(%arg11 : memref<48xi32, #tpu.memory_space<vmem>>)
        %dma_start3A_466 = arith.constant 1 : i32
        %dma_start3A_467 = arith.constant 0 : i32
        %dma_start3A_468 = arith.constant 0 : i32
        %dma_start3A_469 = tpu.memref_slice %arg15[%dma_start3A_466, %dma_start3A_467, %dma_start3A_468] : memref<2x48x128xf32, #tpu.memory_space<vmem>> -> memref<1x48x128xf32, #tpu.memory_space<vmem>>
        %dma_start3A_470 = tpu.memref_squeeze %dma_start3A_469 : memref<1x48x128xf32, #tpu.memory_space<vmem>> -> memref<48x128xf32, #tpu.memory_space<vmem>>
        %dma_start3A_471 = arith.constant 0 : i32
        %dma_start3A_472 = arith.constant 0 : i32
        %dma_start3A_473 = tpu.memref_slice %arg2[%dma_start3A_471, %dma_start3A_472] : memref<10240x128xf32, #tpu.memory_space<hbm>> -> memref<48x128xf32, #tpu.memory_space<hbm>>
        %dma_start3A_474 = arith.constant 0 : i32
        %dma_start3A_475 = arith.constant 0 : i32
        %dma_start3A_476 = tpu.memref_slice %arg15[%dma_start3A_466, %dma_start3A_474, %dma_start3A_475] : memref<2x48x128xf32, #tpu.memory_space<vmem>> -> memref<1x48x128xf32, #tpu.memory_space<vmem>>
        %dma_start3A_477 = tpu.memref_squeeze %dma_start3A_476 : memref<1x48x128xf32, #tpu.memory_space<vmem>> -> memref<48x128xf32, #tpu.memory_space<vmem>>
        %dma_start3A_478 = arith.constant 0 : i32
        %dma_start3A_479 = arith.constant 0 : i32
        %dma_start3A_480 = tpu.memref_slice %arg2[%dma_start3A_478, %dma_start3A_479] : memref<10240x128xf32, #tpu.memory_space<hbm>> -> memref<48x128xf32, #tpu.memory_space<hbm>>
        tpu.enqueue_dma source(%dma_start3A_480 : memref<48x128xf32, #tpu.memory_space<hbm>>) target(%dma_start3A_477 : memref<48x128xf32, #tpu.memory_space<vmem>>) target_semaphore(%arg23 : memref<!tpu.dma_semaphore, #tpu.memory_space<semaphore_mem>>)
      } else {
      }
      %mul3A_335 = arith.constant 2 : i32
      %mul3A_336 = arith.muli %mul3A_335, %scan3A_217 : i32
      %add3A_337 = arith.constant 1 : i32
      %add3A_338 = arith.addi %mul3A_336, %add3A_337 : i32
      %dma_wait3A_339 = arith.constant 0 : i32
      %dma_wait3A_340 = tpu.memref_slice %arg5[%add3A, %add3A_338, %dma_wait3A_339] : memref<32x210x48xi32, #tpu.memory_space<hbm>> -> memref<1x1x48xi32, #tpu.memory_space<hbm>>
      %dma_wait3A_341 = tpu.memref_squeeze %dma_wait3A_340 : memref<1x1x48xi32, #tpu.memory_space<hbm>> -> memref<48xi32, #tpu.memory_space<hbm>>
      %dma_wait3A_342 = arith.constant 0 : i32
      %dma_wait3A_343 = tpu.memref_slice %arg5[%add3A, %add3A_338, %dma_wait3A_342] : memref<32x210x48xi32, #tpu.memory_space<hbm>> -> memref<1x1x48xi32, #tpu.memory_space<hbm>>
      %dma_wait3A_344 = tpu.memref_squeeze %dma_wait3A_343 : memref<1x1x48xi32, #tpu.memory_space<hbm>> -> memref<48xi32, #tpu.memory_space<hbm>>
      tpu.wait_dma2 semaphore(%arg21 : memref<!tpu.dma_semaphore, #tpu.memory_space<semaphore_mem>>) src(%dma_wait3A_344 : memref<48xi32, #tpu.memory_space<hbm>>) dst(%arg13 : memref<48xi32, #tpu.memory_space<vmem>>)
      %dma_wait3A_345 = arith.constant 1 : i32
      %dma_wait3A_346 = arith.constant 0 : i32
      %dma_wait3A_347 = arith.constant 0 : i32
      %dma_wait3A_348 = tpu.memref_slice %arg15[%dma_wait3A_345, %dma_wait3A_346, %dma_wait3A_347] : memref<2x48x128xf32, #tpu.memory_space<vmem>> -> memref<1x48x128xf32, #tpu.memory_space<vmem>>
      %dma_wait3A_349 = tpu.memref_squeeze %dma_wait3A_348 : memref<1x48x128xf32, #tpu.memory_space<vmem>> -> memref<48x128xf32, #tpu.memory_space<vmem>>
      %dma_wait3A_350 = arith.constant 0 : i32
      %dma_wait3A_351 = arith.constant 0 : i32
      %dma_wait3A_352 = tpu.memref_slice %arg2[%dma_wait3A_350, %dma_wait3A_351] : memref<10240x128xf32, #tpu.memory_space<hbm>> -> memref<48x128xf32, #tpu.memory_space<hbm>>
      %dma_wait3A_353 = arith.constant 0 : i32
      %dma_wait3A_354 = arith.constant 0 : i32
      %dma_wait3A_355 = tpu.memref_slice %arg15[%dma_wait3A_345, %dma_wait3A_353, %dma_wait3A_354] : memref<2x48x128xf32, #tpu.memory_space<vmem>> -> memref<1x48x128xf32, #tpu.memory_space<vmem>>
      %dma_wait3A_356 = tpu.memref_squeeze %dma_wait3A_355 : memref<1x48x128xf32, #tpu.memory_space<vmem>> -> memref<48x128xf32, #tpu.memory_space<vmem>>
      %dma_wait3A_357 = arith.constant 0 : i32
      %dma_wait3A_358 = arith.constant 0 : i32
      %dma_wait3A_359 = tpu.memref_slice %arg2[%dma_wait3A_357, %dma_wait3A_358] : memref<10240x128xf32, #tpu.memory_space<hbm>> -> memref<48x128xf32, #tpu.memory_space<hbm>>
      tpu.wait_dma2 semaphore(%arg23 : memref<!tpu.dma_semaphore, #tpu.memory_space<semaphore_mem>>) src(%dma_wait3A_359 : memref<48x128xf32, #tpu.memory_space<hbm>>) dst(%dma_wait3A_356 : memref<48x128xf32, #tpu.memory_space<vmem>>)
      %get3A_360 = arith.constant 0 : index
      %get3A_361 = tpu.vector_load %arg11[%get3A_360] {strides = array<i32>} : memref<48xi32, #tpu.memory_space<vmem>>, vector<16xi32>,
      %get3A_362 = arith.constant 0 : index
      %get3A_363 = tpu.vector_load %arg13[%get3A_362] {strides = array<i32>} : memref<48xi32, #tpu.memory_space<vmem>>, vector<16xi32>,
      %gather3A_364 = tpu.vector_load_idx %arg8[%get3A_361] : memref<10240xf32, #tpu.memory_space<vmem>>[vector<16xi32>], vector<16xf32>,
      %gather3A_365 = tpu.vector_load_idx %arg9[%get3A_363] : memref<10240xf32, #tpu.memory_space<vmem>>[vector<16xi32>], vector<16xf32>,
      %add3A_366 = arith.addf %gather3A_364, %gather3A_365 : vector<16xf32>
      %gt3A_367 = arith.constant 0.000000e+00 : f32
      %gt3A_368 = vector.broadcast %gt3A_367 : f32 to vector<16xf32>
      %gt3A_369 = arith.cmpf ogt, %add3A_366, %gt3A_368 : vector<16xf32>
      %mul3A_370 = arith.constant 2.000000e-01 : f32
      %mul3A_371 = vector.broadcast %mul3A_370 : f32 to vector<16xf32>
      %mul3A_372 = arith.mulf %mul3A_371, %add3A_366 : vector<16xf32>
      %select_n3A_373 = arith.select %gt3A_369, %add3A_366, %mul3A_372 : vector<16xi1>, vector<16xf32>
      %add3A_374 = arith.addf %max3A_157, %gather3A_365 : vector<16xf32>
      %gt3A_375 = arith.constant 0.000000e+00 : f32
      %gt3A_376 = vector.broadcast %gt3A_375 : f32 to vector<16xf32>
      %gt3A_377 = arith.cmpf ogt, %add3A_374, %gt3A_376 : vector<16xf32>
      %mul3A_378 = arith.constant 2.000000e-01 : f32
      %mul3A_379 = vector.broadcast %mul3A_378 : f32 to vector<16xf32>
      %mul3A_380 = arith.mulf %mul3A_379, %add3A_374 : vector<16xf32>
      %select_n3A_381 = arith.select %gt3A_377, %add3A_374, %mul3A_380 : vector<16xi1>, vector<16xf32>
      %sub3A_382 = arith.subf %select_n3A_373, %select_n3A_381 : vector<16xf32>
      %exp3A_383 = math.exp %sub3A_382 : vector<16xf32>
      %swap3A_384 = arith.constant 0 : index
      %swap3A_385 = tpu.vector_load %arg14[%swap3A_384] {strides = array<i32>} : memref<128xf32, #tpu.memory_space<vmem>>, vector<16xf32>,
      tpu.vector_store %arg14[%swap3A_384], %exp3A_383 {strides = array<i32>} : memref<128xf32, #tpu.memory_space<vmem>>, vector<16xf32>,
      %get3A_386 = arith.constant 16 : index
      %get3A_387 = tpu.vector_load %arg11[%get3A_386] {strides = array<i32>} : memref<48xi32, #tpu.memory_space<vmem>>, vector<16xi32>,
      %get3A_388 = arith.constant 16 : index
      %get3A_389 = tpu.vector_load %arg13[%get3A_388] {strides = array<i32>} : memref<48xi32, #tpu.memory_space<vmem>>, vector<16xi32>,
      %gather3A_390 = tpu.vector_load_idx %arg8[%get3A_387] : memref<10240xf32, #tpu.memory_space<vmem>>[vector<16xi32>], vector<16xf32>,
      %gather3A_391 = tpu.vector_load_idx %arg9[%get3A_389] : memref<10240xf32, #tpu.memory_space<vmem>>[vector<16xi32>], vector<16xf32>,
      %add3A_392 = arith.addf %gather3A_390, %gather3A_391 : vector<16xf32>
      %gt3A_393 = arith.constant 0.000000e+00 : f32
      %gt3A_394 = vector.broadcast %gt3A_393 : f32 to vector<16xf32>
      %gt3A_395 = arith.cmpf ogt, %add3A_392, %gt3A_394 : vector<16xf32>
      %mul3A_396 = arith.constant 2.000000e-01 : f32
      %mul3A_397 = vector.broadcast %mul3A_396 : f32 to vector<16xf32>
      %mul3A_398 = arith.mulf %mul3A_397, %add3A_392 : vector<16xf32>
      %select_n3A_399 = arith.select %gt3A_395, %add3A_392, %mul3A_398 : vector<16xi1>, vector<16xf32>
      %add3A_400 = arith.addf %max3A_157, %gather3A_391 : vector<16xf32>
      %gt3A_401 = arith.constant 0.000000e+00 : f32
      %gt3A_402 = vector.broadcast %gt3A_401 : f32 to vector<16xf32>
      %gt3A_403 = arith.cmpf ogt, %add3A_400, %gt3A_402 : vector<16xf32>
      %mul3A_404 = arith.constant 2.000000e-01 : f32
      %mul3A_405 = vector.broadcast %mul3A_404 : f32 to vector<16xf32>
      %mul3A_406 = arith.mulf %mul3A_405, %add3A_400 : vector<16xf32>
      %select_n3A_407 = arith.select %gt3A_403, %add3A_400, %mul3A_406 : vector<16xi1>, vector<16xf32>
      %sub3A_408 = arith.subf %select_n3A_399, %select_n3A_407 : vector<16xf32>
      %exp3A_409 = math.exp %sub3A_408 : vector<16xf32>
      %swap3A_410 = arith.constant 16 : index
      %swap3A_411 = tpu.vector_load %arg14[%swap3A_410] {strides = array<i32>} : memref<128xf32, #tpu.memory_space<vmem>>, vector<16xf32>,
      tpu.vector_store %arg14[%swap3A_410], %exp3A_409 {strides = array<i32>} : memref<128xf32, #tpu.memory_space<vmem>>, vector<16xf32>,
      %get3A_412 = arith.constant 32 : index
      %get3A_413 = tpu.vector_load %arg11[%get3A_412] {strides = array<i32>} : memref<48xi32, #tpu.memory_space<vmem>>, vector<16xi32>,
      %get3A_414 = arith.constant 32 : index
      %get3A_415 = tpu.vector_load %arg13[%get3A_414] {strides = array<i32>} : memref<48xi32, #tpu.memory_space<vmem>>, vector<16xi32>,
      %gather3A_416 = tpu.vector_load_idx %arg8[%get3A_413] : memref<10240xf32, #tpu.memory_space<vmem>>[vector<16xi32>], vector<16xf32>,
      %gather3A_417 = tpu.vector_load_idx %arg9[%get3A_415] : memref<10240xf32, #tpu.memory_space<vmem>>[vector<16xi32>], vector<16xf32>,
      %add3A_418 = arith.addf %gather3A_416, %gather3A_417 : vector<16xf32>
      %gt3A_419 = arith.constant 0.000000e+00 : f32
      %gt3A_420 = vector.broadcast %gt3A_419 : f32 to vector<16xf32>
      %gt3A_421 = arith.cmpf ogt, %add3A_418, %gt3A_420 : vector<16xf32>
      %mul3A_422 = arith.constant 2.000000e-01 : f32
      %mul3A_423 = vector.broadcast %mul3A_422 : f32 to vector<16xf32>
      %mul3A_424 = arith.mulf %mul3A_423, %add3A_418 : vector<16xf32>
      %select_n3A_425 = arith.select %gt3A_421, %add3A_418, %mul3A_424 : vector<16xi1>, vector<16xf32>
      %add3A_426 = arith.addf %max3A_157, %gather3A_417 : vector<16xf32>
      %gt3A_427 = arith.constant 0.000000e+00 : f32
      %gt3A_428 = vector.broadcast %gt3A_427 : f32 to vector<16xf32>
      %gt3A_429 = arith.cmpf ogt, %add3A_426, %gt3A_428 : vector<16xf32>
      %mul3A_430 = arith.constant 2.000000e-01 : f32
      %mul3A_431 = vector.broadcast %mul3A_430 : f32 to vector<16xf32>
      %mul3A_432 = arith.mulf %mul3A_431, %add3A_426 : vector<16xf32>
      %select_n3A_433 = arith.select %gt3A_429, %add3A_426, %mul3A_432 : vector<16xi1>, vector<16xf32>
      %sub3A_434 = arith.subf %select_n3A_425, %select_n3A_433 : vector<16xf32>
      %exp3A_435 = math.exp %sub3A_434 : vector<16xf32>
      %swap3A_436 = arith.constant 32 : index
      %swap3A_437 = tpu.vector_load %arg14[%swap3A_436] {strides = array<i32>} : memref<128xf32, #tpu.memory_space<vmem>>, vector<16xf32>,
      tpu.vector_store %arg14[%swap3A_436], %exp3A_435 {strides = array<i32>} : memref<128xf32, #tpu.memory_space<vmem>>, vector<16xf32>,
      %scan3A_438 = arith.constant 0 : i32
      %scan3A_439 = arith.constant 0 : i32
      %scan3A_440 = arith.constant 12 : i32
      %scan3A_441 = arith.addi %scan3A_439, %scan3A_440 : i32
      %scan3A_442 = arith.constant 1 : i32
      scf.for %scan3A_458 = %scan3A_439 to %scan3A_441 step %scan3A_442  : i32 {
        %mul3A_459 = arith.constant 4 : i32
        %mul3A_460 = arith.muli %scan3A_458, %mul3A_459 : i32
        %add3A_461 = arith.constant 0 : i32
        %add3A_462 = arith.addi %mul3A_460, %add3A_461 : i32
        %broadcast_in_dim3A_463 = vector.broadcast %add3A_462 : i32 to vector<16xi32>
        %gather3A_464 = tpu.vector_load_idx %arg14[%broadcast_in_dim3A_463] : memref<128xf32, #tpu.memory_space<vmem>>[vector<16xi32>], vector<16xf32>,
        %add3A_465 = arith.constant 1 : i32
        %add3A_466 = arith.addi %mul3A_460, %add3A_465 : i32
        %broadcast_in_dim3A_467 = vector.broadcast %add3A_466 : i32 to vector<16xi32>
        %gather3A_468 = tpu.vector_load_idx %arg14[%broadcast_in_dim3A_467] : memref<128xf32, #tpu.memory_space<vmem>>[vector<16xi32>], vector<16xf32>,
        %add3A_469 = arith.constant 2 : i32
        %add3A_470 = arith.addi %mul3A_460, %add3A_469 : i32
        %broadcast_in_dim3A_471 = vector.broadcast %add3A_470 : i32 to vector<16xi32>
        %gather3A_472 = tpu.vector_load_idx %arg14[%broadcast_in_dim3A_471] : memref<128xf32, #tpu.memory_space<vmem>>[vector<16xi32>], vector<16xf32>,
        %add3A_473 = arith.constant 3 : i32
        %add3A_474 = arith.addi %mul3A_460, %add3A_473 : i32
        %broadcast_in_dim3A_475 = vector.broadcast %add3A_474 : i32 to vector<16xi32>
        %gather3A_476 = tpu.vector_load_idx %arg14[%broadcast_in_dim3A_475] : memref<128xf32, #tpu.memory_space<vmem>>[vector<16xi32>], vector<16xf32>,
        %add3A_477 = arith.constant 0 : i32
        %add3A_478 = arith.addi %mul3A_460, %add3A_477 : i32
        %get3A_479 = arith.constant 1 : i32
        %get3A_480 = arith.index_cast %get3A_479 : i32 to index
        %get3A_481 = arith.index_cast %add3A_478 : i32 to index
        %get3A_482 = arith.constant 0 : index
        %get3A_483 = tpu.vector_load %arg15[%get3A_480, %get3A_481, %get3A_482] {strides = array<i32>} : memref<2x48x128xf32, #tpu.memory_space<vmem>>, vector<16xf32>,
        %mul3A_484 = arith.mulf %get3A_483, %gather3A_464 : vector<16xf32>
        %add3A_485 = arith.constant 0 : i32
        %add3A_486 = arith.addi %mul3A_460, %add3A_485 : i32
        %swap3A_487 = arith.constant 1 : i32
        %swap3A_488 = arith.index_cast %swap3A_487 : i32 to index
        %swap3A_489 = arith.index_cast %add3A_486 : i32 to index
        %swap3A_490 = arith.constant 0 : index
        %swap3A_491 = tpu.vector_load %arg15[%swap3A_488, %swap3A_489, %swap3A_490] {strides = array<i32>} : memref<2x48x128xf32, #tpu.memory_space<vmem>>, vector<16xf32>,
        tpu.vector_store %arg15[%swap3A_488, %swap3A_489, %swap3A_490], %mul3A_484 {strides = array<i32>} : memref<2x48x128xf32, #tpu.memory_space<vmem>>, vector<16xf32>,
        %add3A_492 = arith.constant 1 : i32
        %add3A_493 = arith.addi %mul3A_460, %add3A_492 : i32
        %get3A_494 = arith.constant 1 : i32
        %get3A_495 = arith.index_cast %get3A_494 : i32 to index
        %get3A_496 = arith.index_cast %add3A_493 : i32 to index
        %get3A_497 = arith.constant 0 : index
        %get3A_498 = tpu.vector_load %arg15[%get3A_495, %get3A_496, %get3A_497] {strides = array<i32>} : memref<2x48x128xf32, #tpu.memory_space<vmem>>, vector<16xf32>,
        %mul3A_499 = arith.mulf %get3A_498, %gather3A_468 : vector<16xf32>
        %add3A_500 = arith.constant 1 : i32
        %add3A_501 = arith.addi %mul3A_460, %add3A_500 : i32
        %swap3A_502 = arith.constant 1 : i32
        %swap3A_503 = arith.index_cast %swap3A_502 : i32 to index
        %swap3A_504 = arith.index_cast %add3A_501 : i32 to index
        %swap3A_505 = arith.constant 0 : index
        %swap3A_506 = tpu.vector_load %arg15[%swap3A_503, %swap3A_504, %swap3A_505] {strides = array<i32>} : memref<2x48x128xf32, #tpu.memory_space<vmem>>, vector<16xf32>,
        tpu.vector_store %arg15[%swap3A_503, %swap3A_504, %swap3A_505], %mul3A_499 {strides = array<i32>} : memref<2x48x128xf32, #tpu.memory_space<vmem>>, vector<16xf32>,
        %add3A_507 = arith.constant 2 : i32
        %add3A_508 = arith.addi %mul3A_460, %add3A_507 : i32
        %get3A_509 = arith.constant 1 : i32
        %get3A_510 = arith.index_cast %get3A_509 : i32 to index
        %get3A_511 = arith.index_cast %add3A_508 : i32 to index
        %get3A_512 = arith.constant 0 : index
        %get3A_513 = tpu.vector_load %arg15[%get3A_510, %get3A_511, %get3A_512] {strides = array<i32>} : memref<2x48x128xf32, #tpu.memory_space<vmem>>, vector<16xf32>,
        %mul3A_514 = arith.mulf %get3A_513, %gather3A_472 : vector<16xf32>
        %add3A_515 = arith.constant 2 : i32
        %add3A_516 = arith.addi %mul3A_460, %add3A_515 : i32
        %swap3A_517 = arith.constant 1 : i32
        %swap3A_518 = arith.index_cast %swap3A_517 : i32 to index
        %swap3A_519 = arith.index_cast %add3A_516 : i32 to index
        %swap3A_520 = arith.constant 0 : index
        %swap3A_521 = tpu.vector_load %arg15[%swap3A_518, %swap3A_519, %swap3A_520] {strides = array<i32>} : memref<2x48x128xf32, #tpu.memory_space<vmem>>, vector<16xf32>,
        tpu.vector_store %arg15[%swap3A_518, %swap3A_519, %swap3A_520], %mul3A_514 {strides = array<i32>} : memref<2x48x128xf32, #tpu.memory_space<vmem>>, vector<16xf32>,
        %add3A_522 = arith.constant 3 : i32
        %add3A_523 = arith.addi %mul3A_460, %add3A_522 : i32
        %get3A_524 = arith.constant 1 : i32
        %get3A_525 = arith.index_cast %get3A_524 : i32 to index
        %get3A_526 = arith.index_cast %add3A_523 : i32 to index
        %get3A_527 = arith.constant 0 : index
        %get3A_528 = tpu.vector_load %arg15[%get3A_525, %get3A_526, %get3A_527] {strides = array<i32>} : memref<2x48x128xf32, #tpu.memory_space<vmem>>, vector<16xf32>,
        %mul3A_529 = arith.mulf %get3A_528, %gather3A_476 : vector<16xf32>
        %add3A_530 = arith.constant 3 : i32
        %add3A_531 = arith.addi %mul3A_460, %add3A_530 : i32
        %swap3A_532 = arith.constant 1 : i32
        %swap3A_533 = arith.index_cast %swap3A_532 : i32 to index
        %swap3A_534 = arith.index_cast %add3A_531 : i32 to index
        %swap3A_535 = arith.constant 0 : index
        %swap3A_536 = tpu.vector_load %arg15[%swap3A_533, %swap3A_534, %swap3A_535] {strides = array<i32>} : memref<2x48x128xf32, #tpu.memory_space<vmem>>, vector<16xf32>,
        tpu.vector_store %arg15[%swap3A_533, %swap3A_534, %swap3A_535], %mul3A_529 {strides = array<i32>} : memref<2x48x128xf32, #tpu.memory_space<vmem>>, vector<16xf32>,
        %add3A_537 = arith.constant 0 : i32
        %add3A_538 = arith.addi %mul3A_460, %add3A_537 : i32
        %get3A_539 = arith.constant 1 : i32
        %get3A_540 = arith.index_cast %get3A_539 : i32 to index
        %get3A_541 = arith.index_cast %add3A_538 : i32 to index
        %get3A_542 = arith.constant 16 : index
        %get3A_543 = tpu.vector_load %arg15[%get3A_540, %get3A_541, %get3A_542] {strides = array<i32>} : memref<2x48x128xf32, #tpu.memory_space<vmem>>, vector<16xf32>,
        %mul3A_544 = arith.mulf %get3A_543, %gather3A_464 : vector<16xf32>
        %add3A_545 = arith.constant 0 : i32
        %add3A_546 = arith.addi %mul3A_460, %add3A_545 : i32
        %swap3A_547 = arith.constant 1 : i32
        %swap3A_548 = arith.index_cast %swap3A_547 : i32 to index
        %swap3A_549 = arith.index_cast %add3A_546 : i32 to index
        %swap3A_550 = arith.constant 16 : index
        %swap3A_551 = tpu.vector_load %arg15[%swap3A_548, %swap3A_549, %swap3A_550] {strides = array<i32>} : memref<2x48x128xf32, #tpu.memory_space<vmem>>, vector<16xf32>,
        tpu.vector_store %arg15[%swap3A_548, %swap3A_549, %swap3A_550], %mul3A_544 {strides = array<i32>} : memref<2x48x128xf32, #tpu.memory_space<vmem>>, vector<16xf32>,
        %add3A_552 = arith.constant 1 : i32
        %add3A_553 = arith.addi %mul3A_460, %add3A_552 : i32
        %get3A_554 = arith.constant 1 : i32
        %get3A_555 = arith.index_cast %get3A_554 : i32 to index
        %get3A_556 = arith.index_cast %add3A_553 : i32 to index
        %get3A_557 = arith.constant 16 : index
        %get3A_558 = tpu.vector_load %arg15[%get3A_555, %get3A_556, %get3A_557] {strides = array<i32>} : memref<2x48x128xf32, #tpu.memory_space<vmem>>, vector<16xf32>,
        %mul3A_559 = arith.mulf %get3A_558, %gather3A_468 : vector<16xf32>
        %add3A_560 = arith.constant 1 : i32
        %add3A_561 = arith.addi %mul3A_460, %add3A_560 : i32
        %swap3A_562 = arith.constant 1 : i32
        %swap3A_563 = arith.index_cast %swap3A_562 : i32 to index
        %swap3A_564 = arith.index_cast %add3A_561 : i32 to index
        %swap3A_565 = arith.constant 16 : index
        %swap3A_566 = tpu.vector_load %arg15[%swap3A_563, %swap3A_564, %swap3A_565] {strides = array<i32>} : memref<2x48x128xf32, #tpu.memory_space<vmem>>, vector<16xf32>,
        tpu.vector_store %arg15[%swap3A_563, %swap3A_564, %swap3A_565], %mul3A_559 {strides = array<i32>} : memref<2x48x128xf32, #tpu.memory_space<vmem>>, vector<16xf32>,
        %add3A_567 = arith.constant 2 : i32
        %add3A_568 = arith.addi %mul3A_460, %add3A_567 : i32
        %get3A_569 = arith.constant 1 : i32
        %get3A_570 = arith.index_cast %get3A_569 : i32 to index
        %get3A_571 = arith.index_cast %add3A_568 : i32 to index
        %get3A_572 = arith.constant 16 : index
        %get3A_573 = tpu.vector_load %arg15[%get3A_570, %get3A_571, %get3A_572] {strides = array<i32>} : memref<2x48x128xf32, #tpu.memory_space<vmem>>, vector<16xf32>,
        %mul3A_574 = arith.mulf %get3A_573, %gather3A_472 : vector<16xf32>
        %add3A_575 = arith.constant 2 : i32
        %add3A_576 = arith.addi %mul3A_460, %add3A_575 : i32
        %swap3A_577 = arith.constant 1 : i32
        %swap3A_578 = arith.index_cast %swap3A_577 : i32 to index
        %swap3A_579 = arith.index_cast %add3A_576 : i32 to index
        %swap3A_580 = arith.constant 16 : index
        %swap3A_581 = tpu.vector_load %arg15[%swap3A_578, %swap3A_579, %swap3A_580] {strides = array<i32>} : memref<2x48x128xf32, #tpu.memory_space<vmem>>, vector<16xf32>,
        tpu.vector_store %arg15[%swap3A_578, %swap3A_579, %swap3A_580], %mul3A_574 {strides = array<i32>} : memref<2x48x128xf32, #tpu.memory_space<vmem>>, vector<16xf32>,
        %add3A_582 = arith.constant 3 : i32
        %add3A_583 = arith.addi %mul3A_460, %add3A_582 : i32
        %get3A_584 = arith.constant 1 : i32
        %get3A_585 = arith.index_cast %get3A_584 : i32 to index
        %get3A_586 = arith.index_cast %add3A_583 : i32 to index
        %get3A_587 = arith.constant 16 : index
        %get3A_588 = tpu.vector_load %arg15[%get3A_585, %get3A_586, %get3A_587] {strides = array<i32>} : memref<2x48x128xf32, #tpu.memory_space<vmem>>, vector<16xf32>,
        %mul3A_589 = arith.mulf %get3A_588, %gather3A_476 : vector<16xf32>
        %add3A_590 = arith.constant 3 : i32
        %add3A_591 = arith.addi %mul3A_460, %add3A_590 : i32
        %swap3A_592 = arith.constant 1 : i32
        %swap3A_593 = arith.index_cast %swap3A_592 : i32 to index
        %swap3A_594 = arith.index_cast %add3A_591 : i32 to index
        %swap3A_595 = arith.constant 16 : index
        %swap3A_596 = tpu.vector_load %arg15[%swap3A_593, %swap3A_594, %swap3A_595] {strides = array<i32>} : memref<2x48x128xf32, #tpu.memory_space<vmem>>, vector<16xf32>,
        tpu.vector_store %arg15[%swap3A_593, %swap3A_594, %swap3A_595], %mul3A_589 {strides = array<i32>} : memref<2x48x128xf32, #tpu.memory_space<vmem>>, vector<16xf32>,
        %add3A_597 = arith.constant 0 : i32
        %add3A_598 = arith.addi %mul3A_460, %add3A_597 : i32
        %get3A_599 = arith.constant 1 : i32
        %get3A_600 = arith.index_cast %get3A_599 : i32 to index
        %get3A_601 = arith.index_cast %add3A_598 : i32 to index
        %get3A_602 = arith.constant 32 : index
        %get3A_603 = tpu.vector_load %arg15[%get3A_600, %get3A_601, %get3A_602] {strides = array<i32>} : memref<2x48x128xf32, #tpu.memory_space<vmem>>, vector<16xf32>,
        %mul3A_604 = arith.mulf %get3A_603, %gather3A_464 : vector<16xf32>
        %add3A_605 = arith.constant 0 : i32
        %add3A_606 = arith.addi %mul3A_460, %add3A_605 : i32
        %swap3A_607 = arith.constant 1 : i32
        %swap3A_608 = arith.index_cast %swap3A_607 : i32 to index
        %swap3A_609 = arith.index_cast %add3A_606 : i32 to index
        %swap3A_610 = arith.constant 32 : index
        %swap3A_611 = tpu.vector_load %arg15[%swap3A_608, %swap3A_609, %swap3A_610] {strides = array<i32>} : memref<2x48x128xf32, #tpu.memory_space<vmem>>, vector<16xf32>,
        tpu.vector_store %arg15[%swap3A_608, %swap3A_609, %swap3A_610], %mul3A_604 {strides = array<i32>} : memref<2x48x128xf32, #tpu.memory_space<vmem>>, vector<16xf32>,
        %add3A_612 = arith.constant 1 : i32
        %add3A_613 = arith.addi %mul3A_460, %add3A_612 : i32
        %get3A_614 = arith.constant 1 : i32
        %get3A_615 = arith.index_cast %get3A_614 : i32 to index
        %get3A_616 = arith.index_cast %add3A_613 : i32 to index
        %get3A_617 = arith.constant 32 : index
        %get3A_618 = tpu.vector_load %arg15[%get3A_615, %get3A_616, %get3A_617] {strides = array<i32>} : memref<2x48x128xf32, #tpu.memory_space<vmem>>, vector<16xf32>,
        %mul3A_619 = arith.mulf %get3A_618, %gather3A_468 : vector<16xf32>
        %add3A_620 = arith.constant 1 : i32
        %add3A_621 = arith.addi %mul3A_460, %add3A_620 : i32
        %swap3A_622 = arith.constant 1 : i32
        %swap3A_623 = arith.index_cast %swap3A_622 : i32 to index
        %swap3A_624 = arith.index_cast %add3A_621 : i32 to index
        %swap3A_625 = arith.constant 32 : index
        %swap3A_626 = tpu.vector_load %arg15[%swap3A_623, %swap3A_624, %swap3A_625] {strides = array<i32>} : memref<2x48x128xf32, #tpu.memory_space<vmem>>, vector<16xf32>,
        tpu.vector_store %arg15[%swap3A_623, %swap3A_624, %swap3A_625], %mul3A_619 {strides = array<i32>} : memref<2x48x128xf32, #tpu.memory_space<vmem>>, vector<16xf32>,
        %add3A_627 = arith.constant 2 : i32
        %add3A_628 = arith.addi %mul3A_460, %add3A_627 : i32
        %get3A_629 = arith.constant 1 : i32
        %get3A_630 = arith.index_cast %get3A_629 : i32 to index
        %get3A_631 = arith.index_cast %add3A_628 : i32 to index
        %get3A_632 = arith.constant 32 : index
        %get3A_633 = tpu.vector_load %arg15[%get3A_630, %get3A_631, %get3A_632] {strides = array<i32>} : memref<2x48x128xf32, #tpu.memory_space<vmem>>, vector<16xf32>,
        %mul3A_634 = arith.mulf %get3A_633, %gather3A_472 : vector<16xf32>
        %add3A_635 = arith.constant 2 : i32
        %add3A_636 = arith.addi %mul3A_460, %add3A_635 : i32
        %swap3A_637 = arith.constant 1 : i32
        %swap3A_638 = arith.index_cast %swap3A_637 : i32 to index
        %swap3A_639 = arith.index_cast %add3A_636 : i32 to index
        %swap3A_640 = arith.constant 32 : index
        %swap3A_641 = tpu.vector_load %arg15[%swap3A_638, %swap3A_639, %swap3A_640] {strides = array<i32>} : memref<2x48x128xf32, #tpu.memory_space<vmem>>, vector<16xf32>,
        tpu.vector_store %arg15[%swap3A_638, %swap3A_639, %swap3A_640], %mul3A_634 {strides = array<i32>} : memref<2x48x128xf32, #tpu.memory_space<vmem>>, vector<16xf32>,
        %add3A_642 = arith.constant 3 : i32
        %add3A_643 = arith.addi %mul3A_460, %add3A_642 : i32
        %get3A_644 = arith.constant 1 : i32
        %get3A_645 = arith.index_cast %get3A_644 : i32 to index
        %get3A_646 = arith.index_cast %add3A_643 : i32 to index
        %get3A_647 = arith.constant 32 : index
        %get3A_648 = tpu.vector_load %arg15[%get3A_645, %get3A_646, %get3A_647] {strides = array<i32>} : memref<2x48x128xf32, #tpu.memory_space<vmem>>, vector<16xf32>,
        %mul3A_649 = arith.mulf %get3A_648, %gather3A_476 : vector<16xf32>
        %add3A_650 = arith.constant 3 : i32
        %add3A_651 = arith.addi %mul3A_460, %add3A_650 : i32
        %swap3A_652 = arith.constant 1 : i32
        %swap3A_653 = arith.index_cast %swap3A_652 : i32 to index
        %swap3A_654 = arith.index_cast %add3A_651 : i32 to index
        %swap3A_655 = arith.constant 32 : index
        %swap3A_656 = tpu.vector_load %arg15[%swap3A_653, %swap3A_654, %swap3A_655] {strides = array<i32>} : memref<2x48x128xf32, #tpu.memory_space<vmem>>, vector<16xf32>,
        tpu.vector_store %arg15[%swap3A_653, %swap3A_654, %swap3A_655], %mul3A_649 {strides = array<i32>} : memref<2x48x128xf32, #tpu.memory_space<vmem>>, vector<16xf32>,
        %add3A_657 = arith.constant 0 : i32
        %add3A_658 = arith.addi %mul3A_460, %add3A_657 : i32
        %get3A_659 = arith.constant 1 : i32
        %get3A_660 = arith.index_cast %get3A_659 : i32 to index
        %get3A_661 = arith.index_cast %add3A_658 : i32 to index
        %get3A_662 = arith.constant 48 : index
        %get3A_663 = tpu.vector_load %arg15[%get3A_660, %get3A_661, %get3A_662] {strides = array<i32>} : memref<2x48x128xf32, #tpu.memory_space<vmem>>, vector<16xf32>,
        %mul3A_664 = arith.mulf %get3A_663, %gather3A_464 : vector<16xf32>
        %add3A_665 = arith.constant 0 : i32
        %add3A_666 = arith.addi %mul3A_460, %add3A_665 : i32
        %swap3A_667 = arith.constant 1 : i32
        %swap3A_668 = arith.index_cast %swap3A_667 : i32 to index
        %swap3A_669 = arith.index_cast %add3A_666 : i32 to index
        %swap3A_670 = arith.constant 48 : index
        %swap3A_671 = tpu.vector_load %arg15[%swap3A_668, %swap3A_669, %swap3A_670] {strides = array<i32>} : memref<2x48x128xf32, #tpu.memory_space<vmem>>, vector<16xf32>,
        tpu.vector_store %arg15[%swap3A_668, %swap3A_669, %swap3A_670], %mul3A_664 {strides = array<i32>} : memref<2x48x128xf32, #tpu.memory_space<vmem>>, vector<16xf32>,
        %add3A_672 = arith.constant 1 : i32
        %add3A_673 = arith.addi %mul3A_460, %add3A_672 : i32
        %get3A_674 = arith.constant 1 : i32
        %get3A_675 = arith.index_cast %get3A_674 : i32 to index
        %get3A_676 = arith.index_cast %add3A_673 : i32 to index
        %get3A_677 = arith.constant 48 : index
        %get3A_678 = tpu.vector_load %arg15[%get3A_675, %get3A_676, %get3A_677] {strides = array<i32>} : memref<2x48x128xf32, #tpu.memory_space<vmem>>, vector<16xf32>,
        %mul3A_679 = arith.mulf %get3A_678, %gather3A_468 : vector<16xf32>
        %add3A_680 = arith.constant 1 : i32
        %add3A_681 = arith.addi %mul3A_460, %add3A_680 : i32
        %swap3A_682 = arith.constant 1 : i32
        %swap3A_683 = arith.index_cast %swap3A_682 : i32 to index
        %swap3A_684 = arith.index_cast %add3A_681 : i32 to index
        %swap3A_685 = arith.constant 48 : index
        %swap3A_686 = tpu.vector_load %arg15[%swap3A_683, %swap3A_684, %swap3A_685] {strides = array<i32>} : memref<2x48x128xf32, #tpu.memory_space<vmem>>, vector<16xf32>,
        tpu.vector_store %arg15[%swap3A_683, %swap3A_684, %swap3A_685], %mul3A_679 {strides = array<i32>} : memref<2x48x128xf32, #tpu.memory_space<vmem>>, vector<16xf32>,
        %add3A_687 = arith.constant 2 : i32
        %add3A_688 = arith.addi %mul3A_460, %add3A_687 : i32
        %get3A_689 = arith.constant 1 : i32
        %get3A_690 = arith.index_cast %get3A_689 : i32 to index
        %get3A_691 = arith.index_cast %add3A_688 : i32 to index
        %get3A_692 = arith.constant 48 : index
        %get3A_693 = tpu.vector_load %arg15[%get3A_690, %get3A_691, %get3A_692] {strides = array<i32>} : memref<2x48x128xf32, #tpu.memory_space<vmem>>, vector<16xf32>,
        %mul3A_694 = arith.mulf %get3A_693, %gather3A_472 : vector<16xf32>
        %add3A_695 = arith.constant 2 : i32
        %add3A_696 = arith.addi %mul3A_460, %add3A_695 : i32
        %swap3A_697 = arith.constant 1 : i32
        %swap3A_698 = arith.index_cast %swap3A_697 : i32 to index
        %swap3A_699 = arith.index_cast %add3A_696 : i32 to index
        %swap3A_700 = arith.constant 48 : index
        %swap3A_701 = tpu.vector_load %arg15[%swap3A_698, %swap3A_699, %swap3A_700] {strides = array<i32>} : memref<2x48x128xf32, #tpu.memory_space<vmem>>, vector<16xf32>,
        tpu.vector_store %arg15[%swap3A_698, %swap3A_699, %swap3A_700], %mul3A_694 {strides = array<i32>} : memref<2x48x128xf32, #tpu.memory_space<vmem>>, vector<16xf32>,
        %add3A_702 = arith.constant 3 : i32
        %add3A_703 = arith.addi %mul3A_460, %add3A_702 : i32
        %get3A_704 = arith.constant 1 : i32
        %get3A_705 = arith.index_cast %get3A_704 : i32 to index
        %get3A_706 = arith.index_cast %add3A_703 : i32 to index
        %get3A_707 = arith.constant 48 : index
        %get3A_708 = tpu.vector_load %arg15[%get3A_705, %get3A_706, %get3A_707] {strides = array<i32>} : memref<2x48x128xf32, #tpu.memory_space<vmem>>, vector<16xf32>,
        %mul3A_709 = arith.mulf %get3A_708, %gather3A_476 : vector<16xf32>
        %add3A_710 = arith.constant 3 : i32
        %add3A_711 = arith.addi %mul3A_460, %add3A_710 : i32
        %swap3A_712 = arith.constant 1 : i32
        %swap3A_713 = arith.index_cast %swap3A_712 : i32 to index
        %swap3A_714 = arith.index_cast %add3A_711 : i32 to index
        %swap3A_715 = arith.constant 48 : index
        %swap3A_716 = tpu.vector_load %arg15[%swap3A_713, %swap3A_714, %swap3A_715] {strides = array<i32>} : memref<2x48x128xf32, #tpu.memory_space<vmem>>, vector<16xf32>,
        tpu.vector_store %arg15[%swap3A_713, %swap3A_714, %swap3A_715], %mul3A_709 {strides = array<i32>} : memref<2x48x128xf32, #tpu.memory_space<vmem>>, vector<16xf32>,
        %add3A_717 = arith.constant 0 : i32
        %add3A_718 = arith.addi %mul3A_460, %add3A_717 : i32
        %get3A_719 = arith.constant 1 : i32
        %get3A_720 = arith.index_cast %get3A_719 : i32 to index
        %get3A_721 = arith.index_cast %add3A_718 : i32 to index
        %get3A_722 = arith.constant 64 : index
        %get3A_723 = tpu.vector_load %arg15[%get3A_720, %get3A_721, %get3A_722] {strides = array<i32>} : memref<2x48x128xf32, #tpu.memory_space<vmem>>, vector<16xf32>,
        %mul3A_724 = arith.mulf %get3A_723, %gather3A_464 : vector<16xf32>
        %add3A_725 = arith.constant 0 : i32
        %add3A_726 = arith.addi %mul3A_460, %add3A_725 : i32
        %swap3A_727 = arith.constant 1 : i32
        %swap3A_728 = arith.index_cast %swap3A_727 : i32 to index
        %swap3A_729 = arith.index_cast %add3A_726 : i32 to index
        %swap3A_730 = arith.constant 64 : index
        %swap3A_731 = tpu.vector_load %arg15[%swap3A_728, %swap3A_729, %swap3A_730] {strides = array<i32>} : memref<2x48x128xf32, #tpu.memory_space<vmem>>, vector<16xf32>,
        tpu.vector_store %arg15[%swap3A_728, %swap3A_729, %swap3A_730], %mul3A_724 {strides = array<i32>} : memref<2x48x128xf32, #tpu.memory_space<vmem>>, vector<16xf32>,
        %add3A_732 = arith.constant 1 : i32
        %add3A_733 = arith.addi %mul3A_460, %add3A_732 : i32
        %get3A_734 = arith.constant 1 : i32
        %get3A_735 = arith.index_cast %get3A_734 : i32 to index
        %get3A_736 = arith.index_cast %add3A_733 : i32 to index
        %get3A_737 = arith.constant 64 : index
        %get3A_738 = tpu.vector_load %arg15[%get3A_735, %get3A_736, %get3A_737] {strides = array<i32>} : memref<2x48x128xf32, #tpu.memory_space<vmem>>, vector<16xf32>,
        %mul3A_739 = arith.mulf %get3A_738, %gather3A_468 : vector<16xf32>
        %add3A_740 = arith.constant 1 : i32
        %add3A_741 = arith.addi %mul3A_460, %add3A_740 : i32
        %swap3A_742 = arith.constant 1 : i32
        %swap3A_743 = arith.index_cast %swap3A_742 : i32 to index
        %swap3A_744 = arith.index_cast %add3A_741 : i32 to index
        %swap3A_745 = arith.constant 64 : index
        %swap3A_746 = tpu.vector_load %arg15[%swap3A_743, %swap3A_744, %swap3A_745] {strides = array<i32>} : memref<2x48x128xf32, #tpu.memory_space<vmem>>, vector<16xf32>,
        tpu.vector_store %arg15[%swap3A_743, %swap3A_744, %swap3A_745], %mul3A_739 {strides = array<i32>} : memref<2x48x128xf32, #tpu.memory_space<vmem>>, vector<16xf32>,
        %add3A_747 = arith.constant 2 : i32
        %add3A_748 = arith.addi %mul3A_460, %add3A_747 : i32
        %get3A_749 = arith.constant 1 : i32
        %get3A_750 = arith.index_cast %get3A_749 : i32 to index
        %get3A_751 = arith.index_cast %add3A_748 : i32 to index
        %get3A_752 = arith.constant 64 : index
        %get3A_753 = tpu.vector_load %arg15[%get3A_750, %get3A_751, %get3A_752] {strides = array<i32>} : memref<2x48x128xf32, #tpu.memory_space<vmem>>, vector<16xf32>,
        %mul3A_754 = arith.mulf %get3A_753, %gather3A_472 : vector<16xf32>
        %add3A_755 = arith.constant 2 : i32
        %add3A_756 = arith.addi %mul3A_460, %add3A_755 : i32
        %swap3A_757 = arith.constant 1 : i32
        %swap3A_758 = arith.index_cast %swap3A_757 : i32 to index
        %swap3A_759 = arith.index_cast %add3A_756 : i32 to index
        %swap3A_760 = arith.constant 64 : index
        %swap3A_761 = tpu.vector_load %arg15[%swap3A_758, %swap3A_759, %swap3A_760] {strides = array<i32>} : memref<2x48x128xf32, #tpu.memory_space<vmem>>, vector<16xf32>,
        tpu.vector_store %arg15[%swap3A_758, %swap3A_759, %swap3A_760], %mul3A_754 {strides = array<i32>} : memref<2x48x128xf32, #tpu.memory_space<vmem>>, vector<16xf32>,
        %add3A_762 = arith.constant 3 : i32
        %add3A_763 = arith.addi %mul3A_460, %add3A_762 : i32
        %get3A_764 = arith.constant 1 : i32
        %get3A_765 = arith.index_cast %get3A_764 : i32 to index
        %get3A_766 = arith.index_cast %add3A_763 : i32 to index
        %get3A_767 = arith.constant 64 : index
        %get3A_768 = tpu.vector_load %arg15[%get3A_765, %get3A_766, %get3A_767] {strides = array<i32>} : memref<2x48x128xf32, #tpu.memory_space<vmem>>, vector<16xf32>,
        %mul3A_769 = arith.mulf %get3A_768, %gather3A_476 : vector<16xf32>
        %add3A_770 = arith.constant 3 : i32
        %add3A_771 = arith.addi %mul3A_460, %add3A_770 : i32
        %swap3A_772 = arith.constant 1 : i32
        %swap3A_773 = arith.index_cast %swap3A_772 : i32 to index
        %swap3A_774 = arith.index_cast %add3A_771 : i32 to index
        %swap3A_775 = arith.constant 64 : index
        %swap3A_776 = tpu.vector_load %arg15[%swap3A_773, %swap3A_774, %swap3A_775] {strides = array<i32>} : memref<2x48x128xf32, #tpu.memory_space<vmem>>, vector<16xf32>,
        tpu.vector_store %arg15[%swap3A_773, %swap3A_774, %swap3A_775], %mul3A_769 {strides = array<i32>} : memref<2x48x128xf32, #tpu.memory_space<vmem>>, vector<16xf32>,
        %add3A_777 = arith.constant 0 : i32
        %add3A_778 = arith.addi %mul3A_460, %add3A_777 : i32
        %get3A_779 = arith.constant 1 : i32
        %get3A_780 = arith.index_cast %get3A_779 : i32 to index
        %get3A_781 = arith.index_cast %add3A_778 : i32 to index
        %get3A_782 = arith.constant 80 : index
        %get3A_783 = tpu.vector_load %arg15[%get3A_780, %get3A_781, %get3A_782] {strides = array<i32>} : memref<2x48x128xf32, #tpu.memory_space<vmem>>, vector<16xf32>,
        %mul3A_784 = arith.mulf %get3A_783, %gather3A_464 : vector<16xf32>
        %add3A_785 = arith.constant 0 : i32
        %add3A_786 = arith.addi %mul3A_460, %add3A_785 : i32
        %swap3A_787 = arith.constant 1 : i32
        %swap3A_788 = arith.index_cast %swap3A_787 : i32 to index
        %swap3A_789 = arith.index_cast %add3A_786 : i32 to index
        %swap3A_790 = arith.constant 80 : index
        %swap3A_791 = tpu.vector_load %arg15[%swap3A_788, %swap3A_789, %swap3A_790] {strides = array<i32>} : memref<2x48x128xf32, #tpu.memory_space<vmem>>, vector<16xf32>,
        tpu.vector_store %arg15[%swap3A_788, %swap3A_789, %swap3A_790], %mul3A_784 {strides = array<i32>} : memref<2x48x128xf32, #tpu.memory_space<vmem>>, vector<16xf32>,
        %add3A_792 = arith.constant 1 : i32
        %add3A_793 = arith.addi %mul3A_460, %add3A_792 : i32
        %get3A_794 = arith.constant 1 : i32
        %get3A_795 = arith.index_cast %get3A_794 : i32 to index
        %get3A_796 = arith.index_cast %add3A_793 : i32 to index
        %get3A_797 = arith.constant 80 : index
        %get3A_798 = tpu.vector_load %arg15[%get3A_795, %get3A_796, %get3A_797] {strides = array<i32>} : memref<2x48x128xf32, #tpu.memory_space<vmem>>, vector<16xf32>,
        %mul3A_799 = arith.mulf %get3A_798, %gather3A_468 : vector<16xf32>
        %add3A_800 = arith.constant 1 : i32
        %add3A_801 = arith.addi %mul3A_460, %add3A_800 : i32
        %swap3A_802 = arith.constant 1 : i32
        %swap3A_803 = arith.index_cast %swap3A_802 : i32 to index
        %swap3A_804 = arith.index_cast %add3A_801 : i32 to index
        %swap3A_805 = arith.constant 80 : index
        %swap3A_806 = tpu.vector_load %arg15[%swap3A_803, %swap3A_804, %swap3A_805] {strides = array<i32>} : memref<2x48x128xf32, #tpu.memory_space<vmem>>, vector<16xf32>,
        tpu.vector_store %arg15[%swap3A_803, %swap3A_804, %swap3A_805], %mul3A_799 {strides = array<i32>} : memref<2x48x128xf32, #tpu.memory_space<vmem>>, vector<16xf32>,
        %add3A_807 = arith.constant 2 : i32
        %add3A_808 = arith.addi %mul3A_460, %add3A_807 : i32
        %get3A_809 = arith.constant 1 : i32
        %get3A_810 = arith.index_cast %get3A_809 : i32 to index
        %get3A_811 = arith.index_cast %add3A_808 : i32 to index
        %get3A_812 = arith.constant 80 : index
        %get3A_813 = tpu.vector_load %arg15[%get3A_810, %get3A_811, %get3A_812] {strides = array<i32>} : memref<2x48x128xf32, #tpu.memory_space<vmem>>, vector<16xf32>,
        %mul3A_814 = arith.mulf %get3A_813, %gather3A_472 : vector<16xf32>
        %add3A_815 = arith.constant 2 : i32
        %add3A_816 = arith.addi %mul3A_460, %add3A_815 : i32
        %swap3A_817 = arith.constant 1 : i32
        %swap3A_818 = arith.index_cast %swap3A_817 : i32 to index
        %swap3A_819 = arith.index_cast %add3A_816 : i32 to index
        %swap3A_820 = arith.constant 80 : index
        %swap3A_821 = tpu.vector_load %arg15[%swap3A_818, %swap3A_819, %swap3A_820] {strides = array<i32>} : memref<2x48x128xf32, #tpu.memory_space<vmem>>, vector<16xf32>,
        tpu.vector_store %arg15[%swap3A_818, %swap3A_819, %swap3A_820], %mul3A_814 {strides = array<i32>} : memref<2x48x128xf32, #tpu.memory_space<vmem>>, vector<16xf32>,
        %add3A_822 = arith.constant 3 : i32
        %add3A_823 = arith.addi %mul3A_460, %add3A_822 : i32
        %get3A_824 = arith.constant 1 : i32
        %get3A_825 = arith.index_cast %get3A_824 : i32 to index
        %get3A_826 = arith.index_cast %add3A_823 : i32 to index
        %get3A_827 = arith.constant 80 : index
        %get3A_828 = tpu.vector_load %arg15[%get3A_825, %get3A_826, %get3A_827] {strides = array<i32>} : memref<2x48x128xf32, #tpu.memory_space<vmem>>, vector<16xf32>,
        %mul3A_829 = arith.mulf %get3A_828, %gather3A_476 : vector<16xf32>
        %add3A_830 = arith.constant 3 : i32
        %add3A_831 = arith.addi %mul3A_460, %add3A_830 : i32
        %swap3A_832 = arith.constant 1 : i32
        %swap3A_833 = arith.index_cast %swap3A_832 : i32 to index
        %swap3A_834 = arith.index_cast %add3A_831 : i32 to index
        %swap3A_835 = arith.constant 80 : index
        %swap3A_836 = tpu.vector_load %arg15[%swap3A_833, %swap3A_834, %swap3A_835] {strides = array<i32>} : memref<2x48x128xf32, #tpu.memory_space<vmem>>, vector<16xf32>,
        tpu.vector_store %arg15[%swap3A_833, %swap3A_834, %swap3A_835], %mul3A_829 {strides = array<i32>} : memref<2x48x128xf32, #tpu.memory_space<vmem>>, vector<16xf32>,
        %add3A_837 = arith.constant 0 : i32
        %add3A_838 = arith.addi %mul3A_460, %add3A_837 : i32
        %get3A_839 = arith.constant 1 : i32
        %get3A_840 = arith.index_cast %get3A_839 : i32 to index
        %get3A_841 = arith.index_cast %add3A_838 : i32 to index
        %get3A_842 = arith.constant 96 : index
        %get3A_843 = tpu.vector_load %arg15[%get3A_840, %get3A_841, %get3A_842] {strides = array<i32>} : memref<2x48x128xf32, #tpu.memory_space<vmem>>, vector<16xf32>,
        %mul3A_844 = arith.mulf %get3A_843, %gather3A_464 : vector<16xf32>
        %add3A_845 = arith.constant 0 : i32
        %add3A_846 = arith.addi %mul3A_460, %add3A_845 : i32
        %swap3A_847 = arith.constant 1 : i32
        %swap3A_848 = arith.index_cast %swap3A_847 : i32 to index
        %swap3A_849 = arith.index_cast %add3A_846 : i32 to index
        %swap3A_850 = arith.constant 96 : index
        %swap3A_851 = tpu.vector_load %arg15[%swap3A_848, %swap3A_849, %swap3A_850] {strides = array<i32>} : memref<2x48x128xf32, #tpu.memory_space<vmem>>, vector<16xf32>,
        tpu.vector_store %arg15[%swap3A_848, %swap3A_849, %swap3A_850], %mul3A_844 {strides = array<i32>} : memref<2x48x128xf32, #tpu.memory_space<vmem>>, vector<16xf32>,
        %add3A_852 = arith.constant 1 : i32
        %add3A_853 = arith.addi %mul3A_460, %add3A_852 : i32
        %get3A_854 = arith.constant 1 : i32
        %get3A_855 = arith.index_cast %get3A_854 : i32 to index
        %get3A_856 = arith.index_cast %add3A_853 : i32 to index
        %get3A_857 = arith.constant 96 : index
        %get3A_858 = tpu.vector_load %arg15[%get3A_855, %get3A_856, %get3A_857] {strides = array<i32>} : memref<2x48x128xf32, #tpu.memory_space<vmem>>, vector<16xf32>,
        %mul3A_859 = arith.mulf %get3A_858, %gather3A_468 : vector<16xf32>
        %add3A_860 = arith.constant 1 : i32
        %add3A_861 = arith.addi %mul3A_460, %add3A_860 : i32
        %swap3A_862 = arith.constant 1 : i32
        %swap3A_863 = arith.index_cast %swap3A_862 : i32 to index
        %swap3A_864 = arith.index_cast %add3A_861 : i32 to index
        %swap3A_865 = arith.constant 96 : index
        %swap3A_866 = tpu.vector_load %arg15[%swap3A_863, %swap3A_864, %swap3A_865] {strides = array<i32>} : memref<2x48x128xf32, #tpu.memory_space<vmem>>, vector<16xf32>,
        tpu.vector_store %arg15[%swap3A_863, %swap3A_864, %swap3A_865], %mul3A_859 {strides = array<i32>} : memref<2x48x128xf32, #tpu.memory_space<vmem>>, vector<16xf32>,
        %add3A_867 = arith.constant 2 : i32
        %add3A_868 = arith.addi %mul3A_460, %add3A_867 : i32
        %get3A_869 = arith.constant 1 : i32
        %get3A_870 = arith.index_cast %get3A_869 : i32 to index
        %get3A_871 = arith.index_cast %add3A_868 : i32 to index
        %get3A_872 = arith.constant 96 : index
        %get3A_873 = tpu.vector_load %arg15[%get3A_870, %get3A_871, %get3A_872] {strides = array<i32>} : memref<2x48x128xf32, #tpu.memory_space<vmem>>, vector<16xf32>,
        %mul3A_874 = arith.mulf %get3A_873, %gather3A_472 : vector<16xf32>
        %add3A_875 = arith.constant 2 : i32
        %add3A_876 = arith.addi %mul3A_460, %add3A_875 : i32
        %swap3A_877 = arith.constant 1 : i32
        %swap3A_878 = arith.index_cast %swap3A_877 : i32 to index
        %swap3A_879 = arith.index_cast %add3A_876 : i32 to index
        %swap3A_880 = arith.constant 96 : index
        %swap3A_881 = tpu.vector_load %arg15[%swap3A_878, %swap3A_879, %swap3A_880] {strides = array<i32>} : memref<2x48x128xf32, #tpu.memory_space<vmem>>, vector<16xf32>,
        tpu.vector_store %arg15[%swap3A_878, %swap3A_879, %swap3A_880], %mul3A_874 {strides = array<i32>} : memref<2x48x128xf32, #tpu.memory_space<vmem>>, vector<16xf32>,
        %add3A_882 = arith.constant 3 : i32
        %add3A_883 = arith.addi %mul3A_460, %add3A_882 : i32
        %get3A_884 = arith.constant 1 : i32
        %get3A_885 = arith.index_cast %get3A_884 : i32 to index
        %get3A_886 = arith.index_cast %add3A_883 : i32 to index
        %get3A_887 = arith.constant 96 : index
        %get3A_888 = tpu.vector_load %arg15[%get3A_885, %get3A_886, %get3A_887] {strides = array<i32>} : memref<2x48x128xf32, #tpu.memory_space<vmem>>, vector<16xf32>,
        %mul3A_889 = arith.mulf %get3A_888, %gather3A_476 : vector<16xf32>
        %add3A_890 = arith.constant 3 : i32
        %add3A_891 = arith.addi %mul3A_460, %add3A_890 : i32
        %swap3A_892 = arith.constant 1 : i32
        %swap3A_893 = arith.index_cast %swap3A_892 : i32 to index
        %swap3A_894 = arith.index_cast %add3A_891 : i32 to index
        %swap3A_895 = arith.constant 96 : index
        %swap3A_896 = tpu.vector_load %arg15[%swap3A_893, %swap3A_894, %swap3A_895] {strides = array<i32>} : memref<2x48x128xf32, #tpu.memory_space<vmem>>, vector<16xf32>,
        tpu.vector_store %arg15[%swap3A_893, %swap3A_894, %swap3A_895], %mul3A_889 {strides = array<i32>} : memref<2x48x128xf32, #tpu.memory_space<vmem>>, vector<16xf32>,
        %add3A_897 = arith.constant 0 : i32
        %add3A_898 = arith.addi %mul3A_460, %add3A_897 : i32
        %get3A_899 = arith.constant 1 : i32
        %get3A_900 = arith.index_cast %get3A_899 : i32 to index
        %get3A_901 = arith.index_cast %add3A_898 : i32 to index
        %get3A_902 = arith.constant 112 : index
        %get3A_903 = tpu.vector_load %arg15[%get3A_900, %get3A_901, %get3A_902] {strides = array<i32>} : memref<2x48x128xf32, #tpu.memory_space<vmem>>, vector<16xf32>,
        %mul3A_904 = arith.mulf %get3A_903, %gather3A_464 : vector<16xf32>
        %add3A_905 = arith.constant 0 : i32
        %add3A_906 = arith.addi %mul3A_460, %add3A_905 : i32
        %swap3A_907 = arith.constant 1 : i32
        %swap3A_908 = arith.index_cast %swap3A_907 : i32 to index
        %swap3A_909 = arith.index_cast %add3A_906 : i32 to index
        %swap3A_910 = arith.constant 112 : index
        %swap3A_911 = tpu.vector_load %arg15[%swap3A_908, %swap3A_909, %swap3A_910] {strides = array<i32>} : memref<2x48x128xf32, #tpu.memory_space<vmem>>, vector<16xf32>,
        tpu.vector_store %arg15[%swap3A_908, %swap3A_909, %swap3A_910], %mul3A_904 {strides = array<i32>} : memref<2x48x128xf32, #tpu.memory_space<vmem>>, vector<16xf32>,
        %add3A_912 = arith.constant 1 : i32
        %add3A_913 = arith.addi %mul3A_460, %add3A_912 : i32
        %get3A_914 = arith.constant 1 : i32
        %get3A_915 = arith.index_cast %get3A_914 : i32 to index
        %get3A_916 = arith.index_cast %add3A_913 : i32 to index
        %get3A_917 = arith.constant 112 : index
        %get3A_918 = tpu.vector_load %arg15[%get3A_915, %get3A_916, %get3A_917] {strides = array<i32>} : memref<2x48x128xf32, #tpu.memory_space<vmem>>, vector<16xf32>,
        %mul3A_919 = arith.mulf %get3A_918, %gather3A_468 : vector<16xf32>
        %add3A_920 = arith.constant 1 : i32
        %add3A_921 = arith.addi %mul3A_460, %add3A_920 : i32
        %swap3A_922 = arith.constant 1 : i32
        %swap3A_923 = arith.index_cast %swap3A_922 : i32 to index
        %swap3A_924 = arith.index_cast %add3A_921 : i32 to index
        %swap3A_925 = arith.constant 112 : index
        %swap3A_926 = tpu.vector_load %arg15[%swap3A_923, %swap3A_924, %swap3A_925] {strides = array<i32>} : memref<2x48x128xf32, #tpu.memory_space<vmem>>, vector<16xf32>,
        tpu.vector_store %arg15[%swap3A_923, %swap3A_924, %swap3A_925], %mul3A_919 {strides = array<i32>} : memref<2x48x128xf32, #tpu.memory_space<vmem>>, vector<16xf32>,
        %add3A_927 = arith.constant 2 : i32
        %add3A_928 = arith.addi %mul3A_460, %add3A_927 : i32
        %get3A_929 = arith.constant 1 : i32
        %get3A_930 = arith.index_cast %get3A_929 : i32 to index
        %get3A_931 = arith.index_cast %add3A_928 : i32 to index
        %get3A_932 = arith.constant 112 : index
        %get3A_933 = tpu.vector_load %arg15[%get3A_930, %get3A_931, %get3A_932] {strides = array<i32>} : memref<2x48x128xf32, #tpu.memory_space<vmem>>, vector<16xf32>,
        %mul3A_934 = arith.mulf %get3A_933, %gather3A_472 : vector<16xf32>
        %add3A_935 = arith.constant 2 : i32
        %add3A_936 = arith.addi %mul3A_460, %add3A_935 : i32
        %swap3A_937 = arith.constant 1 : i32
        %swap3A_938 = arith.index_cast %swap3A_937 : i32 to index
        %swap3A_939 = arith.index_cast %add3A_936 : i32 to index
        %swap3A_940 = arith.constant 112 : index
        %swap3A_941 = tpu.vector_load %arg15[%swap3A_938, %swap3A_939, %swap3A_940] {strides = array<i32>} : memref<2x48x128xf32, #tpu.memory_space<vmem>>, vector<16xf32>,
        tpu.vector_store %arg15[%swap3A_938, %swap3A_939, %swap3A_940], %mul3A_934 {strides = array<i32>} : memref<2x48x128xf32, #tpu.memory_space<vmem>>, vector<16xf32>,
        %add3A_942 = arith.constant 3 : i32
        %add3A_943 = arith.addi %mul3A_460, %add3A_942 : i32
        %get3A_944 = arith.constant 1 : i32
        %get3A_945 = arith.index_cast %get3A_944 : i32 to index
        %get3A_946 = arith.index_cast %add3A_943 : i32 to index
        %get3A_947 = arith.constant 112 : index
        %get3A_948 = tpu.vector_load %arg15[%get3A_945, %get3A_946, %get3A_947] {strides = array<i32>} : memref<2x48x128xf32, #tpu.memory_space<vmem>>, vector<16xf32>,
        %mul3A_949 = arith.mulf %get3A_948, %gather3A_476 : vector<16xf32>
        %add3A_950 = arith.constant 3 : i32
        %add3A_951 = arith.addi %mul3A_460, %add3A_950 : i32
        %swap3A_952 = arith.constant 1 : i32
        %swap3A_953 = arith.index_cast %swap3A_952 : i32 to index
        %swap3A_954 = arith.index_cast %add3A_951 : i32 to index
        %swap3A_955 = arith.constant 112 : index
        %swap3A_956 = tpu.vector_load %arg15[%swap3A_953, %swap3A_954, %swap3A_955] {strides = array<i32>} : memref<2x48x128xf32, #tpu.memory_space<vmem>>, vector<16xf32>,
        tpu.vector_store %arg15[%swap3A_953, %swap3A_954, %swap3A_955], %mul3A_949 {strides = array<i32>} : memref<2x48x128xf32, #tpu.memory_space<vmem>>, vector<16xf32>,
      }
      %scan3A_443 = arith.constant 12 : i32
      %add3A_444 = arith.constant 2 : i32
      %add3A_445 = arith.addi %add3A_338, %add3A_444 : i32
      %lt3A_446 = arith.constant 210 : i32
      %lt3A_447 = arith.cmpi slt, %add3A_445, %lt3A_446 : i32
      %convert_element_type3A_448 = arith.extui %lt3A_447 : i1 to i32
      %cond3A_449 = arith.constant 0 : i32
      %cond3A_450 = arith.cmpi ne, %convert_element_type3A_448, %cond3A_449 : i32
      scf.if %cond3A_450 {
        %add3A_458 = arith.constant 2 : i32
        %add3A_459 = arith.addi %add3A_338, %add3A_458 : i32
        %dma_start3A_460 = arith.constant 0 : i32
        %dma_start3A_461 = tpu.memref_slice %arg4[%add3A, %add3A_459, %dma_start3A_460] : memref<32x210x48xi32, #tpu.memory_space<hbm>> -> memref<1x1x48xi32, #tpu.memory_space<hbm>>
        %dma_start3A_462 = tpu.memref_squeeze %dma_start3A_461 : memref<1x1x48xi32, #tpu.memory_space<hbm>> -> memref<48xi32, #tpu.memory_space<hbm>>
        %dma_start3A_463 = arith.constant 0 : i32
        %dma_start3A_464 = tpu.memref_slice %arg4[%add3A, %add3A_459, %dma_start3A_463] : memref<32x210x48xi32, #tpu.memory_space<hbm>> -> memref<1x1x48xi32, #tpu.memory_space<hbm>>
        %dma_start3A_465 = tpu.memref_squeeze %dma_start3A_464 : memref<1x1x48xi32, #tpu.memory_space<hbm>> -> memref<48xi32, #tpu.memory_space<hbm>>
        tpu.enqueue_dma source(%dma_start3A_465 : memref<48xi32, #tpu.memory_space<hbm>>) target(%arg11 : memref<48xi32, #tpu.memory_space<vmem>>) target_semaphore(%arg19 : memref<!tpu.dma_semaphore, #tpu.memory_space<semaphore_mem>>)
        %add3A_466 = arith.constant 2 : i32
        %add3A_467 = arith.addi %add3A_338, %add3A_466 : i32
        %dma_start3A_468 = arith.constant 0 : i32
        %dma_start3A_469 = tpu.memref_slice %arg5[%add3A, %add3A_467, %dma_start3A_468] : memref<32x210x48xi32, #tpu.memory_space<hbm>> -> memref<1x1x48xi32, #tpu.memory_space<hbm>>
        %dma_start3A_470 = tpu.memref_squeeze %dma_start3A_469 : memref<1x1x48xi32, #tpu.memory_space<hbm>> -> memref<48xi32, #tpu.memory_space<hbm>>
        %dma_start3A_471 = arith.constant 0 : i32
        %dma_start3A_472 = tpu.memref_slice %arg5[%add3A, %add3A_467, %dma_start3A_471] : memref<32x210x48xi32, #tpu.memory_space<hbm>> -> memref<1x1x48xi32, #tpu.memory_space<hbm>>
        %dma_start3A_473 = tpu.memref_squeeze %dma_start3A_472 : memref<1x1x48xi32, #tpu.memory_space<hbm>> -> memref<48xi32, #tpu.memory_space<hbm>>
        tpu.enqueue_dma source(%dma_start3A_473 : memref<48xi32, #tpu.memory_space<hbm>>) target(%arg13 : memref<48xi32, #tpu.memory_space<vmem>>) target_semaphore(%arg21 : memref<!tpu.dma_semaphore, #tpu.memory_space<semaphore_mem>>)
      } else {
      }
      %add3A_451 = arith.constant 1 : i32
      %add3A_452 = arith.addi %add3A_338, %add3A_451 : i32
      %lt3A_453 = arith.constant 210 : i32
      %lt3A_454 = arith.cmpi slt, %add3A_452, %lt3A_453 : i32
      %convert_element_type3A_455 = arith.extui %lt3A_454 : i1 to i32
      %cond3A_456 = arith.constant 0 : i32
      %cond3A_457 = arith.cmpi ne, %convert_element_type3A_455, %cond3A_456 : i32
      scf.if %cond3A_457 {
        %add3A_458 = arith.constant 1 : i32
        %add3A_459 = arith.addi %add3A_338, %add3A_458 : i32
        %dma_wait3A_460 = arith.constant 0 : i32
        %dma_wait3A_461 = tpu.memref_slice %arg4[%add3A, %add3A_459, %dma_wait3A_460] : memref<32x210x48xi32, #tpu.memory_space<hbm>> -> memref<1x1x48xi32, #tpu.memory_space<hbm>>
        %dma_wait3A_462 = tpu.memref_squeeze %dma_wait3A_461 : memref<1x1x48xi32, #tpu.memory_space<hbm>> -> memref<48xi32, #tpu.memory_space<hbm>>
        %dma_wait3A_463 = arith.constant 0 : i32
        %dma_wait3A_464 = tpu.memref_slice %arg4[%add3A, %add3A_459, %dma_wait3A_463] : memref<32x210x48xi32, #tpu.memory_space<hbm>> -> memref<1x1x48xi32, #tpu.memory_space<hbm>>
        %dma_wait3A_465 = tpu.memref_squeeze %dma_wait3A_464 : memref<1x1x48xi32, #tpu.memory_space<hbm>> -> memref<48xi32, #tpu.memory_space<hbm>>
        tpu.wait_dma2 semaphore(%arg18 : memref<!tpu.dma_semaphore, #tpu.memory_space<semaphore_mem>>) src(%dma_wait3A_465 : memref<48xi32, #tpu.memory_space<hbm>>) dst(%arg10 : memref<48xi32, #tpu.memory_space<vmem>>)
        %dma_start3A_466 = arith.constant 0 : i32
        %dma_start3A_467 = arith.constant 0 : i32
        %dma_start3A_468 = arith.constant 0 : i32
        %dma_start3A_469 = tpu.memref_slice %arg15[%dma_start3A_466, %dma_start3A_467, %dma_start3A_468] : memref<2x48x128xf32, #tpu.memory_space<vmem>> -> memref<1x48x128xf32, #tpu.memory_space<vmem>>
        %dma_start3A_470 = tpu.memref_squeeze %dma_start3A_469 : memref<1x48x128xf32, #tpu.memory_space<vmem>> -> memref<48x128xf32, #tpu.memory_space<vmem>>
        %dma_start3A_471 = arith.constant 0 : i32
        %dma_start3A_472 = arith.constant 0 : i32
        %dma_start3A_473 = tpu.memref_slice %arg2[%dma_start3A_471, %dma_start3A_472] : memref<10240x128xf32, #tpu.memory_space<hbm>> -> memref<48x128xf32, #tpu.memory_space<hbm>>
        %dma_start3A_474 = arith.constant 0 : i32
        %dma_start3A_475 = arith.constant 0 : i32
        %dma_start3A_476 = tpu.memref_slice %arg15[%dma_start3A_466, %dma_start3A_474, %dma_start3A_475] : memref<2x48x128xf32, #tpu.memory_space<vmem>> -> memref<1x48x128xf32, #tpu.memory_space<vmem>>
        %dma_start3A_477 = tpu.memref_squeeze %dma_start3A_476 : memref<1x48x128xf32, #tpu.memory_space<vmem>> -> memref<48x128xf32, #tpu.memory_space<vmem>>
        %dma_start3A_478 = arith.constant 0 : i32
        %dma_start3A_479 = arith.constant 0 : i32
        %dma_start3A_480 = tpu.memref_slice %arg2[%dma_start3A_478, %dma_start3A_479] : memref<10240x128xf32, #tpu.memory_space<hbm>> -> memref<48x128xf32, #tpu.memory_space<hbm>>
        tpu.enqueue_dma source(%dma_start3A_480 : memref<48x128xf32, #tpu.memory_space<hbm>>) target(%dma_start3A_477 : memref<48x128xf32, #tpu.memory_space<vmem>>) target_semaphore(%arg22 : memref<!tpu.dma_semaphore, #tpu.memory_space<semaphore_mem>>)
      } else {
      }
    }
    %scan3A_211 = arith.constant 105 : i32
    %barrier3A_212 = arith.constant 0 : index
    tpu.barrier barrier_id(%barrier3A_212)
    %mul3A_213 = arith.constant 640 : i32
    %mul3A_214 = arith.muli %arg1, %mul3A_213 : i32
    "tpu.region"() ({
      %run_scoped3A_217 = tpu.sem_alloc : memref<!tpu.dma_semaphore, #tpu.memory_space<semaphore_mem>>
      %dma_start3A_218 = arith.constant 0 : i32
      %dma_start3A_219 = tpu.memref_slice %arg6[%arg0, %mul3A_214, %dma_start3A_218] : memref<2x10240x128xf32, #tpu.memory_space<hbm>> -> memref<1x640x128xf32, #tpu.memory_space<hbm>>
      %dma_start3A_220 = tpu.memref_squeeze %dma_start3A_219 : memref<1x640x128xf32, #tpu.memory_space<hbm>> -> memref<640x128xf32, #tpu.memory_space<hbm>>
      %dma_start3A_221 = arith.constant 0 : i32
      %dma_start3A_222 = tpu.memref_slice %arg16[%mul3A_214, %dma_start3A_221] : memref<10240x128xf32, #tpu.memory_space<vmem_shared>> -> memref<640x128xf32, #tpu.memory_space<vmem_shared>>
      tpu.enqueue_dma source(%dma_start3A_222 : memref<640x128xf32, #tpu.memory_space<vmem_shared>>) target(%dma_start3A_220 : memref<640x128xf32, #tpu.memory_space<hbm>>) target_semaphore(%run_scoped3A_217 : memref<!tpu.dma_semaphore, #tpu.memory_space<semaphore_mem>>)
      %dma_wait3A_223 = arith.constant 0 : i32
      %dma_wait3A_224 = tpu.memref_slice %arg6[%arg0, %mul3A_214, %dma_wait3A_223] : memref<2x10240x128xf32, #tpu.memory_space<hbm>> -> memref<1x640x128xf32, #tpu.memory_space<hbm>>
      %dma_wait3A_225 = tpu.memref_squeeze %dma_wait3A_224 : memref<1x640x128xf32, #tpu.memory_space<hbm>> -> memref<640x128xf32, #tpu.memory_space<hbm>>
      %dma_wait3A_226 = arith.constant 0 : i32
      %dma_wait3A_227 = tpu.memref_slice %arg16[%mul3A_214, %dma_wait3A_226] : memref<10240x128xf32, #tpu.memory_space<vmem_shared>> -> memref<640x128xf32, #tpu.memory_space<vmem_shared>>
      tpu.wait_dma2 semaphore(%run_scoped3A_217 : memref<!tpu.dma_semaphore, #tpu.memory_space<semaphore_mem>>) src(%dma_wait3A_227 : memref<640x128xf32, #tpu.memory_space<vmem_shared>>) dst(%dma_wait3A_225 : memref<640x128xf32, #tpu.memory_space<hbm>>)
      tpu.yield
    }) : () -> ()
    %mul3A_215 = arith.constant 640 : i32
    %mul3A_216 = arith.muli %arg1, %mul3A_215 : i32
    "tpu.region"() ({
      %run_scoped3A_217 = tpu.sem_alloc : memref<!tpu.dma_semaphore, #tpu.memory_space<semaphore_mem>>
      %dma_start3A_218 = tpu.memref_slice %arg7[%arg0, %mul3A_216] : memref<2x10240xf32, #tpu.memory_space<hbm>> -> memref<1x640xf32, #tpu.memory_space<hbm>>
      %dma_start3A_219 = tpu.memref_squeeze %dma_start3A_218 : memref<1x640xf32, #tpu.memory_space<hbm>> -> memref<640xf32, #tpu.memory_space<hbm>>
      %dma_start3A_220 = tpu.memref_slice %arg17[%mul3A_216] : memref<10240xf32, #tpu.memory_space<vmem_shared>> -> memref<640xf32, #tpu.memory_space<vmem_shared>>
      tpu.enqueue_dma source(%dma_start3A_220 : memref<640xf32, #tpu.memory_space<vmem_shared>>) target(%dma_start3A_219 : memref<640xf32, #tpu.memory_space<hbm>>) target_semaphore(%run_scoped3A_217 : memref<!tpu.dma_semaphore, #tpu.memory_space<semaphore_mem>>)
      %dma_wait3A_221 = tpu.memref_slice %arg7[%arg0, %mul3A_216] : memref<2x10240xf32, #tpu.memory_space<hbm>> -> memref<1x640xf32, #tpu.memory_space<hbm>>
      %dma_wait3A_222 = tpu.memref_squeeze %dma_wait3A_221 : memref<1x640xf32, #tpu.memory_space<hbm>> -> memref<640xf32, #tpu.memory_space<hbm>>
      %dma_wait3A_223 = tpu.memref_slice %arg17[%mul3A_216] : memref<10240xf32, #tpu.memory_space<vmem_shared>> -> memref<640xf32, #tpu.memory_space<vmem_shared>>
      tpu.wait_dma2 semaphore(%run_scoped3A_217 : memref<!tpu.dma_semaphore, #tpu.memory_space<semaphore_mem>>) src(%dma_wait3A_223 : memref<640xf32, #tpu.memory_space<vmem_shared>>) dst(%dma_wait3A_222 : memref<640xf32, #tpu.memory_space<hbm>>)
      tpu.yield
    }) : () -> ()
    return
  }
}

module attributes {stable_mosaic.version = 14 : i64} {
  func.func @body(%arg0: i32, %arg1: memref<1024x128xf32, #tpu.memory_space<vmem>>, %arg2: memref<128x128xf32, #tpu.memory_space<vmem>>, %arg3: memref<1x128xf32, #tpu.memory_space<vmem>>, %arg4: memref<1x128xf32, #tpu.memory_space<vmem>>, %arg5: memref<1024x128xf32, #tpu.memory_space<vmem>>, %arg6: memref<2x1024xf32, #tpu.memory_space<vmem>>) attributes {dimension_semantics = [#tpu.dimension_semantics<arbitrary>], iteration_bounds = array<i64: 10>, scalar_prefetch = 0 : i64, scratch_operands = 0 : i64, tpu.core_type = #tpu.core_type<tc>, window_params = [{transform_indices = @transform_0, window_bounds = array<i64: 1024, 128>}, {pipeline_mode = #tpu.pipeline_mode<synchronous>, transform_indices = @transform_1, window_bounds = array<i64: 128, 128>}, {pipeline_mode = #tpu.pipeline_mode<synchronous>, transform_indices = @transform_2, window_bounds = array<i64: 1, 128>}, {pipeline_mode = #tpu.pipeline_mode<synchronous>, transform_indices = @transform_3, window_bounds = array<i64: 1, 128>}, {transform_indices = @transform_4, window_bounds = array<i64: 1024, 128>}, {transform_indices = @transform_5, window_bounds = array<i64: 2, 1024>}]} {
    %get3A = arith.constant 0 : index
    %get3A_0 = arith.constant 0 : index
    %get3A_1 = vector.load %arg1[%get3A, %get3A_0] : memref<1024x128xf32, #tpu.memory_space<vmem>>, vector<1024x128xf32>
    %get3A_2 = arith.constant 0 : index
    %get3A_3 = arith.constant 0 : index
    %get3A_4 = vector.load %arg2[%get3A_2, %get3A_3] : memref<128x128xf32, #tpu.memory_space<vmem>>, vector<128x128xf32>
    %dot_general3A = arith.constant dense<0.000000e+00> : vector<1024x128xf32>
    %dot_general3A_5 = tpu.matmul %get3A_1, %get3A_4, %dot_general3A {dimension_numbers = #tpu.dot_dimension_numbers<[1], [0], [0], [1], [0, 0, 1, 1], [], []>, transpose_lhs_hint = false} : vector<1024x128xf32>, vector<128x128xf32>, vector<1024x128xf32> -> vector<1024x128xf32>
    %swap3A = arith.constant 0 : index
    %swap3A_6 = arith.constant 0 : index
    %swap3A_7 = vector.load %arg5[%swap3A, %swap3A_6] : memref<1024x128xf32, #tpu.memory_space<vmem>>, vector<1024x128xf32>
    tpu.vector_store %arg5[%swap3A, %swap3A_6], %dot_general3A_5 {strides = array<i32>} : memref<1024x128xf32, #tpu.memory_space<vmem>>, vector<1024x128xf32>,
    %get3A_8 = arith.constant 0 : index
    %get3A_9 = arith.constant 0 : index
    %get3A_10 = vector.load %arg3[%get3A_8, %get3A_9] : memref<1x128xf32, #tpu.memory_space<vmem>>, vector<1x128xf32>
    %mul3A = vector.broadcast %get3A_10 : vector<1x128xf32> to vector<1024x128xf32>
    %mul3A_11 = arith.mulf %dot_general3A_5, %mul3A : vector<1024x128xf32>
    %reduce_sum3A = arith.constant dense<0.000000e+00> : vector<1024xf32>
    %reduce_sum3A_12 = vector.multi_reduction <add>, %mul3A_11, %reduce_sum3A [1] : vector<1024x128xf32> to vector<1024xf32>
    %get3A_13 = arith.constant 0 : index
    %get3A_14 = arith.constant 0 : index
    %get3A_15 = vector.load %arg4[%get3A_13, %get3A_14] : memref<1x128xf32, #tpu.memory_space<vmem>>, vector<1x128xf32>
    %mul3A_16 = vector.broadcast %get3A_15 : vector<1x128xf32> to vector<1024x128xf32>
    %mul3A_17 = arith.mulf %dot_general3A_5, %mul3A_16 : vector<1024x128xf32>
    %reduce_sum3A_18 = arith.constant dense<0.000000e+00> : vector<1024xf32>
    %reduce_sum3A_19 = vector.multi_reduction <add>, %mul3A_17, %reduce_sum3A_18 [1] : vector<1024x128xf32> to vector<1024xf32>
    %stack3A = vector.shape_cast %reduce_sum3A_12 : vector<1024xf32> to vector<1x1024xf32>
    %stack3A_20 = vector.shape_cast %reduce_sum3A_19 : vector<1024xf32> to vector<1x1024xf32>
    %stack3A_21 = tpu.concatenate %stack3A, %stack3A_20 in 0 : vector<1x1024xf32>, vector<1x1024xf32> -> vector<2x1024xf32>
    %swap3A_22 = arith.constant 0 : index
    %swap3A_23 = arith.constant 0 : index
    %swap3A_24 = vector.load %arg6[%swap3A_22, %swap3A_23] : memref<2x1024xf32, #tpu.memory_space<vmem>>, vector<2x1024xf32>
    tpu.vector_store %arg6[%swap3A_22, %swap3A_23], %stack3A_21 {strides = array<i32>} : memref<2x1024xf32, #tpu.memory_space<vmem>>, vector<2x1024xf32>,
    return
  }
  func.func @transform_0(%arg0: i32) -> (i32, i32) {
    %c0_i32 = arith.constant 0 : i32
    %c0_i32_0 = arith.constant 0 : i32
    return %arg0, %c0_i32 : i32, i32
  }
  func.func @transform_1(%arg0: i32) -> (i32, i32) {
    %c0_i32 = arith.constant 0 : i32
    %c0_i32_0 = arith.constant 0 : i32
    %c0_i32_1 = arith.constant 0 : i32
    return %c0_i32, %c0_i32_0 : i32, i32
  }
  func.func @transform_2(%arg0: i32) -> (i32, i32) {
    %c0_i32 = arith.constant 0 : i32
    %c0_i32_0 = arith.constant 0 : i32
    %c0_i32_1 = arith.constant 0 : i32
    return %c0_i32, %c0_i32_0 : i32, i32
  }
  func.func @transform_3(%arg0: i32) -> (i32, i32) {
    %c0_i32 = arith.constant 0 : i32
    %c0_i32_0 = arith.constant 0 : i32
    %c0_i32_1 = arith.constant 0 : i32
    return %c0_i32, %c0_i32_0 : i32, i32
  }
  func.func @transform_4(%arg0: i32) -> (i32, i32) {
    %c0_i32 = arith.constant 0 : i32
    %c0_i32_0 = arith.constant 0 : i32
    return %arg0, %c0_i32 : i32, i32
  }
  func.func @transform_5(%arg0: i32) -> (i32, i32) {
    %c0_i32 = arith.constant 0 : i32
    %c0_i32_0 = arith.constant 0 : i32
    return %c0_i32, %arg0 : i32, i32
  }
}

module attributes {stable_mosaic.version = 14 : i64} {
  func.func @body(%arg0: i32, %arg1: memref<2x1024x128xf32, #tpu.memory_space<vmem>>, %arg2: memref<2x1024xf32, #tpu.memory_space<vmem>>, %arg3: memref<1x128xf32, #tpu.memory_space<vmem>>, %arg4: memref<1024x128xf32, #tpu.memory_space<vmem>>) attributes {dimension_semantics = [#tpu.dimension_semantics<arbitrary>], iteration_bounds = array<i64: 10>, scalar_prefetch = 0 : i64, scratch_operands = 0 : i64, tpu.core_type = #tpu.core_type<tc>, window_params = [{transform_indices = @transform_0, window_bounds = array<i64: 2, 1024, 128>}, {transform_indices = @transform_1, window_bounds = array<i64: 2, 1024>}, {pipeline_mode = #tpu.pipeline_mode<synchronous>, transform_indices = @transform_2, window_bounds = array<i64: 1, 128>}, {transform_indices = @transform_3, window_bounds = array<i64: 1024, 128>}]} {
    %get3A = arith.constant 0 : index
    %get3A_0 = arith.constant 0 : index
    %get3A_1 = arith.constant 0 : index
    %get3A_2 = vector.load %arg1[%get3A, %get3A_0, %get3A_1] : memref<2x1024x128xf32, #tpu.memory_space<vmem>>, vector<1x1024x128xf32>
    %get3A_3 = vector.shape_cast %get3A_2 : vector<1x1024x128xf32> to vector<1024x128xf32>
    %get3A_4 = arith.constant 1 : index
    %get3A_5 = arith.constant 0 : index
    %get3A_6 = arith.constant 0 : index
    %get3A_7 = vector.load %arg1[%get3A_4, %get3A_5, %get3A_6] : memref<2x1024x128xf32, #tpu.memory_space<vmem>>, vector<1x1024x128xf32>
    %get3A_8 = vector.shape_cast %get3A_7 : vector<1x1024x128xf32> to vector<1024x128xf32>
    %add3A = arith.addf %get3A_3, %get3A_8 : vector<1024x128xf32>
    %get3A_9 = arith.constant 0 : index
    %get3A_10 = arith.constant 0 : index
    %get3A_11 = vector.load %arg2[%get3A_9, %get3A_10] : memref<2x1024xf32, #tpu.memory_space<vmem>>, vector<1x1024xf32>
    %get3A_12 = vector.shape_cast %get3A_11 : vector<1x1024xf32> to vector<1024xf32>
    %get3A_13 = arith.constant 1 : index
    %get3A_14 = arith.constant 0 : index
    %get3A_15 = vector.load %arg2[%get3A_13, %get3A_14] : memref<2x1024xf32, #tpu.memory_space<vmem>>, vector<1x1024xf32>
    %get3A_16 = vector.shape_cast %get3A_15 : vector<1x1024xf32> to vector<1024xf32>
    %add3A_17 = arith.addf %get3A_12, %get3A_16 : vector<1024xf32>
    %add3A_18 = arith.constant 1.000000e-16 : f32
    %add3A_19 = vector.broadcast %add3A_18 : f32 to vector<1024xf32>
    %add3A_20 = arith.addf %add3A_17, %add3A_19 : vector<1024xf32>
    %broadcast_in_dim3A = vector.shape_cast %add3A_20 : vector<1024xf32> to vector<1024x1xf32>
    %div3A = vector.broadcast %broadcast_in_dim3A : vector<1024x1xf32> to vector<1024x128xf32>
    %div3A_21 = arith.divf %add3A, %div3A : vector<1024x128xf32>
    %get3A_22 = arith.constant 0 : index
    %get3A_23 = arith.constant 0 : index
    %get3A_24 = vector.load %arg3[%get3A_22, %get3A_23] : memref<1x128xf32, #tpu.memory_space<vmem>>, vector<1x128xf32>
    %add3A_25 = vector.broadcast %get3A_24 : vector<1x128xf32> to vector<1024x128xf32>
    %add3A_26 = arith.addf %div3A_21, %add3A_25 : vector<1024x128xf32>
    %swap3A = arith.constant 0 : index
    %swap3A_27 = arith.constant 0 : index
    %swap3A_28 = vector.load %arg4[%swap3A, %swap3A_27] : memref<1024x128xf32, #tpu.memory_space<vmem>>, vector<1024x128xf32>
    tpu.vector_store %arg4[%swap3A, %swap3A_27], %add3A_26 {strides = array<i32>} : memref<1024x128xf32, #tpu.memory_space<vmem>>, vector<1024x128xf32>,
    return
  }
  func.func @transform_0(%arg0: i32) -> (i32, i32, i32) {
    %c0_i32 = arith.constant 0 : i32
    %c0_i32_0 = arith.constant 0 : i32
    %c0_i32_1 = arith.constant 0 : i32
    return %c0_i32, %arg0, %c0_i32_0 : i32, i32, i32
  }
  func.func @transform_1(%arg0: i32) -> (i32, i32) {
    %c0_i32 = arith.constant 0 : i32
    %c0_i32_0 = arith.constant 0 : i32
    return %c0_i32, %arg0 : i32, i32
  }
  func.func @transform_2(%arg0: i32) -> (i32, i32) {
    %c0_i32 = arith.constant 0 : i32
    %c0_i32_0 = arith.constant 0 : i32
    %c0_i32_1 = arith.constant 0 : i32
    return %c0_i32, %c0_i32_0 : i32, i32
  }
  func.func @transform_3(%arg0: i32) -> (i32, i32) {
    %c0_i32 = arith.constant 0 : i32
    %c0_i32_0 = arith.constant 0 : i32
    return %arg0, %c0_i32 : i32, i32
  }
}

</mosaic_0001>

<sc_bundles>
// kernel: kernel.5.cloned.1.call-start
scs
__scs_entry_jumppad:
0x0: {  	(pc) =	sbr.rel $0x88, $3  }
0x1: {  	(tag) =	ssettag $0x0;
	lr =	simm.s32 $0x1  }
0x2: {  	[smem:$0x3F9B] =	sst lr;
	_ =	strace $0xD0000000  }
0x3: {  	_ = 	snop  }
0x4: {  	_ = 	snop  }
0x5: {  	_ = 	snop  }
0x6: {  	_ = 	snop  }
0x7: {  	_ = 	snop  }
__scs_overlays_trampoline_lowered:
0x8: {  	[smem:$0x3FAA] =	sst s0  }
0x9: {  	[smem:$0x3FAB] =	sst s1  }
0xa: {  	[smem:$0x3FAC] =	sst s2  }
0xb: {  	[smem:$0x3FAD] =	sst s3  }
0xc: {  	[smem:$0x3FAE] =	sst s4  }
0xd: {  	[smem:$0x3FAF] =	sst s5  }
0xe: {  	[smem:$0x3FB0] =	sst s6  }
0xf: {  	[smem:$0x3FB1] =	sst s7  }
0x10: {  	[smem:$0x3FB2] =	sst s8  }
0x11: {  	[smem:$0x3FB3] =	sst s9;
	s0 =	simm.s32 @!p0 $0x0  }
0x12: {  	s1 =	sld [smem:$0x3F99];
	s0 =	simm.s32 @p0 $0x1  }
0x13: {  	[smem:$0x3FB4] =	sst s0;
	s0 =	simm.s32 @!p1 $0x0  }
0x14: {  	s2 =	sld [smem:$0x3F98];
	s0 =	simm.s32 @p1 $0x1  }
0x15: {  	[smem:$0x3FB5] =	sst s0;
	s0 =	simm.s32 @!p2 $0x0  }
0x16: {  	s3 =	sld [smem:$0x3FDB];
	s0 =	simm.s32 @p2 $0x1  }
0x17: {  	s4 =	simm.s32 $0x1BF5;
	[smem:$0x3FB7] =	sst s0  }
0x18: {  	s0 =	sld [smem:$0x3F9A];
	_ =	swait.ge [sflag:s4], $0x0  }
0x19: {  	s7 =	sld [smem:$0x3F9B]  }
0x1a: {  	s8 =	sadd.s32 $0xFFFFE003, lr  }
0x1b: {  	s9 =	sadd.s32 $0xFFFFFEF7, lr;
	s5 =	simm.s32 $0xFFFFFFFF;
	p2 =	slt.u32 s8, $0xFFFFF086  }
0x1c: {  	p1 =	slt.u32 s9, $0xF7A;
	s5 =	simm.s32 @!p2 $0x0  }
0x1d: {  	s5 =	simm.s32 @p1 $0x1;
	p0 =	seq.s32 s7, s2  }
0x1e: {  	s7 =	smul.u32 @!p0 $0xF7A, s2;
	p2 =	seq.s32 @!p0 s5, $0x0  }
0x1f: {  	s9 =	smul.u32 $0xF7A, s1;
	s8 =	simm.s32 @!p0 $0x1BF5;
	p2 =	por !p2, p0  }
0x20: {  	[sflag:s8] =	ssyncset.s32 @!p0 $0xFFFFF086;
	s6 =	sadd.s32 @!p0 s3, s7;
	s7 =	simm.s32 @!p0 $0x108  }
0x21: {  	s3 =	sadd.s32 s3, s9;
	s6 =	sadd.s32 @!p0 $0x88, s6;
	s7 =	simm.s32 @p2 $0x1082  }
0x22: {  	[simem:s7], [sflag:s8] =	dma.local @!p0 [hbm:s6], $0xF7A  }
0x23: {  	s9 =	sor.u32 $0xD0000000, s2;
	s6 =	simm.s32 $0x108;
	_ =	swait.ge @!p0 [sflag:s8], $0x0  }
0x24: {  	s3 =	sadd.s32 $0x88, s3;
	s6 =	simm.s32 @!p1 $0x1082;
	[sflag:s4] =	ssyncset.s32 $0xFFFFF086  }
0x25: {  	[simem:s6], [sflag:s4] =	dma.local [hbm:s3], $0xF7A  }
0x26: {  	[smem:$0x3F9B] =	sst s1;
	(tag) =	ssettag s2;
	_ =	strace s9  }
0x27: {  	s1 =	sld [smem:$0x3FAB]  }
0x28: {  	s2 =	sld [smem:$0x3FAC]  }
0x29: {  	s4 =	sld [smem:$0x3FAE]  }
0x2a: {  	p0 =	seq.s32 s5, $0x0;
	s5 =	sld [smem:$0x3FAF]  }
0x2b: {  	s6 =	sld [smem:$0x3FB0]  }
0x2c: {  	s7 =	sld [smem:$0x3FB1]  }
0x2d: {  	s3 =	simm.s32 $0x108;
	s8 =	sld [smem:$0x3FB2]  }
0x2e: {  	s3 =	simm.s32 @!p0 $0x1082;
	s9 =	sld [smem:$0x3FB3]  }
0x2f: {  	lr =	sadd.s32 s0, s3;
	s0 =	sld [smem:$0x3FAA]  }
0x30: {  	s3 =	sld [smem:$0x3FAD]  }
0x31: {  	[smem:$0x3FB6] =	sst s10  }
0x32: {  	s10 =	sld [smem:$0x3FB4];
	_ =	sdelay $0x3  }
0x33: {  	p0 =	seq.s32 s10, $0x1;
	s10 =	sld [smem:$0x3FB6];
	_ =	sdelay $0x3  }
0x34: {  	[smem:$0x3FB6] =	sst s10  }
0x35: {  	s10 =	sld [smem:$0x3FB5];
	_ =	sdelay $0x3  }
0x36: {  	p1 =	seq.s32 s10, $0x1;
	s10 =	sld [smem:$0x3FB6];
	_ =	sdelay $0x3  }
0x37: {  	[smem:$0x3FB6] =	sst s10  }
0x38: {  	s10 =	sld [smem:$0x3FB7]  }
0x39: {  	_ = 	snop;
	(pc) =	sbr.ind lr, $3  }
0x3a: {  	_ = 	snop  }
0x3b: {  	_ = 	snop  }
0x3c: {  	p2 =	seq.s32 s10, $0x1;
	s10 =	sld [smem:$0x3FB6]  }
0x3d: {  	_ =	shalt  }
0x3e: {  	_ =	shalt  }
0x3f: {  	_ =	shalt  }
0x40: {  	_ =	shalt  }
0x41: {  	_ =	shalt  }
0x42: {  	_ =	shalt  }
0x43: {  	_ =	shalt  }
0x44: {  	_ =	shalt  }
0x45: {  	_ =	shalt  }
0x46: {  	_ =	shalt  }
0x47: {  	_ =	shalt  }
0x48: {  	_ =	shalt  }
0x49: {  	_ =	shalt  }
0x4a: {  	_ =	shalt  }
0x4b: {  	_ =	shalt  }
0x4c: {  	_ =	shalt  }
0x4d: {  	_ =	shalt  }
0x4e: {  	_ =	shalt  }
0x4f: {  	_ =	shalt  }
0x50: {  	_ =	shalt  }
0x51: {  	_ =	shalt  }
0x52: {  	_ =	shalt  }
0x53: {  	_ =	shalt  }
0x54: {  	_ =	shalt  }
0x55: {  	_ =	shalt  }
0x56: {  	_ =	shalt  }
0x57: {  	_ =	shalt  }
0x58: {  	_ =	shalt  }
0x59: {  	_ =	shalt  }
0x5a: {  	_ =	shalt  }
0x5b: {  	_ =	shalt  }
0x5c: {  	_ =	shalt  }
0x5d: {  	_ =	shalt  }
0x5e: {  	_ =	shalt  }
0x5f: {  	_ =	shalt  }
0x60: {  	_ =	shalt  }
0x61: {  	_ =	shalt  }
0x62: {  	_ =	shalt  }
0x63: {  	_ =	shalt  }
0x64: {  	_ =	shalt  }
0x65: {  	_ =	shalt  }
0x66: {  	_ =	shalt  }
0x67: {  	_ =	shalt  }
0x68: {  	_ =	shalt  }
0x69: {  	_ =	shalt  }
0x6a: {  	_ =	shalt  }
0x6b: {  	_ =	shalt  }
0x6c: {  	_ =	shalt  }
0x6d: {  	_ =	shalt  }
0x6e: {  	_ =	shalt  }
0x6f: {  	_ =	shalt  }
0x70: {  	_ =	shalt  }
0x71: {  	_ =	shalt  }
0x72: {  	_ =	shalt  }
0x73: {  	_ =	shalt  }
0x74: {  	_ =	shalt  }
0x75: {  	_ =	shalt  }
0x76: {  	_ =	shalt  }
0x77: {  	_ =	shalt  }
0x78: {  	_ =	shalt  }
0x79: {  	_ =	shalt  }
0x7a: {  	_ =	shalt  }
0x7b: {  	_ =	shalt  }
0x7c: {  	_ =	shalt  }
0x7d: {  	_ =	shalt  }
0x7e: {  	_ =	shalt  }
0x7f: {  	_ =	shalt  }
0x80: {  	_ =	shalt  }
0x81: {  	_ =	shalt  }
0x82: {  	_ =	shalt  }
0x83: {  	_ =	shalt  }
0x84: {  	_ =	shalt  }
0x85: {  	_ =	shalt  }
0x86: {  	_ =	shalt  }
0x87: {  	_ =	shalt  }
.Lfunc_end0:
.L_simem_size_0:
called_computation_lowered:
.L_overlay_start_0:
0x88: {  	s2 =	sld [smem:$0x3FD9]  }
0x89: {  	s3 =	sld [smem:$0x3FFE];
	_ =	sdelay $0x1  }
0x8a: {  	s1 =	srdreg.scid  }
0x8b: {  	s0 =	sand.u32 $0x1, s1  }
0x8c: {  	s17 =	sshll.u32 s0, $0xA;
	s2 =	sadd.s32 s3, s2  }
0x8d: {  	s2 =	sadd.s32 s2, s17  }
0x8e: {  	[smem:$0x3FC2] =	sst s2  }
0x8f: {  	_ = 	snop  }
0x90: {  	s2 =	sld [smem:$0x3FD0];
	(tm) =	ssettm $0x1  }
0x91: {  	s18 =	sld [smem:$0x3FFB];
	_ =	sdelay $0x3  }
0x92: {  	_ =	strace s18  }
0x93: {  	s3 =	sld [smem:$0x3FFC];
	_ =	sdelay $0x3  }
0x94: {  	_ =	strace s3  }
0x95: {  	s3 =	sld [smem:$0x3FFD];
	_ =	sdelay $0x3  }
0x96: {  	_ =	strace s3  }
0x97: {  	_ =	strace $0x8FFFFFFF  }
0x98: {  	s19 =	sld [smem:$0x3FDB];
	_ =	sdelay $0x1  }
0x99: {  	s4 =	simm.s32 $_scs_section_size  }
0x9a: {  	s5 =	simm.s32 $_size__tile_overlayer_lowered;
	s6 =	simm.s32 $_tile_overlayer_lowered  }
0x9b: {  	s22 =	simm.s32 $0x1BFF;
	s21 =	sshll.u32 s6, $0x1;
	s3 =	sadd.s32 s4, s19  }
0x9c: {  	s7 =	simm.s32 $0x0;
	s20 =	sshll.u32 s5, $0x1;
	s5 =	sadd.s32 s21, s3  }
0x9d: {  	[timem:s7], [sflag:s22] =	dma.local [hbm:s5], s20  }
0x9e: {  	_ =	swait.ge [sflag:s22], s20  }
0x9f: {  	s4 =	ssub.s32 $0x0, s20;
	[sflag:s22] =	ssyncset.done $0x0  }
0xa0: {  	[sflag:s22] =	ssyncadd.s32 s4;
	_ =	sdelay $0x1  }
0xa1: {  	s23 =	simm.s32 $0x1B8B  }
0xa2: {  	_ =	swait.ge [sflag:s23], $0x1  }
0xa3: {  	[sflag:s23] =	ssyncset.done $0x0  }
0xa4: {  	s25 =	simm.s32 $0x1B8E;
	s24 =	sld [smem:$0x3FFE];
	[sflag:s23] =	ssyncadd.s32 $0xFFFFFFFF  }
0xa5: {  	s26 =	simm.s32 $execute0_lowered;
	[smem:$0x3FD2] =	sst s25  }
0xa6: {  	s5 =	sshll.u32 s26, $0x1;
	_ =	strace $0x80000046;
	[dreg:$0x1] =	wrdreg $0xFFFFFFFF  }
0xa7: {  	s28 =	simm.s32 $_size_execute0_lowered;
	s3 =	sadd.s32 s3, s5;
	[dreg:$0x0] =	wrdreg $0x0  }
0xa8: {  	s5 =	sshll.u32 s28, $0x1;
	[dreg:$0x2] =	wrdreg s3  }
0xa9: {  	[dreg:$0x3] =	wrdreg s5  }
0xaa: {  	[dreg:$0x4] =	wrdreg $0xC0  }
0xab: {  	_ =	task [dreg:s7], $0x5FFFF  }
0xac: {  	[dreg:$0x1] =	wrdreg $0xFFFFFFFF  }
0xad: {  	[dreg:$0x0] =	wrdreg $0x60  }
0xae: {  	[dreg:$0x2] =	wrdreg s24  }
0xaf: {  	[dreg:$0x3] =	wrdreg s2  }
0xb0: {  	[dreg:$0x4] =	wrdreg $0x82800  }
0xb1: {  	[dreg:$0x5] =	wrdreg $0x1C2800  }
0xb2: {  	[dreg:$0x6] =	wrdreg $0x9  }
0xb3: {  	_ =	task.clear_ibuf [dreg:s7], $0x7FFFF;
	_ =	strace $0x90000046  }
0xb4: {  	s29 =	simm.s32 $0x9;
	_ =	strace $0x80000048  }
0xb5: {  	_ =	swait.ge [sflag:s29], $0x1  }
0xb6: {  	[sflag:s29] =	ssyncadd.s32 $0xFFFFFFFF  }
0xb7: {  	_ =	strace $0x90000048  }
0xb8: {  	_ =	sfence  }
0xb9: {  	s30 =	sld [smem:$0x0];
	_ =	sdelay $0x2  }
0xba: {  	s31 =	sshll.u32 s1, $0xD;
	s1 =	sshrl.u32 s1, $0x2  }
0xbb: {  	s3 =	sand.u32 $0x4000, s31;
	s1 =	sadd.s32 s1, s30  }
0xbc: {  	s0 =	sor.u32 s3, s0;
	s1 =	sshll.u32 s1, $0x11  }
0xbd: {  	s0 =	sor.u32 s1, s0  }
0xbe: {  	s0 =	sadd.s32 $0x8F2B, s0  }
0xbf: {  	[sflag:s0] =	ssyncadd.remote.s32 $0x1  }
0xc0: {  	_ =	sfence.sel $0xFFFF  }
0xc1: {  	[dreg:$0x0] =	wrdreg $0xFFFFFFFF;
	(pc) =	sbr.abs _section_cstart, $3  }
0xc2: {  	[dreg:$0x1] =	wrdreg $0xFFFFFFFF  }
0xc3: {  	_ =	task.clear_ibuf [dreg:s7], $0x2FFFF;
	_ =	strace $0x9FFFFFFF  }
0xc4: {  	(tm) =	ssettm $0x7FFFFFFF  }
0xc5: {  	_ =	shalt  }
tec
execute0_lowered:
.L_overlay_start_1:
0x0: {  	(tag) =	ssettag $0x1  }
0x1: {  	s0 =	rddreg [dreg:$0x0]  }
0x2: {  	s1 =	rddreg [dreg:$0x1]  }
0x3: {  	s3 =	rddreg [dreg:$0x2]  }
0x4: {  	s5 =	rddreg [dreg:$0x3];
	s2 =	simm.s32 $0x0;
	s14 =	stileid.u32  }
0x5: {  	s4 =	srdreg.scid;
	s31 =	simm.s32 $0x7;
	s9 =	smul.u32 $0x14000, s14  }
0x6: {  	[smem:$0x7FF] =	sst s2;
	s7 =	sand.u32 $0x1, s4;
	s10 =	smul.u32 $0x500, s14  }
0x7: {  	s4 =	sadd.s32 $0x1CA00, s0;
	s6 =	sadd.s32 $0x44A00, s0;
	s20 =	smul.u32 $0x50000, s14  }
0x8: {  	_ =	strace $0x80000047;
	s8 =	smul.u32 $0x140000, s7;
	[dreg:$0x5] =	wrdreg s6  }
0x9: {  	s11 =	sshll.u32 s7, $0x4;
	s25 =	sshll.u32 s7, $0x7;
	s7 =	ssub.s32 $0x2, s7  }
0xa: {  	s6 =	sadd.s32 $0x1A00, s0;
	s11 =	sor.u32 s14, s11;
	s30 =	sshrl.u32 s7, $0x1  }
0xb: {  	s14 =	smul.u32 $0xA00, s14;
	s22 =	sshrl.u32 s20, $0x2;
	s8 =	sadd.s32 s9, s8  }
0xc: {  	s9 =	sor.u32 s25, s10;
	s26 =	smul.u32 $0x28000, s11;
	s7 =	ssub.s32 s7, s30  }
0xd: {  	s16 =	smul.u32 $0x500, s11;
	s8 =	sshrl.u32 s8, $0x3;
	s29 =	sshrl.u32 s9, $0x3  }
0xe: {  	s24 =	sshrl.u32 s14, $0x2;
	s30 =	smax.u32 s7, $0x1;
	s7 =	simm.s32 $0x5080  }
0xf: {  	s14 =	simm.s32 $0x6A80;
	s12 =	sadd.s32 s8, s0;
	s9 =	sadd.s32 s29, s0  }
0x10: {  	s10 =	sshrl.u32 s26, $0x2;
	s0 =	sadd.s32 $0x44A10, s0;
	[dreg:$0x13] =	wrdreg s30  }
0x11: {  	[dreg:$0x6] =	wrdreg s0;
	s8 =	sadd.s32 s10, s3;
	s26 =	sadd.s32 $0x45400, s12  }
0x12: {  	s0 =	sshrl.u32 s16, $0x2;
	s29 =	sadd.s32 $0x95400, s9;
	[dreg:$0x11] =	wrdreg s26  }
0x13: {  	s9 =	simm.s32 $0x5180;
	s13 =	sadd.s32 $0x1800, s8;
	[dreg:$0x12] =	wrdreg s29  }
0x14: {  	s12 =	simm.s32 $0x2;
	s15 =	sadd.s32 $0x3000, s8;
	[dreg:$0x7] =	wrdreg s13  }
0x15: {  	v0 =	vimm.s32 $0xFEDCBA9;
	v1 =	vimm.s32 $0x87654321;
	s10 =	sadd.s32 $0x4800, s8;
	s17 =	sadd.s32 $0x6000, s8;
	[dreg:$0x8] =	wrdreg s15  }
0x16: {  	v2 =	vimm.s32 $0x10FEDCBA;
	v3 =	vimm.s32 $0x98765432;
	s18 =	sadd.s32 $0x7800, s8;
	s19 =	sadd.s32 $0x9000, s8;
	[dreg:$0x9] =	wrdreg s10  }
0x17: {  	v4 =	vimm.s32 $0x3210FEDC;
	v5 =	vimm.s32 $0xBA987654;
	v6 =	vimm.s32 $0xFEDCBA98;
	s16 =	sadd.s32 s0, s5;
	s0 =	sadd.s32 s22, s3;
	[dreg:$0xa] =	wrdreg s17  }
0x18: {  	v7 =	vimm.s32 $0x76543210;
	v0 =	vunpack.c.l.s4.s8 v0;
	v1 =	vunpack.c.l.s4.s8 v1;
	s5 =	sadd.s32 s24, s5;
	s13 =	smul.u32 $0x6C00, s11;
	[dreg:$0xb] =	wrdreg s18  }
0x19: {  	v2 =	vunpack.c.l.s4.s8 v2;
	v3 =	vunpack.c.l.s4.s8 v3;
	v4 =	vunpack.c.l.s4.s8 v4;
	[dreg:$0xc] =	wrdreg s19;
	s24 =	sshrl.u32 s0, $0x3;
	s26 =	sadd.s32 $0x80, s16  }
0x1a: {  	v5 =	vunpack.c.l.s4.s8 v5;
	v6 =	vunpack.c.l.s4.s8 v6;
	v7 =	vunpack.c.l.s4.s8 v7;
	s28 =	sadd.s32 $0x100, s16;
	s0 =	simm.s32 $0x2800;
	s11 =	sshrl.u32 s13, $0x3  }
0x1b: {  	v0 =	vunpack.c.0.s8.s32 v0;
	v1 =	vunpack.c.0.s8.s32 v1;
	v2 =	vunpack.c.0.s8.s32 v2;
	s10 =	simm.s32 $0x1;
	s21 =	sadd.s32 s1, s11;
	s23 =	sor.u32 $0x10, s11  }
.Ltmp0:
0x1c: {  	v3 =	vunpack.c.0.s8.s32 v3;
	v4 =	vunpack.c.0.s8.s32 v4;
	v5 =	vunpack.c.0.s8.s32 v5;
	s11 =	sadd.s32 s6, s11;
	[dreg:$0xd] =	wrdreg s21;
	(pc) =	sbr.rel .LBB2_1-.Ltmp0, $4  }
0x1d: {  	v6 =	vunpack.c.0.s8.s32 v6;
	v1 =	vcombine.low v1, v0;
	s15 =	simm.s32 $0x4;
	[dreg:$0xe] =	wrdreg s11;
	s25 =	sadd.s32 s1, s23  }
0x1e: {  	v2 =	vcombine.low v3, v2;
	v3 =	vcombine.low v5, v4;
	v4 =	vunpack.c.0.s8.s32 v7;
	s17 =	simm.s32 $0x6;
	s3 =	sadd.s32 s6, s23;
	[dreg:$0xf] =	wrdreg s25  }
0x1f: {  	v0 =	vimm.f32 $0.0e+00;
	v5 =	vand.u32 $0xF, v6;
	v1 =	vand.u32 $0xF, v1;
	s18 =	simm.s32 $0x0;
	s11 =	simm.s32 $0x5;
	[dreg:$0x10] =	wrdreg s3  }
0x20: {  	v2 =	vand.u32 $0xF, v2;
	v3 =	vand.u32 $0xF, v3;
	v4 =	vcombine.low v5, v4;
	s25 =	sshrl.u32 s5, $0x3;
	s3 =	simm.s32 $0x5280;
	s5 =	simm.s32 $0x5200  }
.LBB2_12:
0x21: {  	s19 =	stileid.u32  }
0x22: {  	[bflag:$0x0] =	sbarrier.arrive $0xFFFF;
	s19 =	sshll.u32 s19, $0x6  }
0x23: {  	s20 =	rddreg [dreg:$0x11];
	s19 =	sor.u32 $0x1C07, s19  }
0x24: {  	[hbm:s20], [sflag:s19] =	dma.local [spmem:s24], $0x2800  }
0x25: {  	_ =	swait.ge [sflag:s31], $0x2800  }
0x26: {  	s21 =	simm.s32 $0x20;
	[sflag:s31] =	ssyncset.done $0x0  }
0x27: {  	s22 =	simm.s32 $0x10;
	s29 =	rddreg [dreg:$0x12];
	[sflag:s31] =	ssyncadd.s32 $0xFFFFD800  }
0x28: {  	[hbm:s29@s21], [sflag:s19] =	dma.strided [spmem:s25@s22], $0x50, s10, $0x10   }
0x29: {  	_ =	swait.ge [sflag:s31], $0x50  }
0x2a: {  	s18 =	sadd.s32 $0x1, s18;
	s30 =	rddreg [dreg:$0x13]  }
0x2b: {  	p0 =	sne.s32 s18, s30  }
.Ltmp1:
0x2c: {  	_ = 	snop;
	(pc) =	sbr.rel @!p0 .LBB2_13-.Ltmp1, $3  }
0x2d: {  	_ =	sdelay $0x1  }
0x2e: {  	[sflag:s31] =	ssyncset.done $0x0  }
0x2f: {  	[sflag:s31] =	ssyncadd.s32 $0xFFFFFFB0  }
.LBB2_1:
0x30: {  	s19 =	rddreg [dreg:$0x5];
	s20 =	simm.s32 $0x80;
	s21 =	simm.s32 $0x100  }
0x31: {  	[tilespmem:s2], [sflag:$0x7] =	stream.strided.gather [hbm4b:s19+s20], $0x2800, s21, s20, $0x38;
	[tilespmem:$0x1C500] =	vst v63  }
0x32: {  	_ =	swait.ge [sflag:s31], $0x2800  }
0x33: {  	[sflag:s31] =	ssyncset.done $0x0  }
0x34: {  	s30 =	rddreg [dreg:$0x6];
	[sflag:s31] =	ssyncadd.s32 $0xFFFFD800  }
0x35: {  	[tilespmem:s0], [sflag:$0x7] =	stream.strided.gather [hbm4b:s30+s20], $0x2800, s21, s20, $0x38;
	[tilespmem:$0x1C500] =	vst v63  }
0x36: {  	_ =	swait.ge [sflag:s31], $0x2800  }
0x37: {  	[sflag:s31] =	ssyncset.done $0x0  }
0x38: {  	s19 =	simm.s32 $0x0;
	s20 =	simm.s32 $0x200;
	[sflag:s31] =	ssyncadd.s32 $0xFFFFD800  }
.LBB2_2:
0x39: {  	p0 =	sne.s32 s20, $0x5E00;
	[tilespmem:s19+$0x52F0] =	vst v0  }
0x3a: {  	[tilespmem:s19+$0x5280] =	vst v0  }
0x3b: {  	[tilespmem:s19+$0x5290] =	vst v0  }
.Ltmp2:
0x3c: {  	[tilespmem:s19+$0x52A0] =	vst v0;
	(pc) =	sbr.rel @p0 .LBB2_2-.Ltmp2, $4  }
0x3d: {  	[tilespmem:s19+$0x52B0] =	vst v0  }
0x3e: {  	[tilespmem:s19+$0x52C0] =	vst v0  }
0x3f: {  	[tilespmem:s19+$0x52D0] =	vst v0  }
0x40: {  	[tilespmem:s19+$0x52E0] =	vst v0;
	s19 =	sshra.s32 s20, $0x2;
	s20 =	sadd.s32 $0x200, s20  }
0x41: {  	[tilespmem:s19+$0x52F0] =	vst v0  }
0x42: {  	[tilespmem:s19+$0x5280] =	vst v0  }
0x43: {  	[tilespmem:s19+$0x5290] =	vst v0  }
0x44: {  	[tilespmem:s19+$0x52A0] =	vst v0  }
0x45: {  	[tilespmem:s19+$0x52B0] =	vst v0  }
0x46: {  	[tilespmem:s19+$0x52C0] =	vst v0  }
0x47: {  	[tilespmem:s19+$0x52D0] =	vst v0  }
0x48: {  	[tilespmem:s19+$0x52E0] =	vst v0  }
0x49: {  	[spmem:s8] =	stream.linear.scatter [tilespmem:s3], [sflag:$0x7], $0x1800, $0x38;
	[tilespmem:$0x1C500] =	vst v63  }
0x4a: {  	_ =	swait.ge [sflag:s31], $0x1800  }
0x4b: {  	[sflag:s31] =	ssyncset.done $0x0  }
0x4c: {  	s20 =	rddreg [dreg:$0x7];
	[sflag:s31] =	ssyncadd.s32 $0xFFFFE800  }
0x4d: {  	[spmem:s20] =	stream.linear.scatter [tilespmem:s3], [sflag:$0x7], $0x1800, $0x38;
	[tilespmem:$0x1C500] =	vst v63  }
0x4e: {  	_ =	swait.ge [sflag:s31], $0x1800  }
0x4f: {  	[sflag:s31] =	ssyncset.done $0x0  }
0x50: {  	s21 =	rddreg [dreg:$0x8];
	[sflag:s31] =	ssyncadd.s32 $0xFFFFE800  }
0x51: {  	[spmem:s21] =	stream.linear.scatter [tilespmem:s3], [sflag:$0x7], $0x1800, $0x38;
	[tilespmem:$0x1C500] =	vst v63  }
0x52: {  	_ =	swait.ge [sflag:s31], $0x1800  }
0x53: {  	[sflag:s31] =	ssyncset.done $0x0  }
0x54: {  	s22 =	rddreg [dreg:$0x9];
	[sflag:s31] =	ssyncadd.s32 $0xFFFFE800  }
0x55: {  	[spmem:s22] =	stream.linear.scatter [tilespmem:s3], [sflag:$0x7], $0x1800, $0x38;
	[tilespmem:$0x1C500] =	vst v63  }
0x56: {  	_ =	swait.ge [sflag:s31], $0x1800  }
0x57: {  	[sflag:s31] =	ssyncset.done $0x0  }
0x58: {  	s23 =	rddreg [dreg:$0xa];
	[sflag:s31] =	ssyncadd.s32 $0xFFFFE800  }
0x59: {  	[spmem:s23] =	stream.linear.scatter [tilespmem:s3], [sflag:$0x7], $0x1800, $0x38;
	[tilespmem:$0x1C500] =	vst v63  }
0x5a: {  	_ =	swait.ge [sflag:s31], $0x1800  }
0x5b: {  	[sflag:s31] =	ssyncset.done $0x0  }
0x5c: {  	s29 =	rddreg [dreg:$0xb];
	[sflag:s31] =	ssyncadd.s32 $0xFFFFE800  }
0x5d: {  	[spmem:s29] =	stream.linear.scatter [tilespmem:s3], [sflag:$0x7], $0x1800, $0x38;
	[tilespmem:$0x1C500] =	vst v63  }
0x5e: {  	_ =	swait.ge [sflag:s31], $0x1800  }
0x5f: {  	[sflag:s31] =	ssyncset.done $0x0  }
0x60: {  	s30 =	rddreg [dreg:$0xc];
	[sflag:s31] =	ssyncadd.s32 $0xFFFFE800  }
0x61: {  	[spmem:s30] =	stream.linear.scatter [tilespmem:s3], [sflag:$0x7], $0x1000, $0x38;
	[tilespmem:$0x1C500] =	vst v63  }
0x62: {  	_ =	swait.ge [sflag:s31], $0x1000  }
0x63: {  	[sflag:s31] =	ssyncset.done $0x0  }
0x64: {  	[sflag:s31] =	ssyncadd.s32 $0xFFFFF000  }
0x65: {  	[spmem:s16] =	stream.linear.scatter [tilespmem:s3], [sflag:$0x7], $0x80, $0x38;
	[tilespmem:$0x1C500] =	vst v63  }
0x66: {  	_ =	swait.ge [sflag:s31], $0x80  }
0x67: {  	[sflag:s31] =	ssyncset.done $0x0  }
0x68: {  	[sflag:s31] =	ssyncadd.s32 $0xFFFFFF80  }
0x69: {  	[spmem:s26] =	stream.linear.scatter [tilespmem:s3], [sflag:$0x7], $0x80, $0x38;
	[tilespmem:$0x1C500] =	vst v63  }
0x6a: {  	_ =	swait.ge [sflag:s31], $0x80  }
0x6b: {  	[sflag:s31] =	ssyncset.done $0x0  }
0x6c: {  	[sflag:s31] =	ssyncadd.s32 $0xFFFFFF80  }
0x6d: {  	[spmem:s28] =	stream.linear.scatter [tilespmem:s3], [sflag:$0x7], $0x40, $0x38;
	[tilespmem:$0x1C500] =	vst v63  }
0x6e: {  	_ =	swait.ge [sflag:s31], $0x40  }
0x6f: {  	[sflag:s31] =	ssyncset.done $0x0  }
0x70: {  	[sflag:s31] =	ssyncadd.s32 $0xFFFFFFC0  }
0x71: {  	s20 =	simm.s32 $0x0;
	[bflag:$0x0] =	sbarrier.arrive $0xFFFF  }
0x72: {  	v5 =	vimm.f32 $-1.000000020e+30;
	s19 =	simm.s32 $0x40;
	v6 =	vld [tilespmem:s20+$0x0]  }
.LBB2_4:
0x73: {  	p0 =	sne.s32 s19, $0x9FC0  }
.Ltmp3:
0x74: {  	_ = 	snop;
	(pc) =	sbr.rel @p0 .LBB2_4-.Ltmp3, $3  }
0x75: {  	_ =	sdelay $0x1  }
0x76: {  	s20 =	sshra.s32 s19, $0x2;
	s19 =	sadd.s32 $0x40, s19;
	v5 =	vmax.f32 v5, v6  }
0x77: {  	v6 =	vld [tilespmem:s20+$0x0]  }
0x78: {  	_ =	sdelay $0x3  }
0x79: {  	v5 =	vmax.f32 v5, v6  }
0x7a: {  	[tilespmem:$0x5200] =	vst v5  }
0x7b: {  	v6 =	vld.idx.msk [tilespmem:v1+s5+$0x0], $0xffff;
	_ =	sdelay $0x4  }
0x7c: {  	v5 =	vmax.f32 v5, v6  }
0x7d: {  	[tilespmem:$0x5200] =	vst v5  }
0x7e: {  	v6 =	vld.idx.msk [tilespmem:v2+s5+$0x0], $0xffff;
	_ =	sdelay $0x4  }
0x7f: {  	v5 =	vmax.f32 v5, v6  }
0x80: {  	[tilespmem:$0x5200] =	vst v5  }
0x81: {  	v6 =	vld.idx.msk [tilespmem:v3+s5+$0x0], $0xffff;
	_ =	sdelay $0x4  }
0x82: {  	v5 =	vmax.f32 v5, v6  }
0x83: {  	s19 =	simm.s32 $0x0;
	s20 =	rddreg [dreg:$0xd];
	s21 =	simm.s32 $0x5000;
	[tilespmem:$0x5200] =	vst v5  }
0x84: {  	v6 =	vld.idx.msk [tilespmem:v4+s5+$0x0], $0xffff;
	[tilespmem:s21], [sflag:$0x1] =	stream.linear.gather [hbm4b:s20+s19], $0x80, $0x38  }
0x85: {  	s22 =	rddreg [dreg:$0xe];
	s23 =	simm.s32 $0x5100  }
0x86: {  	[tilespmem:s23], [sflag:$0x3] =	stream.linear.gather [hbm4b:s22+s19], $0x80, $0x38;
	[tilespmem:$0x1C500] =	vst v63  }
0x87: {  	s29 =	rddreg [dreg:$0xf]  }
0x88: {  	[tilespmem:s7], [sflag:$0x2] =	stream.linear.gather [hbm4b:s29+s19], $0x80, $0x38;
	[tilespmem:$0x1C500] =	vst v63  }
0x89: {  	s30 =	rddreg [dreg:$0x10]  }
0x8a: {  	[tilespmem:s9], [sflag:$0x4] =	stream.linear.gather [hbm4b:s30+s19], $0x80, $0x38;
	[tilespmem:$0x1C500] =	vst v63  }
0x8b: {  	_ =	swait.ge [sflag:s10], $0x80  }
0x8c: {  	[sflag:s10] =	ssyncset.done $0x0  }
0x8d: {  	[sflag:s10] =	ssyncadd.s32 $0xFFFFFF80  }
0x8e: {  	v5 =	vmax.f32 v5, v6;
	[tilespmem:s3], [sflag:$0x5] =	stream.linear.gather [hbm4b:s4+s19], $0x1800, $0x38;
	[tilespmem:$0x1C500] =	vst v63  }
.LBB2_6:
0x8f: {  	s20 =	simm.s32 $0x3  }
0x90: {  	_ =	swait.ge [sflag:s20], $0x80  }
0x91: {  	[sflag:s20] =	ssyncset.done $0x0  }
0x92: {  	[sflag:s20] =	ssyncadd.s32 $0xFFFFFF80  }
0x93: {  	_ =	swait.ge [sflag:s11], $0x1800  }
0x94: {  	[sflag:s11] =	ssyncset.done $0x0  }
0x95: {  	[sflag:s11] =	ssyncadd.s32 $0xFFFFE800  }
0x96: {  	v6 =	vld [tilespmem:$0x5000]  }
0x97: {  	v7 =	vld [tilespmem:$0x5100];
	_ =	sdelay $0x6  }
0x98: {  	v6 =	vld.idx.msk [tilespmem:v6+s2+$0x0], $0xffff  }
0x99: {  	v7 =	vld.idx.msk [tilespmem:v7+s0+$0x0], $0xffff;
	_ =	sdelay $0x4  }
0x9a: {  	v6 =	vadd.f32 v7, v6;
	v7 =	vadd.f32 v7, v5;
	_ =	sdelay $0x1  }
0x9b: {  	v8 =	vmul.f32 $2.000000030e-01, v6;
	v9 =	vmul.f32 $2.000000030e-01, v7  }
0x9c: {  	vm0 =	vgt.f32 v6, $0.0e+00;
	vm1 =	vgt.f32 v7, $0.0e+00  }
0x9d: {  	v6 =	vsel vm0, v6, v8;
	v7 =	vsel vm1, v7, v9  }
0x9e: {  	v6 =	vsub.f32 v6, v7;
	_ =	sdelay $0x1  }
0x9f: {  	v6 =	vmul.f32 $1.442695020e+00, v6;
	_ =	sdelay $0x1  }
0xa0: {  	(erf) = vpow2.f32 v6;
	_ =	sdelay $0x2  }
0xa1: {  	v6 =	vld [tilespmem:$0x5010]  }
0xa2: {  	v7 =	vld [tilespmem:$0x5110];
	_ =	sdelay $0x4  }
0xa3: {  	v8 =	vpop (erf)  }
0xa4: {  	[tilespmem:$0x5200] =	vst v8  }
0xa5: {  	v6 =	vld.idx.msk [tilespmem:v6+s2+$0x0], $0xffff  }
0xa6: {  	v7 =	vld.idx.msk [tilespmem:v7+s0+$0x0], $0xffff;
	_ =	sdelay $0x4  }
0xa7: {  	v6 =	vadd.f32 v7, v6;
	v7 =	vadd.f32 v7, v5;
	_ =	sdelay $0x1  }
0xa8: {  	v8 =	vmul.f32 $2.000000030e-01, v6;
	v9 =	vmul.f32 $2.000000030e-01, v7  }
0xa9: {  	vm12 =	vgt.f32 v6, $0.0e+00;
	vm13 =	vgt.f32 v7, $0.0e+00  }
0xaa: {  	v6 =	vsel vm12, v6, v8;
	v7 =	vsel vm13, v7, v9  }
0xab: {  	v6 =	vsub.f32 v6, v7;
	_ =	sdelay $0x1  }
0xac: {  	v6 =	vmul.f32 $1.442695020e+00, v6;
	_ =	sdelay $0x1  }
0xad: {  	(erf) = vpow2.f32 v6;
	_ =	sdelay $0x2  }
0xae: {  	v6 =	vld [tilespmem:$0x5020]  }
0xaf: {  	v7 =	vld [tilespmem:$0x5120];
	_ =	sdelay $0x4  }
0xb0: {  	v8 =	vpop (erf)  }
0xb1: {  	[tilespmem:$0x5210] =	vst v8  }
0xb2: {  	v6 =	vld.idx.msk [tilespmem:v6+s2+$0x0], $0xffff  }
0xb3: {  	v7 =	vld.idx.msk [tilespmem:v7+s0+$0x0], $0xffff;
	_ =	sdelay $0x4  }
0xb4: {  	v6 =	vadd.f32 v7, v6;
	v7 =	vadd.f32 v7, v5;
	_ =	sdelay $0x1  }
0xb5: {  	v8 =	vmul.f32 $2.000000030e-01, v6;
	v9 =	vmul.f32 $2.000000030e-01, v7  }
0xb6: {  	vm14 =	vgt.f32 v6, $0.0e+00;
	vm15 =	vgt.f32 v7, $0.0e+00  }
0xb7: {  	v6 =	vsel vm14, v6, v8;
	v7 =	vsel vm15, v7, v9  }
0xb8: {  	v6 =	vsub.f32 v6, v7;
	_ =	sdelay $0x1  }
0xb9: {  	v6 =	vmul.f32 $1.442695020e+00, v6;
	_ =	sdelay $0x1  }
0xba: {  	(erf) = vpow2.f32 v6;
	_ =	sdelay $0x8  }
0xbb: {  	v6 =	vpop (erf)  }
0xbc: {  	s21 =	simm.s32 $0x5380;
	[tilespmem:$0x5220] =	vst v6  }
0xbd: {  	v8 =	vld [tilespmem:s21+$0xFFFFFFF0]  }
0xbe: {  	v9 =	vld [tilespmem:s21+$0xF0]  }
0xbf: {  	v7 =	vld [tilespmem:s21+$0xB0]  }
0xc0: {  	v10 =	vld [tilespmem:s21+$0xFFFFFFC0]  }
0xc1: {  	v11 =	vld [tilespmem:s21+$0x40]  }
0xc2: {  	v12 =	vld [tilespmem:s21+$0xFFFFFF50]  }
0xc3: {  	v13 =	vld [tilespmem:s21+$0xFFFFFFD0]  }
0xc4: {  	v14 =	vld [tilespmem:s21+$0x50]  }
0xc5: {  	v17 =	vld [tilespmem:s21+$0xD0]  }
0xc6: {  	v19 =	vld [tilespmem:s21+$0xFFFFFF60]  }
0xc7: {  	s22 =	simm.s32 $0x0;
	v15 =	vmov s20;
	v22 =	vld [tilespmem:s21+$0x60]  }
0xc8: {  	s29 =	simm.s32 $0x1;
	v6 =	vmov s22;
	v23 =	vld [tilespmem:s21+$0xE0]  }
0xc9: {  	s30 =	simm.s32 $0x2;
	v16 =	vmov s29;
	v6 =	vand.u32 $0xFFFFFFFC, v6;
	v24 =	vld [tilespmem:s21+$0xFFFFFF70]  }
0xca: {  	v27 =	vld [tilespmem:s21+$0xA0];
	v18 =	vbroadcast v6, $0x0;
	v6 =	vand.u32 $0xFFFFFFFD, v16;
	v16 =	vmov s30  }
0xcb: {  	v28 =	vld [tilespmem:s21+$0xFFFFFF30];
	v20 =	vbroadcast v6, $0x0;
	v6 =	vand.u32 $0xFFFFFFFE, v16  }
0xcc: {  	v21 =	vbroadcast v6, $0x0;
	v6 =	vld.idx.msk [tilespmem:v15+s5+$0x0], $0xffff  }
0xcd: {  	v29 =	vld [tilespmem:s21+$0xFFFFFF20]  }
0xce: {  	v30 =	vld [tilespmem:s21+$0x10]  }
0xcf: {  	v62 =	vld [tilespmem:s21+$0xFFFFFF80]  }
0xd0: {  	v25 =	vld.idx.msk [tilespmem:v18+s5+$0x0], $0xffff  }
0xd1: {  	v16 =	vld [tilespmem:s21+$0xFFFFFFE0];
	v17 =	vmul.f32 v17, v6  }
0xd2: {  	v26 =	vld.idx.msk [tilespmem:v20+s5+$0x0], $0xffff;
	v23 =	vmul.f32 v23, v6  }
0xd3: {  	v7 =	vmul.f32 v7, v6;
	v21 =	vld.idx.msk [tilespmem:v21+s5+$0x0], $0xffff;
	[tilespmem:s21+$0xD0] =	vst v17  }
0xd4: {  	v63 =	vld [tilespmem:s21+$0xFFFFFF00];
	v9 =	vmul.f32 v9, v6;
	[tilespmem:s21+$0xE0] =	vst v23  }
0xd5: {  	v15 =	vld [tilespmem:s21+$0x70];
	[tilespmem:s21+$0xB0] =	vst v7;
	v12 =	vmul.f32 v12, v25  }
0xd6: {  	v20 =	vld [tilespmem:s21+$0xFFFFFFB0];
	[tilespmem:s21+$0xF0] =	vst v9;
	v17 =	vmul.f32 v19, v25  }
0xd7: {  	v18 =	vld [tilespmem:s21+$0x30];
	v10 =	vmul.f32 v10, v26;
	[tilespmem:s21+$0xFFFFFF50] =	vst v12  }
0xd8: {  	v23 =	vld [tilespmem:s21+$0xFFFFFFA0];
	v16 =	vmul.f32 v16, v26;
	[tilespmem:s21+$0xFFFFFF60] =	vst v17  }
0xd9: {  	v19 =	vld [tilespmem:s21+$0x20];
	v31 =	vmul.f32 v8, v26;
	v8 =	vmul.f32 v24, v25;
	[tilespmem:s21+$0xFFFFFFC0] =	vst v10  }
0xda: {  	v12 =	vmul.f32 v13, v26;
	v17 =	vld [tilespmem:s21+$0x90];
	v13 =	vmul.f32 v14, v21;
	[tilespmem:s21+$0xFFFFFFE0] =	vst v16  }
0xdb: {  	v14 =	vmul.f32 v20, v26;
	v7 =	vmul.f32 v22, v21;
	v22 =	vld [tilespmem:s21+$0x80];
	[tilespmem:s21+$0xFFFFFF70] =	vst v8  }
0xdc: {  	v10 =	vmul.f32 v11, v21;
	v11 =	vmul.f32 v18, v21;
	v18 =	vld [tilespmem:s21+$0xFFFFFF10];
	[tilespmem:s21+$0xFFFFFFD0] =	vst v12  }
0xdd: {  	v27 =	vmul.f32 v27, v6;
	v12 =	vld [tilespmem:s21+$0xFFFFFF90];
	[tilespmem:s21+$0x50] =	vst v13  }
0xde: {  	v15 =	vmul.f32 v15, v21;
	[tilespmem:s21+$0xFFFFFFB0] =	vst v14;
	v13 =	vmul.f32 v23, v26;
	v23 =	vld [tilespmem:s21+$0xFFFFFF40]  }
0xdf: {  	v16 =	vmul.f32 v30, v21;
	[tilespmem:s21+$0x30] =	vst v11;
	v11 =	vmul.f32 v19, v21;
	v19 =	vld [tilespmem:s21+$0x0]  }
0xe0: {  	v8 =	vmul.f32 v62, v26;
	[tilespmem:s21+$0x40] =	vst v10;
	v10 =	vmul.f32 v28, v25  }
0xe1: {  	v20 =	vld [tilespmem:s21+$0xC0];
	[tilespmem:s21+$0x70] =	vst v15;
	v15 =	vmul.f32 v29, v25;
	v14 =	vmul.f32 v17, v6  }
0xe2: {  	[tilespmem:s21+$0xFFFFFF30] =	vst v10;
	v10 =	vmul.f32 v63, v25;
	v18 =	vmul.f32 v18, v25  }
0xe3: {  	[tilespmem:s21+$0xA0] =	vst v27;
	v17 =	vmul.f32 v12, v26;
	v12 =	vmul.f32 v22, v6  }
0xe4: {  	s20 =	simm.s32 $0x7;
	s22 =	simm.s32 $0x5580;
	[tilespmem:s21+$0xFFFFFFF0] =	vst v31;
	v9 =	vmul.f32 v19, v21;
	v19 =	vmul.f32 v23, v25  }
.LBB2_7:
0xe5: {  	s29 =	sadd.s32 $0xFFFFFFFD, s20  }
0xe6: {  	v21 =	vmov s20;
	v22 =	vld [tilespmem:s22+$0xFFFFFFF0];
	p0 =	sne.s32 s20, $0x2F;
	[tilespmem:s21+$0x20] =	vst v11;
	v6 =	vmul.f32 v20, v6;
	s23 =	smov.u32 s20;
	s20 =	sadd.s32 $0x4, s20  }
0xe7: {  	v11 =	vmov s29;
	s29 =	sadd.s32 $0xFFFFFFFE, s23;
	v20 =	vld [tilespmem:s22+$0xF0];
	[tilespmem:s21+$0xFFFFFFA0] =	vst v13  }
0xe8: {  	s23 =	sadd.s32 $0xFFFFFFFF, s23;
	v11 =	vand.u32 $0xFFFFFFFC, v11;
	v13 =	vmov s29;
	v23 =	vld [tilespmem:s22+$0xB0];
	[tilespmem:s21+$0xFFFFFF20] =	vst v15  }
0xe9: {  	v15 =	vmov s23;
	v11 =	vbroadcast v11, $0x0;
	v13 =	vand.u32 $0xFFFFFFFD, v13;
	v24 =	vld [tilespmem:s22+$0xFFFFFFC0];
	[tilespmem:s21+$0x90] =	vst v14  }
0xea: {  	v14 =	vand.u32 $0xFFFFFFFE, v15;
	v13 =	vbroadcast v13, $0x0;
	v15 =	vld [tilespmem:s22+$0x40];
	[tilespmem:s21+$0x10] =	vst v16  }
0xeb: {  	v14 =	vbroadcast v14, $0x0;
	v16 =	vld [tilespmem:s22+$0xFFFFFF50];
	[tilespmem:s21+$0xFFFFFF90] =	vst v17  }
0xec: {  	v17 =	vld [tilespmem:s22+$0xFFFFFFD0];
	[tilespmem:s21+$0xFFFFFF10] =	vst v18  }
0xed: {  	v18 =	vld [tilespmem:s22+$0x50];
	[tilespmem:s21+$0xFFFFFF40] =	vst v19  }
0xee: {  	v19 =	vld [tilespmem:s22+$0xD0];
	[tilespmem:s21+$0x80] =	vst v12  }
0xef: {  	v12 =	vld [tilespmem:s22+$0xFFFFFF60];
	[tilespmem:s21+$0x60] =	vst v7  }
0xf0: {  	v25 =	vld [tilespmem:s22+$0xFFFFFFE0];
	[tilespmem:s21+$0xC0] =	vst v6  }
0xf1: {  	v7 =	vld [tilespmem:s22+$0x60];
	[tilespmem:s21+$0x0] =	vst v9  }
0xf2: {  	v9 =	vld [tilespmem:s22+$0xE0];
	[tilespmem:s21+$0xFFFFFF80] =	vst v8  }
0xf3: {  	v8 =	vld [tilespmem:s22+$0xFFFFFF70];
	[tilespmem:s21+$0xFFFFFF00] =	vst v10;
	s21 =	smov.u32 s22  }
0xf4: {  	v6 =	vld.idx.msk [tilespmem:v21+s5+$0x0], $0xffff  }
0xf5: {  	v21 =	vld.idx.msk [tilespmem:v11+s5+$0x0], $0xffff  }
0xf6: {  	v10 =	vld.idx.msk [tilespmem:v13+s5+$0x0], $0xffff  }
0xf7: {  	v26 =	vld.idx.msk [tilespmem:v14+s5+$0x0], $0xffff  }
0xf8: {  	v11 =	vld [tilespmem:s22+$0x70]  }
0xf9: {  	v13 =	vld [tilespmem:s22+$0x30]  }
0xfa: {  	v19 =	vmul.f32 v19, v6;
	v9 =	vmul.f32 v9, v6;
	v14 =	vld [tilespmem:s22+$0xFFFFFFB0]  }
0xfb: {  	v16 =	vmul.f32 v16, v21;
	v12 =	vmul.f32 v12, v21;
	v27 =	vld [tilespmem:s22+$0xFFFFFF30]  }
0xfc: {  	v24 =	vmul.f32 v24, v10;
	v17 =	vmul.f32 v17, v10;
	v28 =	vld [tilespmem:s22+$0xA0];
	[tilespmem:s22+$0xD0] =	vst v19  }
0xfd: {  	v23 =	vmul.f32 v23, v6;
	v15 =	vmul.f32 v15, v26;
	v19 =	vld [tilespmem:s22+$0x20];
	[tilespmem:s22+$0xE0] =	vst v9  }
0xfe: {  	v9 =	vld [tilespmem:s22+$0xFFFFFFA0];
	v29 =	vmul.f32 v13, v26;
	[tilespmem:s22+$0xFFFFFF50] =	vst v16;
	v16 =	vmul.f32 v18, v26  }
0xff: {  	v7 =	vmul.f32 v7, v26;
	v18 =	vld [tilespmem:s22+$0xFFFFFF20];
	v30 =	vmul.f32 v14, v10;
	[tilespmem:s22+$0xFFFFFF60] =	vst v12  }
0x100: {  	v12 =	vld [tilespmem:s22+$0x90];
	v27 =	vmul.f32 v27, v21;
	[tilespmem:s22+$0xFFFFFFC0] =	vst v24;
	v24 =	vmul.f32 v11, v26  }
0x101: {  	v25 =	vmul.f32 v25, v10;
	v31 =	vld [tilespmem:s22+$0x10];
	v28 =	vmul.f32 v28, v6;
	[tilespmem:s22+$0xFFFFFFD0] =	vst v17  }
0x102: {  	v17 =	vld [tilespmem:s22+$0xFFFFFF90];
	v11 =	vmul.f32 v19, v26;
	[tilespmem:s22+$0xB0] =	vst v23;
	v19 =	vmul.f32 v22, v10  }
0x103: {  	v8 =	vmul.f32 v8, v21;
	v22 =	vld [tilespmem:s22+$0xFFFFFF10];
	v13 =	vmul.f32 v9, v10;
	[tilespmem:s22+$0x40] =	vst v15  }
0x104: {  	v23 =	vmul.f32 v20, v6;
	v9 =	vld [tilespmem:s22+$0x80];
	v15 =	vmul.f32 v18, v21;
	[tilespmem:s22+$0x30] =	vst v29  }
0x105: {  	v29 =	vld [tilespmem:s22+$0x0];
	v14 =	vmul.f32 v12, v6;
	[tilespmem:s22+$0x50] =	vst v16  }
0x106: {  	v32 =	vld [tilespmem:s22+$0xFFFFFF80];
	v16 =	vmul.f32 v31, v26;
	[tilespmem:s22+$0xFFFFFFB0] =	vst v30  }
0x107: {  	v30 =	vld [tilespmem:s22+$0xFFFFFF00];
	v17 =	vmul.f32 v17, v10;
	[tilespmem:s22+$0x70] =	vst v24  }
0x108: {  	v18 =	vmul.f32 v22, v21;
	v22 =	vld [tilespmem:s22+$0xFFFFFF40];
	[tilespmem:s22+$0xFFFFFFE0] =	vst v25  }
.Ltmp4:
0x109: {  	v12 =	vmul.f32 v9, v6;
	v20 =	vld [tilespmem:s22+$0xC0];
	[tilespmem:s22+$0xFFFFFF70] =	vst v8;
	(pc) =	sbr.rel @p0 .LBB2_7-.Ltmp4, $4  }
0x10a: {  	v9 =	vmul.f32 v29, v26;
	[tilespmem:s22+$0xF0] =	vst v23  }
0x10b: {  	v8 =	vmul.f32 v32, v10;
	[tilespmem:s22+$0xFFFFFF30] =	vst v27  }
0x10c: {  	v10 =	vmul.f32 v30, v21;
	[tilespmem:s22+$0xFFFFFFF0] =	vst v19  }
0x10d: {  	s22 =	sadd.s32 $0x200, s22;
	[tilespmem:s21+$0xA0] =	vst v28;
	v19 =	vmul.f32 v22, v21  }
0x10e: {  	[tilespmem:s21+$0x20] =	vst v11  }
0x10f: {  	[tilespmem:s21+$0xFFFFFFA0] =	vst v13  }
0x110: {  	[tilespmem:s21+$0xFFFFFF20] =	vst v15  }
0x111: {  	[tilespmem:s21+$0x90] =	vst v14  }
0x112: {  	[tilespmem:s21+$0x10] =	vst v16  }
0x113: {  	[tilespmem:s21+$0xFFFFFF90] =	vst v17  }
0x114: {  	[tilespmem:s21+$0xFFFFFF10] =	vst v18  }
0x115: {  	s20 =	sshll.u32 s19, $0x8;
	p0 =	seq.s32 s19, $0x68;
	[tilespmem:s21+$0x80] =	vst v12  }
0x116: {  	[tilespmem:s21+$0x60] =	vst v7;
	s22 =	sadd.s32 @!p0 $0x100, s20  }
0x117: {  	[tilespmem:s21+$0x0] =	vst v9;
	s23 =	sand.u32 @!p0 $0xFC00, s22  }
0x118: {  	[tilespmem:s21+$0xFFFFFF80] =	vst v8;
	s22 =	sand.u32 @!p0 $0x300, s22;
	s23 =	sadd.s32 @!p0 s13, s23  }
0x119: {  	v6 =	vmul.f32 v20, v6;
	[tilespmem:s21+$0xFFFFFF00] =	vst v10;
	s22 =	sor.u32 @!p0 s22, s23  }
0x11a: {  	[tilespmem:s21+$0xFFFFFF40] =	vst v19;
	s22 =	sshrl.u32 @!p0 s22, $0x3  }
0x11b: {  	s29 =	simm.s32 @!p0 $0x5000;
	[tilespmem:s21+$0xC0] =	vst v6;
	s23 =	simm.s32 @!p0 $0x0;
	s21 =	sadd.s32 @!p0 s1, s22  }
0x11c: {  	[tilespmem:s29], [sflag:$0x1] =	stream.linear.gather @!p0 [hbm4b:s21+s23], $0x80, $0x38;
	[tilespmem:$0x1C500] =	vst v63  }
0x11d: {  	s21 =	sadd.s32 @!p0 s6, s22;
	s22 =	simm.s32 @!p0 $0x5100  }
0x11e: {  	[tilespmem:s22], [sflag:$0x3] =	stream.linear.gather @!p0 [hbm4b:s21+s23], $0x80, $0x38;
	[tilespmem:$0x1C500] =	vst v63  }
0x11f: {  	_ =	swait.ge [sflag:s12], $0x80  }
0x120: {  	[sflag:s12] =	ssyncset.done $0x0  }
0x121: {  	[sflag:s12] =	ssyncadd.s32 $0xFFFFFF80  }
0x122: {  	[tilespmem:s14], [sflag:$0x6] =	stream.linear.gather [hbm4b:s4+s2], $0x1800, $0x38;
	[tilespmem:$0x1C500] =	vst v63  }
0x123: {  	_ =	swait.ge [sflag:s15], $0x80  }
0x124: {  	[sflag:s15] =	ssyncset.done $0x0  }
0x125: {  	[sflag:s15] =	ssyncadd.s32 $0xFFFFFF80  }
0x126: {  	_ =	swait.ge [sflag:s17], $0x1800  }
0x127: {  	[sflag:s17] =	ssyncset.done $0x0  }
0x128: {  	[sflag:s17] =	ssyncadd.s32 $0xFFFFE800  }
0x129: {  	v6 =	vld [tilespmem:$0x5080]  }
0x12a: {  	v7 =	vld [tilespmem:$0x5180];
	_ =	sdelay $0x6  }
0x12b: {  	v6 =	vld.idx.msk [tilespmem:v6+s2+$0x0], $0xffff  }
0x12c: {  	v7 =	vld.idx.msk [tilespmem:v7+s0+$0x0], $0xffff;
	_ =	sdelay $0x4  }
0x12d: {  	v6 =	vadd.f32 v7, v6;
	v7 =	vadd.f32 v7, v5;
	_ =	sdelay $0x1  }
0x12e: {  	v8 =	vmul.f32 $2.000000030e-01, v6;
	v9 =	vmul.f32 $2.000000030e-01, v7  }
0x12f: {  	vm0 =	vgt.f32 v6, $0.0e+00;
	vm1 =	vgt.f32 v7, $0.0e+00  }
0x130: {  	v6 =	vsel vm0, v6, v8;
	v7 =	vsel vm1, v7, v9  }
0x131: {  	v6 =	vsub.f32 v6, v7;
	_ =	sdelay $0x1  }
0x132: {  	v6 =	vmul.f32 $1.442695020e+00, v6;
	_ =	sdelay $0x1  }
0x133: {  	(erf) = vpow2.f32 v6;
	_ =	sdelay $0x2  }
0x134: {  	v6 =	vld [tilespmem:$0x5090]  }
0x135: {  	v7 =	vld [tilespmem:$0x5190];
	_ =	sdelay $0x4  }
0x136: {  	v8 =	vpop (erf)  }
0x137: {  	[tilespmem:$0x5200] =	vst v8  }
0x138: {  	v6 =	vld.idx.msk [tilespmem:v6+s2+$0x0], $0xffff  }
0x139: {  	v7 =	vld.idx.msk [tilespmem:v7+s0+$0x0], $0xffff;
	_ =	sdelay $0x4  }
0x13a: {  	v6 =	vadd.f32 v7, v6;
	v7 =	vadd.f32 v7, v5;
	_ =	sdelay $0x1  }
0x13b: {  	v8 =	vmul.f32 $2.000000030e-01, v6;
	v9 =	vmul.f32 $2.000000030e-01, v7  }
0x13c: {  	vm12 =	vgt.f32 v6, $0.0e+00;
	vm13 =	vgt.f32 v7, $0.0e+00  }
0x13d: {  	v6 =	vsel vm12, v6, v8;
	v7 =	vsel vm13, v7, v9  }
0x13e: {  	v6 =	vsub.f32 v6, v7;
	_ =	sdelay $0x1  }
0x13f: {  	v6 =	vmul.f32 $1.442695020e+00, v6;
	_ =	sdelay $0x1  }
0x140: {  	(erf) = vpow2.f32 v6;
	_ =	sdelay $0x2  }
0x141: {  	v6 =	vld [tilespmem:$0x50A0]  }
0x142: {  	v7 =	vld [tilespmem:$0x51A0];
	_ =	sdelay $0x4  }
0x143: {  	v8 =	vpop (erf)  }
0x144: {  	[tilespmem:$0x5210] =	vst v8  }
0x145: {  	v6 =	vld.idx.msk [tilespmem:v6+s2+$0x0], $0xffff  }
0x146: {  	v7 =	vld.idx.msk [tilespmem:v7+s0+$0x0], $0xffff;
	_ =	sdelay $0x4  }
0x147: {  	v6 =	vadd.f32 v7, v6;
	v7 =	vadd.f32 v7, v5;
	_ =	sdelay $0x1  }
0x148: {  	v8 =	vmul.f32 $2.000000030e-01, v6;
	v9 =	vmul.f32 $2.000000030e-01, v7  }
0x149: {  	vm14 =	vgt.f32 v6, $0.0e+00;
	vm15 =	vgt.f32 v7, $0.0e+00  }
0x14a: {  	v6 =	vsel vm14, v6, v8;
	v7 =	vsel vm15, v7, v9  }
0x14b: {  	v6 =	vsub.f32 v6, v7;
	_ =	sdelay $0x1  }
0x14c: {  	v6 =	vmul.f32 $1.442695020e+00, v6;
	_ =	sdelay $0x1  }
0x14d: {  	(erf) = vpow2.f32 v6;
	_ =	sdelay $0x8  }
0x14e: {  	v6 =	vpop (erf)  }
0x14f: {  	s21 =	simm.s32 $0x6C70;
	[tilespmem:$0x5220] =	vst v6  }
0x150: {  	v7 =	vld [tilespmem:s21+$0xFFFFFF00]  }
0x151: {  	v8 =	vld [tilespmem:s21+$0x0]  }
0x152: {  	v9 =	vld [tilespmem:s21+$0xFFFFFFC0]  }
0x153: {  	v10 =	vld [tilespmem:s21+$0xFFFFFED0]  }
0x154: {  	v11 =	vld [tilespmem:s21+$0xFFFFFF50]  }
0x155: {  	v12 =	vld [tilespmem:s21+$0xFFFFFE60]  }
0x156: {  	v13 =	vld [tilespmem:s21+$0xFFFFFEE0]  }
0x157: {  	v14 =	vld [tilespmem:s21+$0xFFFFFF60]  }
0x158: {  	v17 =	vld [tilespmem:s21+$0xFFFFFFE0]  }
0x159: {  	s23 =	simm.s32 $0x3;
	v19 =	vld [tilespmem:s21+$0xFFFFFE70]  }
0x15a: {  	s30 =	simm.s32 $0x0;
	v15 =	vmov s23;
	v22 =	vld [tilespmem:s21+$0xFFFFFF70]  }
0x15b: {  	v6 =	vmov s30;
	s30 =	simm.s32 $0x1;
	v23 =	vld [tilespmem:s21+$0xFFFFFFF0]  }
0x15c: {  	v6 =	vand.u32 $0xFFFFFFFC, v6;
	v16 =	vmov s30;
	s30 =	simm.s32 $0x2;
	v24 =	vld [tilespmem:s21+$0xFFFFFE80]  }
0x15d: {  	v27 =	vld [tilespmem:s21+$0xFFFFFFB0];
	v18 =	vbroadcast v6, $0x0;
	v6 =	vand.u32 $0xFFFFFFFD, v16;
	v16 =	vmov s30  }
0x15e: {  	v28 =	vld [tilespmem:s21+$0xFFFFFE40];
	v20 =	vbroadcast v6, $0x0;
	v6 =	vand.u32 $0xFFFFFFFE, v16  }
0x15f: {  	v21 =	vbroadcast v6, $0x0;
	v6 =	vld.idx.msk [tilespmem:v15+s5+$0x0], $0xffff  }
0x160: {  	v29 =	vld [tilespmem:s21+$0xFFFFFEA0]  }
0x161: {  	v30 =	vld [tilespmem:s21+$0xFFFFFF90]  }
0x162: {  	v63 =	vld [tilespmem:s21+$0xFFFFFF10]  }
0x163: {  	v31 =	vld [tilespmem:s21+$0xFFFFFE50]  }
0x164: {  	v25 =	vld.idx.msk [tilespmem:v18+s5+$0x0], $0xffff;
	v17 =	vmul.f32 v17, v6  }
0x165: {  	v26 =	vld.idx.msk [tilespmem:v20+s5+$0x0], $0xffff;
	v23 =	vmul.f32 v23, v6  }
0x166: {  	v9 =	vmul.f32 v9, v6;
	v21 =	vld.idx.msk [tilespmem:v21+s5+$0x0], $0xffff;
	[tilespmem:s21+$0xFFFFFFE0] =	vst v17  }
0x167: {  	v16 =	vld [tilespmem:s21+$0xFFFFFEF0];
	v8 =	vmul.f32 v8, v6;
	[tilespmem:s21+$0xFFFFFFF0] =	vst v23  }
0x168: {  	v20 =	vld [tilespmem:s21+$0xFFFFFEC0];
	v27 =	vmul.f32 v27, v6;
	[tilespmem:s21+$0xFFFFFFC0] =	vst v9  }
0x169: {  	v15 =	vld [tilespmem:s21+$0xFFFFFF80];
	[tilespmem:s21+$0x0] =	vst v8;
	v12 =	vmul.f32 v12, v25  }
0x16a: {  	v18 =	vld [tilespmem:s21+$0xFFFFFF40];
	[tilespmem:s21+$0xFFFFFFB0] =	vst v27;
	v17 =	vmul.f32 v19, v25  }
0x16b: {  	v23 =	vld [tilespmem:s21+$0xFFFFFEB0];
	v7 =	vmul.f32 v7, v26;
	[tilespmem:s21+$0xFFFFFE60] =	vst v12  }
0x16c: {  	v19 =	vld [tilespmem:s21+$0xFFFFFF30];
	v10 =	vmul.f32 v10, v26;
	[tilespmem:s21+$0xFFFFFE70] =	vst v17  }
0x16d: {  	v12 =	vld [tilespmem:s21+$0xFFFFFE30];
	v9 =	vmul.f32 v11, v21;
	v11 =	vmul.f32 v20, v26;
	[tilespmem:s21+$0xFFFFFF00] =	vst v7  }
0x16e: {  	v24 =	vmul.f32 v24, v25;
	v17 =	vld [tilespmem:s21+$0xFFFFFFA0];
	v20 =	vmul.f32 v28, v25;
	[tilespmem:s21+$0xFFFFFED0] =	vst v10  }
0x16f: {  	v7 =	vmul.f32 v18, v21;
	v18 =	vld [tilespmem:s21+$0xFFFFFF20];
	v10 =	vmul.f32 v14, v21;
	[tilespmem:s21+$0xFFFFFEC0] =	vst v11  }
0x170: {  	v14 =	vmul.f32 v15, v21;
	[tilespmem:s21+$0xFFFFFF50] =	vst v9;
	v11 =	vmul.f32 v23, v26;
	v23 =	vld [tilespmem:s21+$0xFFFFFE10]  }
0x171: {  	v15 =	vmul.f32 v13, v26;
	[tilespmem:s21+$0xFFFFFF40] =	vst v7;
	v7 =	vmul.f32 v22, v21;
	v22 =	vld [tilespmem:s21+$0xFFFFFE20]  }
0x172: {  	v9 =	vmul.f32 v16, v26;
	[tilespmem:s21+$0xFFFFFF60] =	vst v10;
	v10 =	vmul.f32 v19, v21;
	v19 =	vld [tilespmem:s21+$0xFFFFFE90]  }
0x173: {  	[tilespmem:s21+$0xFFFFFE40] =	vst v20;
	v16 =	vmul.f32 v29, v26;
	v13 =	vmul.f32 v12, v25  }
0x174: {  	v20 =	vld [tilespmem:s21+$0xFFFFFFD0];
	[tilespmem:s21+$0xFFFFFF80] =	vst v14;
	v14 =	vmul.f32 v17, v6;
	v12 =	vmul.f32 v63, v21  }
0x175: {  	[tilespmem:s21+$0xFFFFFEE0] =	vst v15;
	v15 =	vmul.f32 v18, v21;
	v18 =	vmul.f32 v30, v6  }
0x176: {  	[tilespmem:s21+$0xFFFFFEF0] =	vst v9;
	v9 =	vmul.f32 v23, v25;
	v17 =	vmul.f32 v22, v25  }
0x177: {  	s29 =	simm.s32 $0x6E70;
	s22 =	simm.s32 $0x7;
	[tilespmem:s21+$0xFFFFFE80] =	vst v24;
	v8 =	vmul.f32 v19, v26;
	v19 =	vmul.f32 v31, v25  }
.LBB2_9:
0x178: {  	s23 =	sadd.s32 $0xFFFFFFFD, s22  }
0x179: {  	v21 =	vmov s22;
	v22 =	vld [tilespmem:s29+$0xFFFFFF00];
	p1 =	sne.s32 s22, $0x2F;
	[tilespmem:s21+$0xFFFFFF30] =	vst v10;
	v6 =	vmul.f32 v20, v6;
	s30 =	smov.u32 s22;
	s22 =	sadd.s32 $0x4, s22  }
0x17a: {  	v10 =	vmov s23;
	s23 =	sadd.s32 $0xFFFFFFFE, s30;
	v20 =	vld [tilespmem:s29+$0x0];
	[tilespmem:s21+$0xFFFFFEB0] =	vst v11  }
0x17b: {  	v10 =	vand.u32 $0xFFFFFFFC, v10;
	v11 =	vmov s23;
	s23 =	sadd.s32 $0xFFFFFFFF, s30;
	v23 =	vld [tilespmem:s29+$0xFFFFFFC0];
	[tilespmem:s21+$0xFFFFFE30] =	vst v13  }
0x17c: {  	v10 =	vbroadcast v10, $0x0;
	v11 =	vand.u32 $0xFFFFFFFD, v11;
	v13 =	vmov s23;
	v24 =	vld [tilespmem:s29+$0xFFFFFED0];
	[tilespmem:s21+$0xFFFFFFA0] =	vst v14  }
0x17d: {  	v11 =	vbroadcast v11, $0x0;
	v13 =	vand.u32 $0xFFFFFFFE, v13;
	v14 =	vld [tilespmem:s29+$0xFFFFFF50];
	[tilespmem:s21+$0xFFFFFF20] =	vst v15  }
0x17e: {  	v13 =	vbroadcast v13, $0x0;
	v15 =	vld [tilespmem:s29+$0xFFFFFE60];
	[tilespmem:s21+$0xFFFFFEA0] =	vst v16  }
0x17f: {  	v16 =	vld [tilespmem:s29+$0xFFFFFEE0];
	[tilespmem:s21+$0xFFFFFE20] =	vst v17  }
0x180: {  	v17 =	vld [tilespmem:s29+$0xFFFFFF60];
	[tilespmem:s21+$0xFFFFFF90] =	vst v18  }
0x181: {  	v18 =	vld [tilespmem:s29+$0xFFFFFFE0];
	[tilespmem:s21+$0xFFFFFF70] =	vst v7  }
0x182: {  	v7 =	vld [tilespmem:s29+$0xFFFFFE70];
	[tilespmem:s21+$0xFFFFFE50] =	vst v19  }
0x183: {  	v19 =	vld [tilespmem:s29+$0xFFFFFEF0];
	[tilespmem:s21+$0xFFFFFF10] =	vst v12  }
0x184: {  	v12 =	vld [tilespmem:s29+$0xFFFFFF70];
	[tilespmem:s21+$0xFFFFFFD0] =	vst v6  }
0x185: {  	v25 =	vld [tilespmem:s29+$0xFFFFFFF0];
	[tilespmem:s21+$0xFFFFFE90] =	vst v8  }
0x186: {  	v8 =	vld [tilespmem:s29+$0xFFFFFE80];
	[tilespmem:s21+$0xFFFFFE10] =	vst v9;
	s21 =	smov.u32 s29  }
0x187: {  	v6 =	vld.idx.msk [tilespmem:v21+s5+$0x0], $0xffff  }
0x188: {  	v21 =	vld.idx.msk [tilespmem:v10+s5+$0x0], $0xffff  }
0x189: {  	v9 =	vld.idx.msk [tilespmem:v11+s5+$0x0], $0xffff  }
0x18a: {  	v26 =	vld.idx.msk [tilespmem:v13+s5+$0x0], $0xffff  }
0x18b: {  	v10 =	vld [tilespmem:s29+$0xFFFFFF80]  }
0x18c: {  	v11 =	vld [tilespmem:s29+$0xFFFFFF40]  }
0x18d: {  	v18 =	vmul.f32 v18, v6;
	v25 =	vmul.f32 v25, v6;
	v13 =	vld [tilespmem:s29+$0xFFFFFEC0]  }
0x18e: {  	v15 =	vmul.f32 v15, v21;
	v7 =	vmul.f32 v7, v21;
	v27 =	vld [tilespmem:s29+$0xFFFFFE40]  }
0x18f: {  	v24 =	vmul.f32 v24, v9;
	v28 =	vld [tilespmem:s29+$0xFFFFFFB0];
	[tilespmem:s29+$0xFFFFFFE0] =	vst v18;
	v18 =	vmul.f32 v22, v9  }
0x190: {  	v23 =	vmul.f32 v23, v6;
	v29 =	vmul.f32 v14, v26;
	v22 =	vld [tilespmem:s29+$0xFFFFFF30];
	[tilespmem:s29+$0xFFFFFFF0] =	vst v25  }
0x191: {  	v14 =	vld [tilespmem:s29+$0xFFFFFEB0];
	v25 =	vmul.f32 v11, v26;
	[tilespmem:s29+$0xFFFFFE60] =	vst v15;
	v15 =	vmul.f32 v17, v26  }
0x192: {  	v17 =	vld [tilespmem:s29+$0xFFFFFE30];
	v30 =	vmul.f32 v13, v9;
	[tilespmem:s29+$0xFFFFFE70] =	vst v7;
	v7 =	vmul.f32 v12, v26  }
0x193: {  	v12 =	vld [tilespmem:s29+$0xFFFFFFA0];
	v27 =	vmul.f32 v27, v21;
	[tilespmem:s29+$0xFFFFFF00] =	vst v18;
	v18 =	vmul.f32 v10, v26  }
0x194: {  	v31 =	vld [tilespmem:s29+$0xFFFFFF20];
	v28 =	vmul.f32 v28, v6;
	[tilespmem:s29+$0xFFFFFED0] =	vst v24;
	v24 =	vmul.f32 v16, v9  }
0x195: {  	v19 =	vmul.f32 v19, v9;
	v16 =	vld [tilespmem:s29+$0xFFFFFEA0];
	v10 =	vmul.f32 v22, v26;
	[tilespmem:s29+$0xFFFFFFC0] =	vst v23  }
0x196: {  	v8 =	vmul.f32 v8, v21;
	v22 =	vld [tilespmem:s29+$0xFFFFFE20];
	v11 =	vmul.f32 v14, v9;
	[tilespmem:s29+$0xFFFFFF40] =	vst v25  }
0x197: {  	v25 =	vmul.f32 v20, v6;
	v23 =	vld [tilespmem:s29+$0xFFFFFF90];
	v13 =	vmul.f32 v17, v21;
	[tilespmem:s29+$0xFFFFFF60] =	vst v15  }
0x198: {  	v32 =	vld [tilespmem:s29+$0xFFFFFF10];
	v14 =	vmul.f32 v12, v6;
	[tilespmem:s29+$0xFFFFFEC0] =	vst v30  }
0x199: {  	v30 =	vld [tilespmem:s29+$0xFFFFFE90];
	v15 =	vmul.f32 v31, v26;
	[tilespmem:s29+$0xFFFFFF50] =	vst v29  }
0x19a: {  	v29 =	vld [tilespmem:s29+$0xFFFFFE10];
	v16 =	vmul.f32 v16, v9;
	[tilespmem:s29+$0xFFFFFF80] =	vst v18  }
0x19b: {  	v17 =	vmul.f32 v22, v21;
	v22 =	vld [tilespmem:s29+$0xFFFFFE50];
	[tilespmem:s29+$0xFFFFFEE0] =	vst v24  }
.Ltmp5:
0x19c: {  	v18 =	vmul.f32 v23, v6;
	[tilespmem:s29+$0xFFFFFE40] =	vst v27;
	v20 =	vld [tilespmem:s29+$0xFFFFFFD0];
	(pc) =	sbr.rel @p1 .LBB2_9-.Ltmp5, $4  }
0x19d: {  	v12 =	vmul.f32 v32, v26;
	[tilespmem:s29+$0xFFFFFE80] =	vst v8  }
0x19e: {  	v8 =	vmul.f32 v30, v9;
	[tilespmem:s29+$0x0] =	vst v25  }
0x19f: {  	v9 =	vmul.f32 v29, v21;
	[tilespmem:s29+$0xFFFFFEF0] =	vst v19  }
0x1a0: {  	s29 =	sadd.s32 $0x200, s29;
	[tilespmem:s21+$0xFFFFFFB0] =	vst v28;
	v19 =	vmul.f32 v22, v21  }
0x1a1: {  	[tilespmem:s21+$0xFFFFFF30] =	vst v10  }
0x1a2: {  	[tilespmem:s21+$0xFFFFFEB0] =	vst v11  }
0x1a3: {  	[tilespmem:s21+$0xFFFFFE30] =	vst v13  }
0x1a4: {  	[tilespmem:s21+$0xFFFFFFA0] =	vst v14  }
0x1a5: {  	[tilespmem:s21+$0xFFFFFF20] =	vst v15  }
0x1a6: {  	[tilespmem:s21+$0xFFFFFEA0] =	vst v16  }
0x1a7: {  	[tilespmem:s21+$0xFFFFFE20] =	vst v17  }
0x1a8: {  	[tilespmem:s21+$0xFFFFFF90] =	vst v18  }
0x1a9: {  	[tilespmem:s21+$0xFFFFFF70] =	vst v7  }
.Ltmp6:
0x1aa: {  	[tilespmem:s21+$0xFFFFFF10] =	vst v12;
	(pc) =	sbr.rel @p0 .LBB2_12-.Ltmp6, $4  }
0x1ab: {  	[tilespmem:s21+$0xFFFFFE90] =	vst v8  }
0x1ac: {  	v6 =	vmul.f32 v20, v6;
	[tilespmem:s21+$0xFFFFFE10] =	vst v9  }
0x1ad: {  	[tilespmem:s21+$0xFFFFFE50] =	vst v19  }
0x1ae: {  	[tilespmem:s21+$0xFFFFFFD0] =	vst v6  }
0x1af: {  	s20 =	sadd.s32 $0x180, s20  }
0x1b0: {  	s21 =	sand.u32 $0xFC00, s20  }
0x1b1: {  	s20 =	sand.u32 $0x380, s20;
	s21 =	sadd.s32 s13, s21  }
0x1b2: {  	s20 =	sor.u32 s20, s21  }
0x1b3: {  	s20 =	sshrl.u32 s20, $0x3  }
0x1b4: {  	s30 =	sadd.s32 s1, s20  }
0x1b5: {  	[tilespmem:s7], [sflag:$0x2] =	stream.linear.gather [hbm4b:s30+s2], $0x80, $0x38;
	[tilespmem:$0x1C500] =	vst v63  }
0x1b6: {  	s20 =	sadd.s32 s6, s20  }
0x1b7: {  	[tilespmem:s9], [sflag:$0x4] =	stream.linear.gather [hbm4b:s20+s2], $0x80, $0x38;
	[tilespmem:$0x1C500] =	vst v63  }
.Ltmp7:
0x1b8: {  	_ = 	snop;
	(pc) =	sbr.rel .LBB2_6-.Ltmp7, $4  }
0x1b9: {  	_ =	swait.ge [sflag:s10], $0x80  }
0x1ba: {  	[sflag:s10] =	ssyncset.done $0x0  }
0x1bb: {  	s19 =	sadd.s32 $0x1, s19;
	[sflag:s10] =	ssyncadd.s32 $0xFFFFFF80  }
0x1bc: {  	[tilespmem:s3], [sflag:$0x5] =	stream.linear.gather [hbm4b:s4+s2], $0x1800, $0x38;
	[tilespmem:$0x1C500] =	vst v63  }
.LBB2_13:
0x1bd: {  	_ =	sfence.sel $0x180000  }
0x1be: {  	[bflag:$0x0] =	sbarrier.arrive $0xFFFF  }
0x1bf: {  	_ =	strace $0x90000047  }
0x1c0: {  	s0 =	stileid.u32;
	[bflag:$0x2] =	sbarrier.arrive $0xFFFF  }
0x1c1: {  	p0 =	sne.s32 s0, $0x0;
	s0 =	rddreg [dreg:$0x4]  }
0x1c2: {  	s0 =	sadd.s32 @!p0 $0x100000, s0  }
0x1c3: {  	[sflag:s0] =	ssyncadd.tile.s32 @!p0 $0x1;
	_ =	shalt  }
.Lfunc_end2:
_tile_overlayer_lowered:
.L_overlay_start_2:
0x1c4: {  	(tag) =	ssettag $0x2  }
0x1c5: {  	s0 =	rddreg [dreg:$0x0];
	s2 =	stileid.u32  }
0x1c6: {  	s1 =	rddreg [dreg:$0x1];
	p0 =	sne.s32 s2, $0x0  }
0x1c7: {  	s3 =	rddreg [dreg:$0x2];
	[bflag:$0x3] =	sbarrier.arrive $0xFFFF;
	s2 =	simm.s32 @!p0 $0x1C07  }
0x1c8: {  	[timem:s3], [sflag:s2] =	dma.local @!p0 [hbm:s0], s1  }
0x1c9: {  	s0 =	simm.s32 @!p0 $0x7  }
0x1ca: {  	_ =	swait.ge @!p0 [sflag:s0], s1  }
0x1cb: {  	s1 =	ssub.s32 @!p0 $0x0, s1;
	[sflag:s0] =	ssyncset.done @!p0 $0x0  }
0x1cc: {  	[sflag:s0] =	ssyncadd.s32 @!p0 s1  }
0x1cd: {  	[bflag:$0x3] =	sbarrier.arrive $0xFFFF  }
0x1ce: {  	_ =	shalt  }

</sc_bundles>
